<compile_context>
chip_gen: v7x
topology: tpu7x:2x2x1
jax: 0.10.2.dev20260603
libtpu: 0.0.44.dev20260713+nightly
codegen_flags: <defaults>
</compile_context>

<pallas_src>
import functools

import jax
import jax.numpy as jnp
from jax import lax
from jax.experimental import pallas as pl
from jax.experimental.pallas import tpu as pltpu
from jax.experimental.pallas import tpu_sc as plsc

_B, _N, _F, _S, _OUT = 4, 10000, 128, 32, 128
_GBLK = 128
_NPAD = 10048
_CBLK_PAD = _S * _NPAD // _GBLK
_IDX_PAD = 2520
_MPAD = _CBLK_PAD * _GBLK
_NQ = 2
_BLK = 1000


@functools.lru_cache(maxsize=None)
def _make_sc_gather():
    info = plsc.get_sparse_core_info()
    nc, ns = info.num_cores, info.num_subcores
    nw = nc * ns
    noct = _CBLK_PAD // 8
    base_o = noct // nw
    rem = noct - base_o * nw
    slab = 8 * (base_o + 1)

    mesh = plsc.VectorSubcoreMesh(core_axis_name="c", subcore_axis_name="s")

    @functools.partial(
        pl.kernel,
        mesh=mesh,
        out_type=jax.ShapeDtypeStruct((_MPAD, _F), jnp.float32),
        scratch_types=[
            pltpu.VMEM_SHARED((_N, _F), jnp.float32),
            pltpu.VMEM((slab, _GBLK), jnp.int32),
            pltpu.VMEM((_NQ, _GBLK, _F), jnp.float32),
            pltpu.SemaphoreType.DMA((_NQ,)),
            pltpu.SemaphoreType.DMA((_NQ,)),
        ],
    )
    def sc_gather(table_hbm, idx_hbm, out_hbm, table_sp, idx_slab, rows_v,
                  gsem, ssem):
        cid = lax.axis_index("c")
        sid = lax.axis_index("s")
        wid = sid * nc + cid
        ostart = wid * base_o + jnp.minimum(wid, rem)
        nquads = (8 // _NQ) * (base_o + (wid < rem).astype(jnp.int32))
        blk0 = ostart * 8

        pltpu.sync_copy(idx_hbm.at[pl.ds(blk0, slab)], idx_slab)

        @pl.when(sid == 0)
        def _():
            pltpu.sync_copy(table_hbm, table_sp)

        plsc.subcore_barrier()

        def body(t, carry):
            @pl.when(t > 0)
            def _():
                for k in range(_NQ):
                    pltpu.make_async_copy(
                        rows_v.at[k], out_hbm.at[pl.ds(0, _GBLK)], ssem.at[k]
                    ).wait()

            handles = [
                pltpu.async_copy(
                    table_sp.at[idx_slab.at[_NQ * t + k]],
                    rows_v.at[k],
                    gsem.at[k],
                )
                for k in range(_NQ)
            ]
            for k in range(_NQ):
                handles[k].wait()
                pltpu.async_copy(
                    rows_v.at[k],
                    out_hbm.at[pl.ds((blk0 + _NQ * t + k) * _GBLK, _GBLK)],
                    ssem.at[k],
                )
            return carry

        lax.fori_loop(0, nquads, body, 0, unroll=False)

        for k in range(_NQ):
            pltpu.make_async_copy(
                rows_v.at[k], out_hbm.at[pl.ds(0, _GBLK)], ssem.at[k]
            ).wait()

    return sc_gather


def _mm_body(g_ref, w_ref, b_ref, o_ref):
    acc = jnp.zeros((_BLK, _OUT), jnp.float32)
    for s in range(_S):
        acc += jnp.dot(
            g_ref[s].astype(jnp.bfloat16),
            w_ref[s],
            preferred_element_type=jnp.float32,
        )
    y = acc + b_ref[...]
    y = jnp.where(y > 0, y, jnp.exp(jnp.minimum(y, 0.0)) - 1.0)
    i = pl.program_id(0)
    rows = i * _BLK + lax.broadcasted_iota(jnp.int32, (_BLK, 1), 0)
    o_ref[...] = jnp.where(rows == _N - 1, 0.0, y)


def _tc_matmul(g3, w3, bias):
    return pl.pallas_call(
        _mm_body,
        grid=(_N // _BLK,),
        in_specs=[
            pl.BlockSpec((_S, _BLK, _F), lambda i: (0, i, 0)),
            pl.BlockSpec((_S, _F, _OUT), lambda i: (0, 0, 0)),
            pl.BlockSpec((1, _OUT), lambda i: (0, 0)),
        ],
        out_specs=pl.BlockSpec((_BLK, _OUT), lambda i: (i, 0)),
        out_shape=jax.ShapeDtypeStruct((_N, _OUT), jnp.float32),
        compiler_params=pltpu.CompilerParams(
            dimension_semantics=("arbitrary",),
        ),
    )(g3, w3, bias)


def kernel(x, spiral_adj, W, b):
    adjp = jnp.pad(
        spiral_adj.transpose(0, 2, 1),
        ((0, 0), (0, 0), (0, _NPAD - _N)),
    ).reshape(_B, _CBLK_PAD, _GBLK)
    adjp = jnp.pad(adjp, ((0, 0), (0, _IDX_PAD - _CBLK_PAD), (0, 0)))

    w3 = W.reshape(_S, _F, _OUT).astype(jnp.bfloat16)
    bias = b.reshape(1, _OUT)
    gather = _make_sc_gather()

    outs = []
    for bb in range(_B):
        gathered = gather(x[bb], adjp[bb])
        g3 = gathered.reshape(_S, _NPAD, _F)
        outs.append(_tc_matmul(g3, w3, bias))
    return jnp.stack(outs)

# --- scband reference (transcript-rebuilt; emitter-appended) ---
"""Pipeline reference for scband-spiral-autoencoder-multiz-partkps-71734543778287 (READ-ONLY COPY).

The authoritative reference and input builder live on the scoring server;
editing this copy changes nothing except your own understanding.
"""

import jax, jax.numpy as jnp
import numpy as np

B, N, F, S, OUT = 4, 10000, 128, 32, 128


def setup_inputs(seed: int = 0) -> dict:
    key = jax.random.key(seed)
    k1, k2, k3 = jax.random.split(key, 3)
    x = jax.random.normal(k1, (B, N, F), dtype=jnp.float32)
    spiral_adj = jax.random.randint(k2, (B, N, S), 0, N).astype(jnp.int32)
    fan_in = F * S
    W = jax.random.normal(k3, (fan_in, OUT), dtype=jnp.float32) * (1.0 / np.sqrt(fan_in))
    b = jnp.zeros((OUT,), dtype=jnp.float32)
    return {"x": x, "spiral_adj": spiral_adj, "W": W, "b": b}


def reference(x, spiral_adj, W, b):
    # SpiralConv.forward: gather spiral neighborhoods, per-vertex Linear, ELU,
    # then zero out the last (dummy) vertex.
    bsize, num_pts, feats = x.shape
    spiral_size = spiral_adj.shape[-1]
    # batched gather: for each batch b, spirals[b, n*S+s] = x[b, spiral_adj[b,n,s], :]
    gathered = jax.vmap(lambda xb, ab: jnp.take(xb, ab.reshape(-1), axis=0))(x, spiral_adj)
    spirals = gathered.reshape(bsize * num_pts, spiral_size * feats)
    out_feat = spirals @ W + b
    out_feat = jax.nn.elu(out_feat)
    out_feat = out_feat.reshape(bsize, num_pts, -1)
    zero_padding = jnp.ones((1, num_pts, 1), dtype=x.dtype).at[0, -1, 0].set(0.0)
    return out_feat * zero_padding

if __name__ == "__main__":
    import jax
    _d = setup_inputs()
    print(jax.jit(kernel)(*tuple(_d.values())))

</pallas_src>

<mosaic_0001>
#map = affine_map<(d0, d1) -> (0, 0)>
module attributes {stable_mosaic.version = 14 : i64} {
  func.func @sc_gather(%arg0: i32, %arg1: i32, %arg2: memref<10000x128xf32, #tpu.memory_space<hbm>>, %arg3: memref<2520x128xi32, #tpu.memory_space<hbm>>, %arg4: memref<321536x128xf32, #tpu.memory_space<hbm>>, %arg5: memref<10000x128xf32, #tpu.memory_space<vmem_shared>>, %arg6: memref<80x128xi32, #tpu.memory_space<vmem>>, %arg7: memref<2x128x128xf32, #tpu.memory_space<vmem>>, %arg8: memref<2x!tpu.dma_semaphore, #tpu.memory_space<semaphore_mem>>, %arg9: memref<2x!tpu.dma_semaphore, #tpu.memory_space<semaphore_mem>>) attributes {dimension_semantics = [#tpu.dimension_semantics<core_parallel>, #tpu.dimension_semantics<subcore_parallel>], iteration_bounds = array<i64: 2, 16>, scalar_prefetch = 0 : i64, scratch_operands = 5 : i64, tpu.core_type = #tpu.core_type<sc_vector_subcore>, window_params = [{transform_indices = #map}, {transform_indices = #map}, {transform_indices = #map}]} {
    %mul3A = arith.constant 2 : i32
    %mul3A_0 = arith.muli %arg1, %mul3A : i32
    %add3A = arith.addi %mul3A_0, %arg0 : i32
    %mul3A_1 = arith.constant 9 : i32
    %mul3A_2 = arith.muli %add3A, %mul3A_1 : i32
    %min3A = arith.constant 26 : i32
    %min3A_3 = arith.minsi %add3A, %min3A : i32
    %add3A_4 = arith.addi %mul3A_2, %min3A_3 : i32
    %lt3A = arith.constant 26 : i32
    %lt3A_5 = arith.cmpi slt, %add3A, %lt3A : i32
    %convert_element_type3A = arith.extui %lt3A_5 : i1 to i32
    %add3A_6 = arith.constant 9 : i32
    %add3A_7 = arith.addi %add3A_6, %convert_element_type3A : i32
    %mul3A_8 = arith.constant 4 : i32
    %mul3A_9 = arith.muli %mul3A_8, %add3A_7 : i32
    %mul3A_10 = arith.constant 8 : i32
    %mul3A_11 = arith.muli %add3A_4, %mul3A_10 : i32
    "tpu.region"() ({
      %run_scoped3A = tpu.sem_alloc : memref<!tpu.dma_semaphore, #tpu.memory_space<semaphore_mem>>
      %dma_start3A = arith.constant 0 : i32
      %dma_start3A_59 = tpu.memref_slice %arg3[%mul3A_11, %dma_start3A] : memref<2520x128xi32, #tpu.memory_space<hbm>> -> memref<80x128xi32, #tpu.memory_space<hbm>>
      %dma_start3A_60 = arith.constant 0 : i32
      %dma_start3A_61 = tpu.memref_slice %arg3[%mul3A_11, %dma_start3A_60] : memref<2520x128xi32, #tpu.memory_space<hbm>> -> memref<80x128xi32, #tpu.memory_space<hbm>>
      tpu.enqueue_dma source(%dma_start3A_61 : memref<80x128xi32, #tpu.memory_space<hbm>>) target(%arg6 : memref<80x128xi32, #tpu.memory_space<vmem>>) target_semaphore(%run_scoped3A : memref<!tpu.dma_semaphore, #tpu.memory_space<semaphore_mem>>)
      %dma_wait3A_62 = arith.constant 0 : i32
      %dma_wait3A_63 = tpu.memref_slice %arg3[%mul3A_11, %dma_wait3A_62] : memref<2520x128xi32, #tpu.memory_space<hbm>> -> memref<80x128xi32, #tpu.memory_space<hbm>>
      %dma_wait3A_64 = arith.constant 0 : i32
      %dma_wait3A_65 = tpu.memref_slice %arg3[%mul3A_11, %dma_wait3A_64] : memref<2520x128xi32, #tpu.memory_space<hbm>> -> memref<80x128xi32, #tpu.memory_space<hbm>>
      tpu.wait_dma2 semaphore(%run_scoped3A : memref<!tpu.dma_semaphore, #tpu.memory_space<semaphore_mem>>) src(%dma_wait3A_65 : memref<80x128xi32, #tpu.memory_space<hbm>>) dst(%arg6 : memref<80x128xi32, #tpu.memory_space<vmem>>)
      tpu.yield
    }) : () -> ()
    %eq3A = arith.constant 0 : i32
    %eq3A_12 = arith.cmpi eq, %arg1, %eq3A : i32
    %convert_element_type3A_13 = arith.extui %eq3A_12 : i1 to i32
    %cond3A = arith.constant 0 : i32
    %cond3A_14 = arith.cmpi ne, %convert_element_type3A_13, %cond3A : i32
    scf.if %cond3A_14 {
      "tpu.region"() ({
        %run_scoped3A = tpu.sem_alloc : memref<!tpu.dma_semaphore, #tpu.memory_space<semaphore_mem>>
        tpu.enqueue_dma source(%arg2 : memref<10000x128xf32, #tpu.memory_space<hbm>>) target(%arg5 : memref<10000x128xf32, #tpu.memory_space<vmem_shared>>) target_semaphore(%run_scoped3A : memref<!tpu.dma_semaphore, #tpu.memory_space<semaphore_mem>>)
        tpu.wait_dma2 semaphore(%run_scoped3A : memref<!tpu.dma_semaphore, #tpu.memory_space<semaphore_mem>>) src(%arg2 : memref<10000x128xf32, #tpu.memory_space<hbm>>) dst(%arg5 : memref<10000x128xf32, #tpu.memory_space<vmem_shared>>)
        tpu.yield
      }) : () -> ()
    } else {
    }
    %barrier3A = arith.constant 0 : index
    tpu.barrier barrier_id(%barrier3A)
    %while3A = arith.constant 0 : i32
    %while3A_15 = arith.constant 0 : i32
    %while3A_16 = arith.subi %mul3A_9, %while3A_15 : i32
    %while3A_17 = arith.addi %while3A_15, %while3A_16 : i32
    %while3A_18 = arith.constant 1 : i32
    %while3A_19 = arith.divsi %while3A_16, %while3A_18 : i32
    %while3A_20 = arith.muli %while3A_19, %while3A_18 : i32
    %while3A_21 = arith.addi %while3A_15, %while3A_20 : i32
    %while3A_22 = arith.constant 1 : i32
    scf.for %while3A_59 = %while3A_15 to %while3A_21 step %while3A_22  : i32 {
      %gt3A = arith.constant 0 : i32
      %gt3A_60 = arith.cmpi sgt, %while3A_59, %gt3A : i32
      %convert_element_type3A_61 = arith.extui %gt3A_60 : i1 to i32
      %cond3A_62 = arith.constant 0 : i32
      %cond3A_63 = arith.cmpi ne, %convert_element_type3A_61, %cond3A_62 : i32
      scf.if %cond3A_63 {
        %dma_wait3A_173 = arith.constant 0 : i32
        %dma_wait3A_174 = arith.constant 0 : i32
        %dma_wait3A_175 = arith.constant 0 : i32
        %dma_wait3A_176 = arith.constant 0 : i32
        %dma_wait3A_177 = tpu.memref_slice %arg7[%dma_wait3A_173, %dma_wait3A_175, %dma_wait3A_176] : memref<2x128x128xf32, #tpu.memory_space<vmem>> -> memref<1x128x128xf32, #tpu.memory_space<vmem>>
        %dma_wait3A_178 = tpu.memref_squeeze %dma_wait3A_177 : memref<1x128x128xf32, #tpu.memory_space<vmem>> -> memref<128x128xf32, #tpu.memory_space<vmem>>
        %dma_wait3A_179 = arith.constant 0 : i32
        %dma_wait3A_180 = arith.constant 0 : i32
        %dma_wait3A_181 = tpu.memref_slice %arg4[%dma_wait3A_179, %dma_wait3A_180] : memref<321536x128xf32, #tpu.memory_space<hbm>> -> memref<128x128xf32, #tpu.memory_space<hbm>>
        %dma_wait3A_182 = tpu.memref_slice %arg9[%dma_wait3A_174] : memref<2x!tpu.dma_semaphore, #tpu.memory_space<semaphore_mem>> -> memref<1x!tpu.dma_semaphore, #tpu.memory_space<semaphore_mem>>
        %dma_wait3A_183 = tpu.memref_squeeze %dma_wait3A_182 : memref<1x!tpu.dma_semaphore, #tpu.memory_space<semaphore_mem>> -> memref<!tpu.dma_semaphore, #tpu.memory_space<semaphore_mem>>
        %dma_wait3A_184 = arith.constant 0 : i32
        %dma_wait3A_185 = arith.constant 0 : i32
        %dma_wait3A_186 = tpu.memref_slice %arg4[%dma_wait3A_184, %dma_wait3A_185] : memref<321536x128xf32, #tpu.memory_space<hbm>> -> memref<128x128xf32, #tpu.memory_space<hbm>>
        %dma_wait3A_187 = arith.constant 0 : i32
        %dma_wait3A_188 = arith.constant 0 : i32
        %dma_wait3A_189 = tpu.memref_slice %arg7[%dma_wait3A_173, %dma_wait3A_187, %dma_wait3A_188] : memref<2x128x128xf32, #tpu.memory_space<vmem>> -> memref<1x128x128xf32, #tpu.memory_space<vmem>>
        %dma_wait3A_190 = tpu.memref_squeeze %dma_wait3A_189 : memref<1x128x128xf32, #tpu.memory_space<vmem>> -> memref<128x128xf32, #tpu.memory_space<vmem>>
        tpu.wait_dma2 semaphore(%dma_wait3A_183 : memref<!tpu.dma_semaphore, #tpu.memory_space<semaphore_mem>>) src(%dma_wait3A_190 : memref<128x128xf32, #tpu.memory_space<vmem>>) dst(%dma_wait3A_186 : memref<128x128xf32, #tpu.memory_space<hbm>>)
        %dma_wait3A_191 = arith.constant 1 : i32
        %dma_wait3A_192 = arith.constant 1 : i32
        %dma_wait3A_193 = arith.constant 0 : i32
        %dma_wait3A_194 = arith.constant 0 : i32
        %dma_wait3A_195 = tpu.memref_slice %arg7[%dma_wait3A_191, %dma_wait3A_193, %dma_wait3A_194] : memref<2x128x128xf32, #tpu.memory_space<vmem>> -> memref<1x128x128xf32, #tpu.memory_space<vmem>>
        %dma_wait3A_196 = tpu.memref_squeeze %dma_wait3A_195 : memref<1x128x128xf32, #tpu.memory_space<vmem>> -> memref<128x128xf32, #tpu.memory_space<vmem>>
        %dma_wait3A_197 = arith.constant 0 : i32
        %dma_wait3A_198 = arith.constant 0 : i32
        %dma_wait3A_199 = tpu.memref_slice %arg4[%dma_wait3A_197, %dma_wait3A_198] : memref<321536x128xf32, #tpu.memory_space<hbm>> -> memref<128x128xf32, #tpu.memory_space<hbm>>
        %dma_wait3A_200 = tpu.memref_slice %arg9[%dma_wait3A_192] : memref<2x!tpu.dma_semaphore, #tpu.memory_space<semaphore_mem>> -> memref<1x!tpu.dma_semaphore, #tpu.memory_space<semaphore_mem>>
        %dma_wait3A_201 = tpu.memref_squeeze %dma_wait3A_200 : memref<1x!tpu.dma_semaphore, #tpu.memory_space<semaphore_mem>> -> memref<!tpu.dma_semaphore, #tpu.memory_space<semaphore_mem>>
        %dma_wait3A_202 = arith.constant 0 : i32
        %dma_wait3A_203 = arith.constant 0 : i32
        %dma_wait3A_204 = tpu.memref_slice %arg4[%dma_wait3A_202, %dma_wait3A_203] : memref<321536x128xf32, #tpu.memory_space<hbm>> -> memref<128x128xf32, #tpu.memory_space<hbm>>
        %dma_wait3A_205 = arith.constant 0 : i32
        %dma_wait3A_206 = arith.constant 0 : i32
        %dma_wait3A_207 = tpu.memref_slice %arg7[%dma_wait3A_191, %dma_wait3A_205, %dma_wait3A_206] : memref<2x128x128xf32, #tpu.memory_space<vmem>> -> memref<1x128x128xf32, #tpu.memory_space<vmem>>
        %dma_wait3A_208 = tpu.memref_squeeze %dma_wait3A_207 : memref<1x128x128xf32, #tpu.memory_space<vmem>> -> memref<128x128xf32, #tpu.memory_space<vmem>>
        tpu.wait_dma2 semaphore(%dma_wait3A_201 : memref<!tpu.dma_semaphore, #tpu.memory_space<semaphore_mem>>) src(%dma_wait3A_208 : memref<128x128xf32, #tpu.memory_space<vmem>>) dst(%dma_wait3A_204 : memref<128x128xf32, #tpu.memory_space<hbm>>)
      } else {
      }
      %mul3A_64 = arith.constant 2 : i32
      %mul3A_65 = arith.muli %mul3A_64, %while3A_59 : i32
      %add3A_66 = arith.constant 0 : i32
      %add3A_67 = arith.addi %mul3A_65, %add3A_66 : i32
      %dma_start3A = arith.constant 0 : i32
      %dma_start3A_68 = arith.constant 0 : i32
      %dma_start3A_69 = arith.constant 0 : i32
      %dma_start3A_70 = arith.constant 0 : i32
      %dma_start3A_71 = tpu.memref_slice %arg7[%dma_start3A, %dma_start3A_69, %dma_start3A_70] : memref<2x128x128xf32, #tpu.memory_space<vmem>> -> memref<1x128x128xf32, #tpu.memory_space<vmem>>
      %dma_start3A_72 = tpu.memref_squeeze %dma_start3A_71 : memref<1x128x128xf32, #tpu.memory_space<vmem>> -> memref<128x128xf32, #tpu.memory_space<vmem>>
      %dma_start3A_73 = arith.constant 0 : i32
      %dma_start3A_74 = tpu.memref_slice %arg6[%add3A_67, %dma_start3A_73] : memref<80x128xi32, #tpu.memory_space<vmem>> -> memref<1x128xi32, #tpu.memory_space<vmem>>
      %dma_start3A_75 = tpu.memref_squeeze %dma_start3A_74 : memref<1x128xi32, #tpu.memory_space<vmem>> -> memref<128xi32, #tpu.memory_space<vmem>>
      %dma_start3A_76 = arith.constant 0 : i32
      %dma_start3A_77 = arith.constant 0 : i32
      %dma_start3A_78 = tpu.memref_slice %arg5[%dma_start3A_76, %dma_start3A_77] : memref<10000x128xf32, #tpu.memory_space<vmem_shared>> -> memref<10000x128xf32, #tpu.memory_space<vmem_shared>>
      %dma_start3A_79 = tpu.memref_slice %arg8[%dma_start3A_68] : memref<2x!tpu.dma_semaphore, #tpu.memory_space<semaphore_mem>> -> memref<1x!tpu.dma_semaphore, #tpu.memory_space<semaphore_mem>>
      %dma_start3A_80 = tpu.memref_squeeze %dma_start3A_79 : memref<1x!tpu.dma_semaphore, #tpu.memory_space<semaphore_mem>> -> memref<!tpu.dma_semaphore, #tpu.memory_space<semaphore_mem>>
      tpu.enqueue_indirect_dma source(%dma_start3A_78 : memref<10000x128xf32, #tpu.memory_space<vmem_shared>>) target(%dma_start3A_72 : memref<128x128xf32, #tpu.memory_space<vmem>>) offsets(%dma_start3A_75 : memref<128xi32, #tpu.memory_space<vmem>>) semaphore(%dma_start3A_80 : memref<!tpu.dma_semaphore, #tpu.memory_space<semaphore_mem>>)
      %mul3A_81 = arith.constant 2 : i32
      %mul3A_82 = arith.muli %mul3A_81, %while3A_59 : i32
      %add3A_83 = arith.constant 1 : i32
      %add3A_84 = arith.addi %mul3A_82, %add3A_83 : i32
      %dma_start3A_85 = arith.constant 1 : i32
      %dma_start3A_86 = arith.constant 1 : i32
      %dma_start3A_87 = arith.constant 0 : i32
      %dma_start3A_88 = arith.constant 0 : i32
      %dma_start3A_89 = tpu.memref_slice %arg7[%dma_start3A_85, %dma_start3A_87, %dma_start3A_88] : memref<2x128x128xf32, #tpu.memory_space<vmem>> -> memref<1x128x128xf32, #tpu.memory_space<vmem>>
      %dma_start3A_90 = tpu.memref_squeeze %dma_start3A_89 : memref<1x128x128xf32, #tpu.memory_space<vmem>> -> memref<128x128xf32, #tpu.memory_space<vmem>>
      %dma_start3A_91 = arith.constant 0 : i32
      %dma_start3A_92 = tpu.memref_slice %arg6[%add3A_84, %dma_start3A_91] : memref<80x128xi32, #tpu.memory_space<vmem>> -> memref<1x128xi32, #tpu.memory_space<vmem>>
      %dma_start3A_93 = tpu.memref_squeeze %dma_start3A_92 : memref<1x128xi32, #tpu.memory_space<vmem>> -> memref<128xi32, #tpu.memory_space<vmem>>
      %dma_start3A_94 = arith.constant 0 : i32
      %dma_start3A_95 = arith.constant 0 : i32
      %dma_start3A_96 = tpu.memref_slice %arg5[%dma_start3A_94, %dma_start3A_95] : memref<10000x128xf32, #tpu.memory_space<vmem_shared>> -> memref<10000x128xf32, #tpu.memory_space<vmem_shared>>
      %dma_start3A_97 = tpu.memref_slice %arg8[%dma_start3A_86] : memref<2x!tpu.dma_semaphore, #tpu.memory_space<semaphore_mem>> -> memref<1x!tpu.dma_semaphore, #tpu.memory_space<semaphore_mem>>
      %dma_start3A_98 = tpu.memref_squeeze %dma_start3A_97 : memref<1x!tpu.dma_semaphore, #tpu.memory_space<semaphore_mem>> -> memref<!tpu.dma_semaphore, #tpu.memory_space<semaphore_mem>>
      tpu.enqueue_indirect_dma source(%dma_start3A_96 : memref<10000x128xf32, #tpu.memory_space<vmem_shared>>) target(%dma_start3A_90 : memref<128x128xf32, #tpu.memory_space<vmem>>) offsets(%dma_start3A_93 : memref<128xi32, #tpu.memory_space<vmem>>) semaphore(%dma_start3A_98 : memref<!tpu.dma_semaphore, #tpu.memory_space<semaphore_mem>>)
      %dma_wait3A_99 = arith.constant 0 : i32
      %dma_wait3A_100 = arith.constant 0 : i32
      %dma_wait3A_101 = arith.constant 0 : i32
      %dma_wait3A_102 = arith.constant 0 : i32
      %dma_wait3A_103 = tpu.memref_slice %arg7[%dma_wait3A_99, %dma_wait3A_101, %dma_wait3A_102] : memref<2x128x128xf32, #tpu.memory_space<vmem>> -> memref<1x128x128xf32, #tpu.memory_space<vmem>>
      %dma_wait3A_104 = tpu.memref_squeeze %dma_wait3A_103 : memref<1x128x128xf32, #tpu.memory_space<vmem>> -> memref<128x128xf32, #tpu.memory_space<vmem>>
      %dma_wait3A_105 = arith.constant 0 : i32
      %dma_wait3A_106 = tpu.memref_slice %arg6[%add3A_67, %dma_wait3A_105] : memref<80x128xi32, #tpu.memory_space<vmem>> -> memref<1x128xi32, #tpu.memory_space<vmem>>
      %dma_wait3A_107 = tpu.memref_squeeze %dma_wait3A_106 : memref<1x128xi32, #tpu.memory_space<vmem>> -> memref<128xi32, #tpu.memory_space<vmem>>
      %dma_wait3A_108 = arith.constant 0 : i32
      %dma_wait3A_109 = arith.constant 0 : i32
      %dma_wait3A_110 = tpu.memref_slice %arg5[%dma_wait3A_108, %dma_wait3A_109] : memref<10000x128xf32, #tpu.memory_space<vmem_shared>> -> memref<10000x128xf32, #tpu.memory_space<vmem_shared>>
      %dma_wait3A_111 = tpu.memref_slice %arg8[%dma_wait3A_100] : memref<2x!tpu.dma_semaphore, #tpu.memory_space<semaphore_mem>> -> memref<1x!tpu.dma_semaphore, #tpu.memory_space<semaphore_mem>>
      %dma_wait3A_112 = tpu.memref_squeeze %dma_wait3A_111 : memref<1x!tpu.dma_semaphore, #tpu.memory_space<semaphore_mem>> -> memref<!tpu.dma_semaphore, #tpu.memory_space<semaphore_mem>>
      tpu.wait_indirect_dma semaphore(%dma_wait3A_112 : memref<!tpu.dma_semaphore, #tpu.memory_space<semaphore_mem>>) src(%dma_wait3A_110 : memref<10000x128xf32, #tpu.memory_space<vmem_shared>>) dst(%dma_wait3A_104 : memref<128x128xf32, #tpu.memory_space<vmem>>)
      %mul3A_113 = arith.constant 2 : i32
      %mul3A_114 = arith.muli %mul3A_113, %while3A_59 : i32
      %add3A_115 = arith.addi %mul3A_11, %mul3A_114 : i32
      %add3A_116 = arith.constant 0 : i32
      %add3A_117 = arith.addi %add3A_115, %add3A_116 : i32
      %mul3A_118 = arith.constant 128 : i32
      %mul3A_119 = arith.muli %add3A_117, %mul3A_118 : i32
      %dma_start3A_120 = arith.constant 0 : i32
      %dma_start3A_121 = arith.constant 0 : i32
      %dma_start3A_122 = arith.constant 0 : i32
      %dma_start3A_123 = arith.constant 0 : i32
      %dma_start3A_124 = tpu.memref_slice %arg7[%dma_start3A_120, %dma_start3A_122, %dma_start3A_123] : memref<2x128x128xf32, #tpu.memory_space<vmem>> -> memref<1x128x128xf32, #tpu.memory_space<vmem>>
      %dma_start3A_125 = tpu.memref_squeeze %dma_start3A_124 : memref<1x128x128xf32, #tpu.memory_space<vmem>> -> memref<128x128xf32, #tpu.memory_space<vmem>>
      %dma_start3A_126 = arith.constant 0 : i32
      %dma_start3A_127 = tpu.memref_slice %arg4[%mul3A_119, %dma_start3A_126] : memref<321536x128xf32, #tpu.memory_space<hbm>> -> memref<128x128xf32, #tpu.memory_space<hbm>>
      %dma_start3A_128 = tpu.memref_slice %arg9[%dma_start3A_121] : memref<2x!tpu.dma_semaphore, #tpu.memory_space<semaphore_mem>> -> memref<1x!tpu.dma_semaphore, #tpu.memory_space<semaphore_mem>>
      %dma_start3A_129 = tpu.memref_squeeze %dma_start3A_128 : memref<1x!tpu.dma_semaphore, #tpu.memory_space<semaphore_mem>> -> memref<!tpu.dma_semaphore, #tpu.memory_space<semaphore_mem>>
      %dma_start3A_130 = arith.constant 0 : i32
      %dma_start3A_131 = tpu.memref_slice %arg4[%mul3A_119, %dma_start3A_130] : memref<321536x128xf32, #tpu.memory_space<hbm>> -> memref<128x128xf32, #tpu.memory_space<hbm>>
      %dma_start3A_132 = arith.constant 0 : i32
      %dma_start3A_133 = arith.constant 0 : i32
      %dma_start3A_134 = tpu.memref_slice %arg7[%dma_start3A_120, %dma_start3A_132, %dma_start3A_133] : memref<2x128x128xf32, #tpu.memory_space<vmem>> -> memref<1x128x128xf32, #tpu.memory_space<vmem>>
      %dma_start3A_135 = tpu.memref_squeeze %dma_start3A_134 : memref<1x128x128xf32, #tpu.memory_space<vmem>> -> memref<128x128xf32, #tpu.memory_space<vmem>>
      tpu.enqueue_dma source(%dma_start3A_135 : memref<128x128xf32, #tpu.memory_space<vmem>>) target(%dma_start3A_131 : memref<128x128xf32, #tpu.memory_space<hbm>>) target_semaphore(%dma_start3A_129 : memref<!tpu.dma_semaphore, #tpu.memory_space<semaphore_mem>>)
      %dma_wait3A_136 = arith.constant 1 : i32
      %dma_wait3A_137 = arith.constant 1 : i32
      %dma_wait3A_138 = arith.constant 0 : i32
      %dma_wait3A_139 = arith.constant 0 : i32
      %dma_wait3A_140 = tpu.memref_slice %arg7[%dma_wait3A_136, %dma_wait3A_138, %dma_wait3A_139] : memref<2x128x128xf32, #tpu.memory_space<vmem>> -> memref<1x128x128xf32, #tpu.memory_space<vmem>>
      %dma_wait3A_141 = tpu.memref_squeeze %dma_wait3A_140 : memref<1x128x128xf32, #tpu.memory_space<vmem>> -> memref<128x128xf32, #tpu.memory_space<vmem>>
      %dma_wait3A_142 = arith.constant 0 : i32
      %dma_wait3A_143 = tpu.memref_slice %arg6[%add3A_84, %dma_wait3A_142] : memref<80x128xi32, #tpu.memory_space<vmem>> -> memref<1x128xi32, #tpu.memory_space<vmem>>
      %dma_wait3A_144 = tpu.memref_squeeze %dma_wait3A_143 : memref<1x128xi32, #tpu.memory_space<vmem>> -> memref<128xi32, #tpu.memory_space<vmem>>
      %dma_wait3A_145 = arith.constant 0 : i32
      %dma_wait3A_146 = arith.constant 0 : i32
      %dma_wait3A_147 = tpu.memref_slice %arg5[%dma_wait3A_145, %dma_wait3A_146] : memref<10000x128xf32, #tpu.memory_space<vmem_shared>> -> memref<10000x128xf32, #tpu.memory_space<vmem_shared>>
      %dma_wait3A_148 = tpu.memref_slice %arg8[%dma_wait3A_137] : memref<2x!tpu.dma_semaphore, #tpu.memory_space<semaphore_mem>> -> memref<1x!tpu.dma_semaphore, #tpu.memory_space<semaphore_mem>>
      %dma_wait3A_149 = tpu.memref_squeeze %dma_wait3A_148 : memref<1x!tpu.dma_semaphore, #tpu.memory_space<semaphore_mem>> -> memref<!tpu.dma_semaphore, #tpu.memory_space<semaphore_mem>>
      tpu.wait_indirect_dma semaphore(%dma_wait3A_149 : memref<!tpu.dma_semaphore, #tpu.memory_space<semaphore_mem>>) src(%dma_wait3A_147 : memref<10000x128xf32, #tpu.memory_space<vmem_shared>>) dst(%dma_wait3A_141 : memref<128x128xf32, #tpu.memory_space<vmem>>)
      %mul3A_150 = arith.constant 2 : i32
      %mul3A_151 = arith.muli %mul3A_150, %while3A_59 : i32
      %add3A_152 = arith.addi %mul3A_11, %mul3A_151 : i32
      %add3A_153 = arith.constant 1 : i32
      %add3A_154 = arith.addi %add3A_152, %add3A_153 : i32
      %mul3A_155 = arith.constant 128 : i32
      %mul3A_156 = arith.muli %add3A_154, %mul3A_155 : i32
      %dma_start3A_157 = arith.constant 1 : i32
      %dma_start3A_158 = arith.constant 1 : i32
      %dma_start3A_159 = arith.constant 0 : i32
      %dma_start3A_160 = arith.constant 0 : i32
      %dma_start3A_161 = tpu.memref_slice %arg7[%dma_start3A_157, %dma_start3A_159, %dma_start3A_160] : memref<2x128x128xf32, #tpu.memory_space<vmem>> -> memref<1x128x128xf32, #tpu.memory_space<vmem>>
      %dma_start3A_162 = tpu.memref_squeeze %dma_start3A_161 : memref<1x128x128xf32, #tpu.memory_space<vmem>> -> memref<128x128xf32, #tpu.memory_space<vmem>>
      %dma_start3A_163 = arith.constant 0 : i32
      %dma_start3A_164 = tpu.memref_slice %arg4[%mul3A_156, %dma_start3A_163] : memref<321536x128xf32, #tpu.memory_space<hbm>> -> memref<128x128xf32, #tpu.memory_space<hbm>>
      %dma_start3A_165 = tpu.memref_slice %arg9[%dma_start3A_158] : memref<2x!tpu.dma_semaphore, #tpu.memory_space<semaphore_mem>> -> memref<1x!tpu.dma_semaphore, #tpu.memory_space<semaphore_mem>>
      %dma_start3A_166 = tpu.memref_squeeze %dma_start3A_165 : memref<1x!tpu.dma_semaphore, #tpu.memory_space<semaphore_mem>> -> memref<!tpu.dma_semaphore, #tpu.memory_space<semaphore_mem>>
      %dma_start3A_167 = arith.constant 0 : i32
      %dma_start3A_168 = tpu.memref_slice %arg4[%mul3A_156, %dma_start3A_167] : memref<321536x128xf32, #tpu.memory_space<hbm>> -> memref<128x128xf32, #tpu.memory_space<hbm>>
      %dma_start3A_169 = arith.constant 0 : i32
      %dma_start3A_170 = arith.constant 0 : i32
      %dma_start3A_171 = tpu.memref_slice %arg7[%dma_start3A_157, %dma_start3A_169, %dma_start3A_170] : memref<2x128x128xf32, #tpu.memory_space<vmem>> -> memref<1x128x128xf32, #tpu.memory_space<vmem>>
      %dma_start3A_172 = tpu.memref_squeeze %dma_start3A_171 : memref<1x128x128xf32, #tpu.memory_space<vmem>> -> memref<128x128xf32, #tpu.memory_space<vmem>>
      tpu.enqueue_dma source(%dma_start3A_172 : memref<128x128xf32, #tpu.memory_space<vmem>>) target(%dma_start3A_168 : memref<128x128xf32, #tpu.memory_space<hbm>>) target_semaphore(%dma_start3A_166 : memref<!tpu.dma_semaphore, #tpu.memory_space<semaphore_mem>>)
    }
    %while3A_23 = arith.constant 1 : i32
    scf.for %while3A_59 = %while3A_21 to %while3A_17 step %while3A_23  : i32 {
      %gt3A = arith.constant 0 : i32
      %gt3A_60 = arith.cmpi sgt, %while3A_59, %gt3A : i32
      %convert_element_type3A_61 = arith.extui %gt3A_60 : i1 to i32
      %cond3A_62 = arith.constant 0 : i32
      %cond3A_63 = arith.cmpi ne, %convert_element_type3A_61, %cond3A_62 : i32
      scf.if %cond3A_63 {
        %dma_wait3A_173 = arith.constant 0 : i32
        %dma_wait3A_174 = arith.constant 0 : i32
        %dma_wait3A_175 = arith.constant 0 : i32
        %dma_wait3A_176 = arith.constant 0 : i32
        %dma_wait3A_177 = tpu.memref_slice %arg7[%dma_wait3A_173, %dma_wait3A_175, %dma_wait3A_176] : memref<2x128x128xf32, #tpu.memory_space<vmem>> -> memref<1x128x128xf32, #tpu.memory_space<vmem>>
        %dma_wait3A_178 = tpu.memref_squeeze %dma_wait3A_177 : memref<1x128x128xf32, #tpu.memory_space<vmem>> -> memref<128x128xf32, #tpu.memory_space<vmem>>
        %dma_wait3A_179 = arith.constant 0 : i32
        %dma_wait3A_180 = arith.constant 0 : i32
        %dma_wait3A_181 = tpu.memref_slice %arg4[%dma_wait3A_179, %dma_wait3A_180] : memref<321536x128xf32, #tpu.memory_space<hbm>> -> memref<128x128xf32, #tpu.memory_space<hbm>>
        %dma_wait3A_182 = tpu.memref_slice %arg9[%dma_wait3A_174] : memref<2x!tpu.dma_semaphore, #tpu.memory_space<semaphore_mem>> -> memref<1x!tpu.dma_semaphore, #tpu.memory_space<semaphore_mem>>
        %dma_wait3A_183 = tpu.memref_squeeze %dma_wait3A_182 : memref<1x!tpu.dma_semaphore, #tpu.memory_space<semaphore_mem>> -> memref<!tpu.dma_semaphore, #tpu.memory_space<semaphore_mem>>
        %dma_wait3A_184 = arith.constant 0 : i32
        %dma_wait3A_185 = arith.constant 0 : i32
        %dma_wait3A_186 = tpu.memref_slice %arg4[%dma_wait3A_184, %dma_wait3A_185] : memref<321536x128xf32, #tpu.memory_space<hbm>> -> memref<128x128xf32, #tpu.memory_space<hbm>>
        %dma_wait3A_187 = arith.constant 0 : i32
        %dma_wait3A_188 = arith.constant 0 : i32
        %dma_wait3A_189 = tpu.memref_slice %arg7[%dma_wait3A_173, %dma_wait3A_187, %dma_wait3A_188] : memref<2x128x128xf32, #tpu.memory_space<vmem>> -> memref<1x128x128xf32, #tpu.memory_space<vmem>>
        %dma_wait3A_190 = tpu.memref_squeeze %dma_wait3A_189 : memref<1x128x128xf32, #tpu.memory_space<vmem>> -> memref<128x128xf32, #tpu.memory_space<vmem>>
        tpu.wait_dma2 semaphore(%dma_wait3A_183 : memref<!tpu.dma_semaphore, #tpu.memory_space<semaphore_mem>>) src(%dma_wait3A_190 : memref<128x128xf32, #tpu.memory_space<vmem>>) dst(%dma_wait3A_186 : memref<128x128xf32, #tpu.memory_space<hbm>>)
        %dma_wait3A_191 = arith.constant 1 : i32
        %dma_wait3A_192 = arith.constant 1 : i32
        %dma_wait3A_193 = arith.constant 0 : i32
        %dma_wait3A_194 = arith.constant 0 : i32
        %dma_wait3A_195 = tpu.memref_slice %arg7[%dma_wait3A_191, %dma_wait3A_193, %dma_wait3A_194] : memref<2x128x128xf32, #tpu.memory_space<vmem>> -> memref<1x128x128xf32, #tpu.memory_space<vmem>>
        %dma_wait3A_196 = tpu.memref_squeeze %dma_wait3A_195 : memref<1x128x128xf32, #tpu.memory_space<vmem>> -> memref<128x128xf32, #tpu.memory_space<vmem>>
        %dma_wait3A_197 = arith.constant 0 : i32
        %dma_wait3A_198 = arith.constant 0 : i32
        %dma_wait3A_199 = tpu.memref_slice %arg4[%dma_wait3A_197, %dma_wait3A_198] : memref<321536x128xf32, #tpu.memory_space<hbm>> -> memref<128x128xf32, #tpu.memory_space<hbm>>
        %dma_wait3A_200 = tpu.memref_slice %arg9[%dma_wait3A_192] : memref<2x!tpu.dma_semaphore, #tpu.memory_space<semaphore_mem>> -> memref<1x!tpu.dma_semaphore, #tpu.memory_space<semaphore_mem>>
        %dma_wait3A_201 = tpu.memref_squeeze %dma_wait3A_200 : memref<1x!tpu.dma_semaphore, #tpu.memory_space<semaphore_mem>> -> memref<!tpu.dma_semaphore, #tpu.memory_space<semaphore_mem>>
        %dma_wait3A_202 = arith.constant 0 : i32
        %dma_wait3A_203 = arith.constant 0 : i32
        %dma_wait3A_204 = tpu.memref_slice %arg4[%dma_wait3A_202, %dma_wait3A_203] : memref<321536x128xf32, #tpu.memory_space<hbm>> -> memref<128x128xf32, #tpu.memory_space<hbm>>
        %dma_wait3A_205 = arith.constant 0 : i32
        %dma_wait3A_206 = arith.constant 0 : i32
        %dma_wait3A_207 = tpu.memref_slice %arg7[%dma_wait3A_191, %dma_wait3A_205, %dma_wait3A_206] : memref<2x128x128xf32, #tpu.memory_space<vmem>> -> memref<1x128x128xf32, #tpu.memory_space<vmem>>
        %dma_wait3A_208 = tpu.memref_squeeze %dma_wait3A_207 : memref<1x128x128xf32, #tpu.memory_space<vmem>> -> memref<128x128xf32, #tpu.memory_space<vmem>>
        tpu.wait_dma2 semaphore(%dma_wait3A_201 : memref<!tpu.dma_semaphore, #tpu.memory_space<semaphore_mem>>) src(%dma_wait3A_208 : memref<128x128xf32, #tpu.memory_space<vmem>>) dst(%dma_wait3A_204 : memref<128x128xf32, #tpu.memory_space<hbm>>)
      } else {
      }
      %mul3A_64 = arith.constant 2 : i32
      %mul3A_65 = arith.muli %mul3A_64, %while3A_59 : i32
      %add3A_66 = arith.constant 0 : i32
      %add3A_67 = arith.addi %mul3A_65, %add3A_66 : i32
      %dma_start3A = arith.constant 0 : i32
      %dma_start3A_68 = arith.constant 0 : i32
      %dma_start3A_69 = arith.constant 0 : i32
      %dma_start3A_70 = arith.constant 0 : i32
      %dma_start3A_71 = tpu.memref_slice %arg7[%dma_start3A, %dma_start3A_69, %dma_start3A_70] : memref<2x128x128xf32, #tpu.memory_space<vmem>> -> memref<1x128x128xf32, #tpu.memory_space<vmem>>
      %dma_start3A_72 = tpu.memref_squeeze %dma_start3A_71 : memref<1x128x128xf32, #tpu.memory_space<vmem>> -> memref<128x128xf32, #tpu.memory_space<vmem>>
      %dma_start3A_73 = arith.constant 0 : i32
      %dma_start3A_74 = tpu.memref_slice %arg6[%add3A_67, %dma_start3A_73] : memref<80x128xi32, #tpu.memory_space<vmem>> -> memref<1x128xi32, #tpu.memory_space<vmem>>
      %dma_start3A_75 = tpu.memref_squeeze %dma_start3A_74 : memref<1x128xi32, #tpu.memory_space<vmem>> -> memref<128xi32, #tpu.memory_space<vmem>>
      %dma_start3A_76 = arith.constant 0 : i32
      %dma_start3A_77 = arith.constant 0 : i32
      %dma_start3A_78 = tpu.memref_slice %arg5[%dma_start3A_76, %dma_start3A_77] : memref<10000x128xf32, #tpu.memory_space<vmem_shared>> -> memref<10000x128xf32, #tpu.memory_space<vmem_shared>>
      %dma_start3A_79 = tpu.memref_slice %arg8[%dma_start3A_68] : memref<2x!tpu.dma_semaphore, #tpu.memory_space<semaphore_mem>> -> memref<1x!tpu.dma_semaphore, #tpu.memory_space<semaphore_mem>>
      %dma_start3A_80 = tpu.memref_squeeze %dma_start3A_79 : memref<1x!tpu.dma_semaphore, #tpu.memory_space<semaphore_mem>> -> memref<!tpu.dma_semaphore, #tpu.memory_space<semaphore_mem>>
      tpu.enqueue_indirect_dma source(%dma_start3A_78 : memref<10000x128xf32, #tpu.memory_space<vmem_shared>>) target(%dma_start3A_72 : memref<128x128xf32, #tpu.memory_space<vmem>>) offsets(%dma_start3A_75 : memref<128xi32, #tpu.memory_space<vmem>>) semaphore(%dma_start3A_80 : memref<!tpu.dma_semaphore, #tpu.memory_space<semaphore_mem>>)
      %mul3A_81 = arith.constant 2 : i32
      %mul3A_82 = arith.muli %mul3A_81, %while3A_59 : i32
      %add3A_83 = arith.constant 1 : i32
      %add3A_84 = arith.addi %mul3A_82, %add3A_83 : i32
      %dma_start3A_85 = arith.constant 1 : i32
      %dma_start3A_86 = arith.constant 1 : i32
      %dma_start3A_87 = arith.constant 0 : i32
      %dma_start3A_88 = arith.constant 0 : i32
      %dma_start3A_89 = tpu.memref_slice %arg7[%dma_start3A_85, %dma_start3A_87, %dma_start3A_88] : memref<2x128x128xf32, #tpu.memory_space<vmem>> -> memref<1x128x128xf32, #tpu.memory_space<vmem>>
      %dma_start3A_90 = tpu.memref_squeeze %dma_start3A_89 : memref<1x128x128xf32, #tpu.memory_space<vmem>> -> memref<128x128xf32, #tpu.memory_space<vmem>>
      %dma_start3A_91 = arith.constant 0 : i32
      %dma_start3A_92 = tpu.memref_slice %arg6[%add3A_84, %dma_start3A_91] : memref<80x128xi32, #tpu.memory_space<vmem>> -> memref<1x128xi32, #tpu.memory_space<vmem>>
      %dma_start3A_93 = tpu.memref_squeeze %dma_start3A_92 : memref<1x128xi32, #tpu.memory_space<vmem>> -> memref<128xi32, #tpu.memory_space<vmem>>
      %dma_start3A_94 = arith.constant 0 : i32
      %dma_start3A_95 = arith.constant 0 : i32
      %dma_start3A_96 = tpu.memref_slice %arg5[%dma_start3A_94, %dma_start3A_95] : memref<10000x128xf32, #tpu.memory_space<vmem_shared>> -> memref<10000x128xf32, #tpu.memory_space<vmem_shared>>
      %dma_start3A_97 = tpu.memref_slice %arg8[%dma_start3A_86] : memref<2x!tpu.dma_semaphore, #tpu.memory_space<semaphore_mem>> -> memref<1x!tpu.dma_semaphore, #tpu.memory_space<semaphore_mem>>
      %dma_start3A_98 = tpu.memref_squeeze %dma_start3A_97 : memref<1x!tpu.dma_semaphore, #tpu.memory_space<semaphore_mem>> -> memref<!tpu.dma_semaphore, #tpu.memory_space<semaphore_mem>>
      tpu.enqueue_indirect_dma source(%dma_start3A_96 : memref<10000x128xf32, #tpu.memory_space<vmem_shared>>) target(%dma_start3A_90 : memref<128x128xf32, #tpu.memory_space<vmem>>) offsets(%dma_start3A_93 : memref<128xi32, #tpu.memory_space<vmem>>) semaphore(%dma_start3A_98 : memref<!tpu.dma_semaphore, #tpu.memory_space<semaphore_mem>>)
      %dma_wait3A_99 = arith.constant 0 : i32
      %dma_wait3A_100 = arith.constant 0 : i32
      %dma_wait3A_101 = arith.constant 0 : i32
      %dma_wait3A_102 = arith.constant 0 : i32
      %dma_wait3A_103 = tpu.memref_slice %arg7[%dma_wait3A_99, %dma_wait3A_101, %dma_wait3A_102] : memref<2x128x128xf32, #tpu.memory_space<vmem>> -> memref<1x128x128xf32, #tpu.memory_space<vmem>>
      %dma_wait3A_104 = tpu.memref_squeeze %dma_wait3A_103 : memref<1x128x128xf32, #tpu.memory_space<vmem>> -> memref<128x128xf32, #tpu.memory_space<vmem>>
      %dma_wait3A_105 = arith.constant 0 : i32
      %dma_wait3A_106 = tpu.memref_slice %arg6[%add3A_67, %dma_wait3A_105] : memref<80x128xi32, #tpu.memory_space<vmem>> -> memref<1x128xi32, #tpu.memory_space<vmem>>
      %dma_wait3A_107 = tpu.memref_squeeze %dma_wait3A_106 : memref<1x128xi32, #tpu.memory_space<vmem>> -> memref<128xi32, #tpu.memory_space<vmem>>
      %dma_wait3A_108 = arith.constant 0 : i32
      %dma_wait3A_109 = arith.constant 0 : i32
      %dma_wait3A_110 = tpu.memref_slice %arg5[%dma_wait3A_108, %dma_wait3A_109] : memref<10000x128xf32, #tpu.memory_space<vmem_shared>> -> memref<10000x128xf32, #tpu.memory_space<vmem_shared>>
      %dma_wait3A_111 = tpu.memref_slice %arg8[%dma_wait3A_100] : memref<2x!tpu.dma_semaphore, #tpu.memory_space<semaphore_mem>> -> memref<1x!tpu.dma_semaphore, #tpu.memory_space<semaphore_mem>>
      %dma_wait3A_112 = tpu.memref_squeeze %dma_wait3A_111 : memref<1x!tpu.dma_semaphore, #tpu.memory_space<semaphore_mem>> -> memref<!tpu.dma_semaphore, #tpu.memory_space<semaphore_mem>>
      tpu.wait_indirect_dma semaphore(%dma_wait3A_112 : memref<!tpu.dma_semaphore, #tpu.memory_space<semaphore_mem>>) src(%dma_wait3A_110 : memref<10000x128xf32, #tpu.memory_space<vmem_shared>>) dst(%dma_wait3A_104 : memref<128x128xf32, #tpu.memory_space<vmem>>)
      %mul3A_113 = arith.constant 2 : i32
      %mul3A_114 = arith.muli %mul3A_113, %while3A_59 : i32
      %add3A_115 = arith.addi %mul3A_11, %mul3A_114 : i32
      %add3A_116 = arith.constant 0 : i32
      %add3A_117 = arith.addi %add3A_115, %add3A_116 : i32
      %mul3A_118 = arith.constant 128 : i32
      %mul3A_119 = arith.muli %add3A_117, %mul3A_118 : i32
      %dma_start3A_120 = arith.constant 0 : i32
      %dma_start3A_121 = arith.constant 0 : i32
      %dma_start3A_122 = arith.constant 0 : i32
      %dma_start3A_123 = arith.constant 0 : i32
      %dma_start3A_124 = tpu.memref_slice %arg7[%dma_start3A_120, %dma_start3A_122, %dma_start3A_123] : memref<2x128x128xf32, #tpu.memory_space<vmem>> -> memref<1x128x128xf32, #tpu.memory_space<vmem>>
      %dma_start3A_125 = tpu.memref_squeeze %dma_start3A_124 : memref<1x128x128xf32, #tpu.memory_space<vmem>> -> memref<128x128xf32, #tpu.memory_space<vmem>>
      %dma_start3A_126 = arith.constant 0 : i32
      %dma_start3A_127 = tpu.memref_slice %arg4[%mul3A_119, %dma_start3A_126] : memref<321536x128xf32, #tpu.memory_space<hbm>> -> memref<128x128xf32, #tpu.memory_space<hbm>>
      %dma_start3A_128 = tpu.memref_slice %arg9[%dma_start3A_121] : memref<2x!tpu.dma_semaphore, #tpu.memory_space<semaphore_mem>> -> memref<1x!tpu.dma_semaphore, #tpu.memory_space<semaphore_mem>>
      %dma_start3A_129 = tpu.memref_squeeze %dma_start3A_128 : memref<1x!tpu.dma_semaphore, #tpu.memory_space<semaphore_mem>> -> memref<!tpu.dma_semaphore, #tpu.memory_space<semaphore_mem>>
      %dma_start3A_130 = arith.constant 0 : i32
      %dma_start3A_131 = tpu.memref_slice %arg4[%mul3A_119, %dma_start3A_130] : memref<321536x128xf32, #tpu.memory_space<hbm>> -> memref<128x128xf32, #tpu.memory_space<hbm>>
      %dma_start3A_132 = arith.constant 0 : i32
      %dma_start3A_133 = arith.constant 0 : i32
      %dma_start3A_134 = tpu.memref_slice %arg7[%dma_start3A_120, %dma_start3A_132, %dma_start3A_133] : memref<2x128x128xf32, #tpu.memory_space<vmem>> -> memref<1x128x128xf32, #tpu.memory_space<vmem>>
      %dma_start3A_135 = tpu.memref_squeeze %dma_start3A_134 : memref<1x128x128xf32, #tpu.memory_space<vmem>> -> memref<128x128xf32, #tpu.memory_space<vmem>>
      tpu.enqueue_dma source(%dma_start3A_135 : memref<128x128xf32, #tpu.memory_space<vmem>>) target(%dma_start3A_131 : memref<128x128xf32, #tpu.memory_space<hbm>>) target_semaphore(%dma_start3A_129 : memref<!tpu.dma_semaphore, #tpu.memory_space<semaphore_mem>>)
      %dma_wait3A_136 = arith.constant 1 : i32
      %dma_wait3A_137 = arith.constant 1 : i32
      %dma_wait3A_138 = arith.constant 0 : i32
      %dma_wait3A_139 = arith.constant 0 : i32
      %dma_wait3A_140 = tpu.memref_slice %arg7[%dma_wait3A_136, %dma_wait3A_138, %dma_wait3A_139] : memref<2x128x128xf32, #tpu.memory_space<vmem>> -> memref<1x128x128xf32, #tpu.memory_space<vmem>>
      %dma_wait3A_141 = tpu.memref_squeeze %dma_wait3A_140 : memref<1x128x128xf32, #tpu.memory_space<vmem>> -> memref<128x128xf32, #tpu.memory_space<vmem>>
      %dma_wait3A_142 = arith.constant 0 : i32
      %dma_wait3A_143 = tpu.memref_slice %arg6[%add3A_84, %dma_wait3A_142] : memref<80x128xi32, #tpu.memory_space<vmem>> -> memref<1x128xi32, #tpu.memory_space<vmem>>
      %dma_wait3A_144 = tpu.memref_squeeze %dma_wait3A_143 : memref<1x128xi32, #tpu.memory_space<vmem>> -> memref<128xi32, #tpu.memory_space<vmem>>
      %dma_wait3A_145 = arith.constant 0 : i32
      %dma_wait3A_146 = arith.constant 0 : i32
      %dma_wait3A_147 = tpu.memref_slice %arg5[%dma_wait3A_145, %dma_wait3A_146] : memref<10000x128xf32, #tpu.memory_space<vmem_shared>> -> memref<10000x128xf32, #tpu.memory_space<vmem_shared>>
      %dma_wait3A_148 = tpu.memref_slice %arg8[%dma_wait3A_137] : memref<2x!tpu.dma_semaphore, #tpu.memory_space<semaphore_mem>> -> memref<1x!tpu.dma_semaphore, #tpu.memory_space<semaphore_mem>>
      %dma_wait3A_149 = tpu.memref_squeeze %dma_wait3A_148 : memref<1x!tpu.dma_semaphore, #tpu.memory_space<semaphore_mem>> -> memref<!tpu.dma_semaphore, #tpu.memory_space<semaphore_mem>>
      tpu.wait_indirect_dma semaphore(%dma_wait3A_149 : memref<!tpu.dma_semaphore, #tpu.memory_space<semaphore_mem>>) src(%dma_wait3A_147 : memref<10000x128xf32, #tpu.memory_space<vmem_shared>>) dst(%dma_wait3A_141 : memref<128x128xf32, #tpu.memory_space<vmem>>)
      %mul3A_150 = arith.constant 2 : i32
      %mul3A_151 = arith.muli %mul3A_150, %while3A_59 : i32
      %add3A_152 = arith.addi %mul3A_11, %mul3A_151 : i32
      %add3A_153 = arith.constant 1 : i32
      %add3A_154 = arith.addi %add3A_152, %add3A_153 : i32
      %mul3A_155 = arith.constant 128 : i32
      %mul3A_156 = arith.muli %add3A_154, %mul3A_155 : i32
      %dma_start3A_157 = arith.constant 1 : i32
      %dma_start3A_158 = arith.constant 1 : i32
      %dma_start3A_159 = arith.constant 0 : i32
      %dma_start3A_160 = arith.constant 0 : i32
      %dma_start3A_161 = tpu.memref_slice %arg7[%dma_start3A_157, %dma_start3A_159, %dma_start3A_160] : memref<2x128x128xf32, #tpu.memory_space<vmem>> -> memref<1x128x128xf32, #tpu.memory_space<vmem>>
      %dma_start3A_162 = tpu.memref_squeeze %dma_start3A_161 : memref<1x128x128xf32, #tpu.memory_space<vmem>> -> memref<128x128xf32, #tpu.memory_space<vmem>>
      %dma_start3A_163 = arith.constant 0 : i32
      %dma_start3A_164 = tpu.memref_slice %arg4[%mul3A_156, %dma_start3A_163] : memref<321536x128xf32, #tpu.memory_space<hbm>> -> memref<128x128xf32, #tpu.memory_space<hbm>>
      %dma_start3A_165 = tpu.memref_slice %arg9[%dma_start3A_158] : memref<2x!tpu.dma_semaphore, #tpu.memory_space<semaphore_mem>> -> memref<1x!tpu.dma_semaphore, #tpu.memory_space<semaphore_mem>>
      %dma_start3A_166 = tpu.memref_squeeze %dma_start3A_165 : memref<1x!tpu.dma_semaphore, #tpu.memory_space<semaphore_mem>> -> memref<!tpu.dma_semaphore, #tpu.memory_space<semaphore_mem>>
      %dma_start3A_167 = arith.constant 0 : i32
      %dma_start3A_168 = tpu.memref_slice %arg4[%mul3A_156, %dma_start3A_167] : memref<321536x128xf32, #tpu.memory_space<hbm>> -> memref<128x128xf32, #tpu.memory_space<hbm>>
      %dma_start3A_169 = arith.constant 0 : i32
      %dma_start3A_170 = arith.constant 0 : i32
      %dma_start3A_171 = tpu.memref_slice %arg7[%dma_start3A_157, %dma_start3A_169, %dma_start3A_170] : memref<2x128x128xf32, #tpu.memory_space<vmem>> -> memref<1x128x128xf32, #tpu.memory_space<vmem>>
      %dma_start3A_172 = tpu.memref_squeeze %dma_start3A_171 : memref<1x128x128xf32, #tpu.memory_space<vmem>> -> memref<128x128xf32, #tpu.memory_space<vmem>>
      tpu.enqueue_dma source(%dma_start3A_172 : memref<128x128xf32, #tpu.memory_space<vmem>>) target(%dma_start3A_168 : memref<128x128xf32, #tpu.memory_space<hbm>>) target_semaphore(%dma_start3A_166 : memref<!tpu.dma_semaphore, #tpu.memory_space<semaphore_mem>>)
    }
    %dma_wait3A = arith.constant 0 : i32
    %dma_wait3A_24 = arith.constant 0 : i32
    %dma_wait3A_25 = arith.constant 0 : i32
    %dma_wait3A_26 = arith.constant 0 : i32
    %dma_wait3A_27 = tpu.memref_slice %arg7[%dma_wait3A, %dma_wait3A_25, %dma_wait3A_26] : memref<2x128x128xf32, #tpu.memory_space<vmem>> -> memref<1x128x128xf32, #tpu.memory_space<vmem>>
    %dma_wait3A_28 = tpu.memref_squeeze %dma_wait3A_27 : memref<1x128x128xf32, #tpu.memory_space<vmem>> -> memref<128x128xf32, #tpu.memory_space<vmem>>
    %dma_wait3A_29 = arith.constant 0 : i32
    %dma_wait3A_30 = arith.constant 0 : i32
    %dma_wait3A_31 = tpu.memref_slice %arg4[%dma_wait3A_29, %dma_wait3A_30] : memref<321536x128xf32, #tpu.memory_space<hbm>> -> memref<128x128xf32, #tpu.memory_space<hbm>>
    %dma_wait3A_32 = tpu.memref_slice %arg9[%dma_wait3A_24] : memref<2x!tpu.dma_semaphore, #tpu.memory_space<semaphore_mem>> -> memref<1x!tpu.dma_semaphore, #tpu.memory_space<semaphore_mem>>
    %dma_wait3A_33 = tpu.memref_squeeze %dma_wait3A_32 : memref<1x!tpu.dma_semaphore, #tpu.memory_space<semaphore_mem>> -> memref<!tpu.dma_semaphore, #tpu.memory_space<semaphore_mem>>
    %dma_wait3A_34 = arith.constant 0 : i32
    %dma_wait3A_35 = arith.constant 0 : i32
    %dma_wait3A_36 = tpu.memref_slice %arg4[%dma_wait3A_34, %dma_wait3A_35] : memref<321536x128xf32, #tpu.memory_space<hbm>> -> memref<128x128xf32, #tpu.memory_space<hbm>>
    %dma_wait3A_37 = arith.constant 0 : i32
    %dma_wait3A_38 = arith.constant 0 : i32
    %dma_wait3A_39 = tpu.memref_slice %arg7[%dma_wait3A, %dma_wait3A_37, %dma_wait3A_38] : memref<2x128x128xf32, #tpu.memory_space<vmem>> -> memref<1x128x128xf32, #tpu.memory_space<vmem>>
    %dma_wait3A_40 = tpu.memref_squeeze %dma_wait3A_39 : memref<1x128x128xf32, #tpu.memory_space<vmem>> -> memref<128x128xf32, #tpu.memory_space<vmem>>
    tpu.wait_dma2 semaphore(%dma_wait3A_33 : memref<!tpu.dma_semaphore, #tpu.memory_space<semaphore_mem>>) src(%dma_wait3A_40 : memref<128x128xf32, #tpu.memory_space<vmem>>) dst(%dma_wait3A_36 : memref<128x128xf32, #tpu.memory_space<hbm>>)
    %dma_wait3A_41 = arith.constant 1 : i32
    %dma_wait3A_42 = arith.constant 1 : i32
    %dma_wait3A_43 = arith.constant 0 : i32
    %dma_wait3A_44 = arith.constant 0 : i32
    %dma_wait3A_45 = tpu.memref_slice %arg7[%dma_wait3A_41, %dma_wait3A_43, %dma_wait3A_44] : memref<2x128x128xf32, #tpu.memory_space<vmem>> -> memref<1x128x128xf32, #tpu.memory_space<vmem>>
    %dma_wait3A_46 = tpu.memref_squeeze %dma_wait3A_45 : memref<1x128x128xf32, #tpu.memory_space<vmem>> -> memref<128x128xf32, #tpu.memory_space<vmem>>
    %dma_wait3A_47 = arith.constant 0 : i32
    %dma_wait3A_48 = arith.constant 0 : i32
    %dma_wait3A_49 = tpu.memref_slice %arg4[%dma_wait3A_47, %dma_wait3A_48] : memref<321536x128xf32, #tpu.memory_space<hbm>> -> memref<128x128xf32, #tpu.memory_space<hbm>>
    %dma_wait3A_50 = tpu.memref_slice %arg9[%dma_wait3A_42] : memref<2x!tpu.dma_semaphore, #tpu.memory_space<semaphore_mem>> -> memref<1x!tpu.dma_semaphore, #tpu.memory_space<semaphore_mem>>
    %dma_wait3A_51 = tpu.memref_squeeze %dma_wait3A_50 : memref<1x!tpu.dma_semaphore, #tpu.memory_space<semaphore_mem>> -> memref<!tpu.dma_semaphore, #tpu.memory_space<semaphore_mem>>
    %dma_wait3A_52 = arith.constant 0 : i32
    %dma_wait3A_53 = arith.constant 0 : i32
    %dma_wait3A_54 = tpu.memref_slice %arg4[%dma_wait3A_52, %dma_wait3A_53] : memref<321536x128xf32, #tpu.memory_space<hbm>> -> memref<128x128xf32, #tpu.memory_space<hbm>>
    %dma_wait3A_55 = arith.constant 0 : i32
    %dma_wait3A_56 = arith.constant 0 : i32
    %dma_wait3A_57 = tpu.memref_slice %arg7[%dma_wait3A_41, %dma_wait3A_55, %dma_wait3A_56] : memref<2x128x128xf32, #tpu.memory_space<vmem>> -> memref<1x128x128xf32, #tpu.memory_space<vmem>>
    %dma_wait3A_58 = tpu.memref_squeeze %dma_wait3A_57 : memref<1x128x128xf32, #tpu.memory_space<vmem>> -> memref<128x128xf32, #tpu.memory_space<vmem>>
    tpu.wait_dma2 semaphore(%dma_wait3A_51 : memref<!tpu.dma_semaphore, #tpu.memory_space<semaphore_mem>>) src(%dma_wait3A_58 : memref<128x128xf32, #tpu.memory_space<vmem>>) dst(%dma_wait3A_54 : memref<128x128xf32, #tpu.memory_space<hbm>>)
    return
  }
}

#map = affine_map<(d0, d1) -> (0, 0)>
module attributes {stable_mosaic.version = 14 : i64} {
  func.func @sc_gather(%arg0: i32, %arg1: i32, %arg2: memref<10000x128xf32, #tpu.memory_space<hbm>>, %arg3: memref<2520x128xi32, #tpu.memory_space<hbm>>, %arg4: memref<321536x128xf32, #tpu.memory_space<hbm>>, %arg5: memref<10000x128xf32, #tpu.memory_space<vmem_shared>>, %arg6: memref<80x128xi32, #tpu.memory_space<vmem>>, %arg7: memref<2x128x128xf32, #tpu.memory_space<vmem>>, %arg8: memref<2x!tpu.dma_semaphore, #tpu.memory_space<semaphore_mem>>, %arg9: memref<2x!tpu.dma_semaphore, #tpu.memory_space<semaphore_mem>>) attributes {dimension_semantics = [#tpu.dimension_semantics<core_parallel>, #tpu.dimension_semantics<subcore_parallel>], iteration_bounds = array<i64: 2, 16>, scalar_prefetch = 0 : i64, scratch_operands = 5 : i64, tpu.core_type = #tpu.core_type<sc_vector_subcore>, window_params = [{transform_indices = #map}, {transform_indices = #map}, {transform_indices = #map}]} {
    %mul3A = arith.constant 2 : i32
    %mul3A_0 = arith.muli %arg1, %mul3A : i32
    %add3A = arith.addi %mul3A_0, %arg0 : i32
    %mul3A_1 = arith.constant 9 : i32
    %mul3A_2 = arith.muli %add3A, %mul3A_1 : i32
    %min3A = arith.constant 26 : i32
    %min3A_3 = arith.minsi %add3A, %min3A : i32
    %add3A_4 = arith.addi %mul3A_2, %min3A_3 : i32
    %lt3A = arith.constant 26 : i32
    %lt3A_5 = arith.cmpi slt, %add3A, %lt3A : i32
    %convert_element_type3A = arith.extui %lt3A_5 : i1 to i32
    %add3A_6 = arith.constant 9 : i32
    %add3A_7 = arith.addi %add3A_6, %convert_element_type3A : i32
    %mul3A_8 = arith.constant 4 : i32
    %mul3A_9 = arith.muli %mul3A_8, %add3A_7 : i32
    %mul3A_10 = arith.constant 8 : i32
    %mul3A_11 = arith.muli %add3A_4, %mul3A_10 : i32
    "tpu.region"() ({
      %run_scoped3A = tpu.sem_alloc : memref<!tpu.dma_semaphore, #tpu.memory_space<semaphore_mem>>
      %dma_start3A = arith.constant 0 : i32
      %dma_start3A_59 = tpu.memref_slice %arg3[%mul3A_11, %dma_start3A] : memref<2520x128xi32, #tpu.memory_space<hbm>> -> memref<80x128xi32, #tpu.memory_space<hbm>>
      %dma_start3A_60 = arith.constant 0 : i32
      %dma_start3A_61 = tpu.memref_slice %arg3[%mul3A_11, %dma_start3A_60] : memref<2520x128xi32, #tpu.memory_space<hbm>> -> memref<80x128xi32, #tpu.memory_space<hbm>>
      tpu.enqueue_dma source(%dma_start3A_61 : memref<80x128xi32, #tpu.memory_space<hbm>>) target(%arg6 : memref<80x128xi32, #tpu.memory_space<vmem>>) target_semaphore(%run_scoped3A : memref<!tpu.dma_semaphore, #tpu.memory_space<semaphore_mem>>)
      %dma_wait3A_62 = arith.constant 0 : i32
      %dma_wait3A_63 = tpu.memref_slice %arg3[%mul3A_11, %dma_wait3A_62] : memref<2520x128xi32, #tpu.memory_space<hbm>> -> memref<80x128xi32, #tpu.memory_space<hbm>>
      %dma_wait3A_64 = arith.constant 0 : i32
      %dma_wait3A_65 = tpu.memref_slice %arg3[%mul3A_11, %dma_wait3A_64] : memref<2520x128xi32, #tpu.memory_space<hbm>> -> memref<80x128xi32, #tpu.memory_space<hbm>>
      tpu.wait_dma2 semaphore(%run_scoped3A : memref<!tpu.dma_semaphore, #tpu.memory_space<semaphore_mem>>) src(%dma_wait3A_65 : memref<80x128xi32, #tpu.memory_space<hbm>>) dst(%arg6 : memref<80x128xi32, #tpu.memory_space<vmem>>)
      tpu.yield
    }) : () -> ()
    %eq3A = arith.constant 0 : i32
    %eq3A_12 = arith.cmpi eq, %arg1, %eq3A : i32
    %convert_element_type3A_13 = arith.extui %eq3A_12 : i1 to i32
    %cond3A = arith.constant 0 : i32
    %cond3A_14 = arith.cmpi ne, %convert_element_type3A_13, %cond3A : i32
    scf.if %cond3A_14 {
      "tpu.region"() ({
        %run_scoped3A = tpu.sem_alloc : memref<!tpu.dma_semaphore, #tpu.memory_space<semaphore_mem>>
        tpu.enqueue_dma source(%arg2 : memref<10000x128xf32, #tpu.memory_space<hbm>>) target(%arg5 : memref<10000x128xf32, #tpu.memory_space<vmem_shared>>) target_semaphore(%run_scoped3A : memref<!tpu.dma_semaphore, #tpu.memory_space<semaphore_mem>>)
        tpu.wait_dma2 semaphore(%run_scoped3A : memref<!tpu.dma_semaphore, #tpu.memory_space<semaphore_mem>>) src(%arg2 : memref<10000x128xf32, #tpu.memory_space<hbm>>) dst(%arg5 : memref<10000x128xf32, #tpu.memory_space<vmem_shared>>)
        tpu.yield
      }) : () -> ()
    } else {
    }
    %barrier3A = arith.constant 0 : index
    tpu.barrier barrier_id(%barrier3A)
    %while3A = arith.constant 0 : i32
    %while3A_15 = arith.constant 0 : i32
    %while3A_16 = arith.subi %mul3A_9, %while3A_15 : i32
    %while3A_17 = arith.addi %while3A_15, %while3A_16 : i32
    %while3A_18 = arith.constant 1 : i32
    %while3A_19 = arith.divsi %while3A_16, %while3A_18 : i32
    %while3A_20 = arith.muli %while3A_19, %while3A_18 : i32
    %while3A_21 = arith.addi %while3A_15, %while3A_20 : i32
    %while3A_22 = arith.constant 1 : i32
    scf.for %while3A_59 = %while3A_15 to %while3A_21 step %while3A_22  : i32 {
      %gt3A = arith.constant 0 : i32
      %gt3A_60 = arith.cmpi sgt, %while3A_59, %gt3A : i32
      %convert_element_type3A_61 = arith.extui %gt3A_60 : i1 to i32
      %cond3A_62 = arith.constant 0 : i32
      %cond3A_63 = arith.cmpi ne, %convert_element_type3A_61, %cond3A_62 : i32
      scf.if %cond3A_63 {
        %dma_wait3A_173 = arith.constant 0 : i32
        %dma_wait3A_174 = arith.constant 0 : i32
        %dma_wait3A_175 = arith.constant 0 : i32
        %dma_wait3A_176 = arith.constant 0 : i32
        %dma_wait3A_177 = tpu.memref_slice %arg7[%dma_wait3A_173, %dma_wait3A_175, %dma_wait3A_176] : memref<2x128x128xf32, #tpu.memory_space<vmem>> -> memref<1x128x128xf32, #tpu.memory_space<vmem>>
        %dma_wait3A_178 = tpu.memref_squeeze %dma_wait3A_177 : memref<1x128x128xf32, #tpu.memory_space<vmem>> -> memref<128x128xf32, #tpu.memory_space<vmem>>
        %dma_wait3A_179 = arith.constant 0 : i32
        %dma_wait3A_180 = arith.constant 0 : i32
        %dma_wait3A_181 = tpu.memref_slice %arg4[%dma_wait3A_179, %dma_wait3A_180] : memref<321536x128xf32, #tpu.memory_space<hbm>> -> memref<128x128xf32, #tpu.memory_space<hbm>>
        %dma_wait3A_182 = tpu.memref_slice %arg9[%dma_wait3A_174] : memref<2x!tpu.dma_semaphore, #tpu.memory_space<semaphore_mem>> -> memref<1x!tpu.dma_semaphore, #tpu.memory_space<semaphore_mem>>
        %dma_wait3A_183 = tpu.memref_squeeze %dma_wait3A_182 : memref<1x!tpu.dma_semaphore, #tpu.memory_space<semaphore_mem>> -> memref<!tpu.dma_semaphore, #tpu.memory_space<semaphore_mem>>
        %dma_wait3A_184 = arith.constant 0 : i32
        %dma_wait3A_185 = arith.constant 0 : i32
        %dma_wait3A_186 = tpu.memref_slice %arg4[%dma_wait3A_184, %dma_wait3A_185] : memref<321536x128xf32, #tpu.memory_space<hbm>> -> memref<128x128xf32, #tpu.memory_space<hbm>>
        %dma_wait3A_187 = arith.constant 0 : i32
        %dma_wait3A_188 = arith.constant 0 : i32
        %dma_wait3A_189 = tpu.memref_slice %arg7[%dma_wait3A_173, %dma_wait3A_187, %dma_wait3A_188] : memref<2x128x128xf32, #tpu.memory_space<vmem>> -> memref<1x128x128xf32, #tpu.memory_space<vmem>>
        %dma_wait3A_190 = tpu.memref_squeeze %dma_wait3A_189 : memref<1x128x128xf32, #tpu.memory_space<vmem>> -> memref<128x128xf32, #tpu.memory_space<vmem>>
        tpu.wait_dma2 semaphore(%dma_wait3A_183 : memref<!tpu.dma_semaphore, #tpu.memory_space<semaphore_mem>>) src(%dma_wait3A_190 : memref<128x128xf32, #tpu.memory_space<vmem>>) dst(%dma_wait3A_186 : memref<128x128xf32, #tpu.memory_space<hbm>>)
        %dma_wait3A_191 = arith.constant 1 : i32
        %dma_wait3A_192 = arith.constant 1 : i32
        %dma_wait3A_193 = arith.constant 0 : i32
        %dma_wait3A_194 = arith.constant 0 : i32
        %dma_wait3A_195 = tpu.memref_slice %arg7[%dma_wait3A_191, %dma_wait3A_193, %dma_wait3A_194] : memref<2x128x128xf32, #tpu.memory_space<vmem>> -> memref<1x128x128xf32, #tpu.memory_space<vmem>>
        %dma_wait3A_196 = tpu.memref_squeeze %dma_wait3A_195 : memref<1x128x128xf32, #tpu.memory_space<vmem>> -> memref<128x128xf32, #tpu.memory_space<vmem>>
        %dma_wait3A_197 = arith.constant 0 : i32
        %dma_wait3A_198 = arith.constant 0 : i32
        %dma_wait3A_199 = tpu.memref_slice %arg4[%dma_wait3A_197, %dma_wait3A_198] : memref<321536x128xf32, #tpu.memory_space<hbm>> -> memref<128x128xf32, #tpu.memory_space<hbm>>
        %dma_wait3A_200 = tpu.memref_slice %arg9[%dma_wait3A_192] : memref<2x!tpu.dma_semaphore, #tpu.memory_space<semaphore_mem>> -> memref<1x!tpu.dma_semaphore, #tpu.memory_space<semaphore_mem>>
        %dma_wait3A_201 = tpu.memref_squeeze %dma_wait3A_200 : memref<1x!tpu.dma_semaphore, #tpu.memory_space<semaphore_mem>> -> memref<!tpu.dma_semaphore, #tpu.memory_space<semaphore_mem>>
        %dma_wait3A_202 = arith.constant 0 : i32
        %dma_wait3A_203 = arith.constant 0 : i32
        %dma_wait3A_204 = tpu.memref_slice %arg4[%dma_wait3A_202, %dma_wait3A_203] : memref<321536x128xf32, #tpu.memory_space<hbm>> -> memref<128x128xf32, #tpu.memory_space<hbm>>
        %dma_wait3A_205 = arith.constant 0 : i32
        %dma_wait3A_206 = arith.constant 0 : i32
        %dma_wait3A_207 = tpu.memref_slice %arg7[%dma_wait3A_191, %dma_wait3A_205, %dma_wait3A_206] : memref<2x128x128xf32, #tpu.memory_space<vmem>> -> memref<1x128x128xf32, #tpu.memory_space<vmem>>
        %dma_wait3A_208 = tpu.memref_squeeze %dma_wait3A_207 : memref<1x128x128xf32, #tpu.memory_space<vmem>> -> memref<128x128xf32, #tpu.memory_space<vmem>>
        tpu.wait_dma2 semaphore(%dma_wait3A_201 : memref<!tpu.dma_semaphore, #tpu.memory_space<semaphore_mem>>) src(%dma_wait3A_208 : memref<128x128xf32, #tpu.memory_space<vmem>>) dst(%dma_wait3A_204 : memref<128x128xf32, #tpu.memory_space<hbm>>)
      } else {
      }
      %mul3A_64 = arith.constant 2 : i32
      %mul3A_65 = arith.muli %mul3A_64, %while3A_59 : i32
      %add3A_66 = arith.constant 0 : i32
      %add3A_67 = arith.addi %mul3A_65, %add3A_66 : i32
      %dma_start3A = arith.constant 0 : i32
      %dma_start3A_68 = arith.constant 0 : i32
      %dma_start3A_69 = arith.constant 0 : i32
      %dma_start3A_70 = arith.constant 0 : i32
      %dma_start3A_71 = tpu.memref_slice %arg7[%dma_start3A, %dma_start3A_69, %dma_start3A_70] : memref<2x128x128xf32, #tpu.memory_space<vmem>> -> memref<1x128x128xf32, #tpu.memory_space<vmem>>
      %dma_start3A_72 = tpu.memref_squeeze %dma_start3A_71 : memref<1x128x128xf32, #tpu.memory_space<vmem>> -> memref<128x128xf32, #tpu.memory_space<vmem>>
      %dma_start3A_73 = arith.constant 0 : i32
      %dma_start3A_74 = tpu.memref_slice %arg6[%add3A_67, %dma_start3A_73] : memref<80x128xi32, #tpu.memory_space<vmem>> -> memref<1x128xi32, #tpu.memory_space<vmem>>
      %dma_start3A_75 = tpu.memref_squeeze %dma_start3A_74 : memref<1x128xi32, #tpu.memory_space<vmem>> -> memref<128xi32, #tpu.memory_space<vmem>>
      %dma_start3A_76 = arith.constant 0 : i32
      %dma_start3A_77 = arith.constant 0 : i32
      %dma_start3A_78 = tpu.memref_slice %arg5[%dma_start3A_76, %dma_start3A_77] : memref<10000x128xf32, #tpu.memory_space<vmem_shared>> -> memref<10000x128xf32, #tpu.memory_space<vmem_shared>>
      %dma_start3A_79 = tpu.memref_slice %arg8[%dma_start3A_68] : memref<2x!tpu.dma_semaphore, #tpu.memory_space<semaphore_mem>> -> memref<1x!tpu.dma_semaphore, #tpu.memory_space<semaphore_mem>>
      %dma_start3A_80 = tpu.memref_squeeze %dma_start3A_79 : memref<1x!tpu.dma_semaphore, #tpu.memory_space<semaphore_mem>> -> memref<!tpu.dma_semaphore, #tpu.memory_space<semaphore_mem>>
      tpu.enqueue_indirect_dma source(%dma_start3A_78 : memref<10000x128xf32, #tpu.memory_space<vmem_shared>>) target(%dma_start3A_72 : memref<128x128xf32, #tpu.memory_space<vmem>>) offsets(%dma_start3A_75 : memref<128xi32, #tpu.memory_space<vmem>>) semaphore(%dma_start3A_80 : memref<!tpu.dma_semaphore, #tpu.memory_space<semaphore_mem>>)
      %mul3A_81 = arith.constant 2 : i32
      %mul3A_82 = arith.muli %mul3A_81, %while3A_59 : i32
      %add3A_83 = arith.constant 1 : i32
      %add3A_84 = arith.addi %mul3A_82, %add3A_83 : i32
      %dma_start3A_85 = arith.constant 1 : i32
      %dma_start3A_86 = arith.constant 1 : i32
      %dma_start3A_87 = arith.constant 0 : i32
      %dma_start3A_88 = arith.constant 0 : i32
      %dma_start3A_89 = tpu.memref_slice %arg7[%dma_start3A_85, %dma_start3A_87, %dma_start3A_88] : memref<2x128x128xf32, #tpu.memory_space<vmem>> -> memref<1x128x128xf32, #tpu.memory_space<vmem>>
      %dma_start3A_90 = tpu.memref_squeeze %dma_start3A_89 : memref<1x128x128xf32, #tpu.memory_space<vmem>> -> memref<128x128xf32, #tpu.memory_space<vmem>>
      %dma_start3A_91 = arith.constant 0 : i32
      %dma_start3A_92 = tpu.memref_slice %arg6[%add3A_84, %dma_start3A_91] : memref<80x128xi32, #tpu.memory_space<vmem>> -> memref<1x128xi32, #tpu.memory_space<vmem>>
      %dma_start3A_93 = tpu.memref_squeeze %dma_start3A_92 : memref<1x128xi32, #tpu.memory_space<vmem>> -> memref<128xi32, #tpu.memory_space<vmem>>
      %dma_start3A_94 = arith.constant 0 : i32
      %dma_start3A_95 = arith.constant 0 : i32
      %dma_start3A_96 = tpu.memref_slice %arg5[%dma_start3A_94, %dma_start3A_95] : memref<10000x128xf32, #tpu.memory_space<vmem_shared>> -> memref<10000x128xf32, #tpu.memory_space<vmem_shared>>
      %dma_start3A_97 = tpu.memref_slice %arg8[%dma_start3A_86] : memref<2x!tpu.dma_semaphore, #tpu.memory_space<semaphore_mem>> -> memref<1x!tpu.dma_semaphore, #tpu.memory_space<semaphore_mem>>
      %dma_start3A_98 = tpu.memref_squeeze %dma_start3A_97 : memref<1x!tpu.dma_semaphore, #tpu.memory_space<semaphore_mem>> -> memref<!tpu.dma_semaphore, #tpu.memory_space<semaphore_mem>>
      tpu.enqueue_indirect_dma source(%dma_start3A_96 : memref<10000x128xf32, #tpu.memory_space<vmem_shared>>) target(%dma_start3A_90 : memref<128x128xf32, #tpu.memory_space<vmem>>) offsets(%dma_start3A_93 : memref<128xi32, #tpu.memory_space<vmem>>) semaphore(%dma_start3A_98 : memref<!tpu.dma_semaphore, #tpu.memory_space<semaphore_mem>>)
      %dma_wait3A_99 = arith.constant 0 : i32
      %dma_wait3A_100 = arith.constant 0 : i32
      %dma_wait3A_101 = arith.constant 0 : i32
      %dma_wait3A_102 = arith.constant 0 : i32
      %dma_wait3A_103 = tpu.memref_slice %arg7[%dma_wait3A_99, %dma_wait3A_101, %dma_wait3A_102] : memref<2x128x128xf32, #tpu.memory_space<vmem>> -> memref<1x128x128xf32, #tpu.memory_space<vmem>>
      %dma_wait3A_104 = tpu.memref_squeeze %dma_wait3A_103 : memref<1x128x128xf32, #tpu.memory_space<vmem>> -> memref<128x128xf32, #tpu.memory_space<vmem>>
      %dma_wait3A_105 = arith.constant 0 : i32
      %dma_wait3A_106 = tpu.memref_slice %arg6[%add3A_67, %dma_wait3A_105] : memref<80x128xi32, #tpu.memory_space<vmem>> -> memref<1x128xi32, #tpu.memory_space<vmem>>
      %dma_wait3A_107 = tpu.memref_squeeze %dma_wait3A_106 : memref<1x128xi32, #tpu.memory_space<vmem>> -> memref<128xi32, #tpu.memory_space<vmem>>
      %dma_wait3A_108 = arith.constant 0 : i32
      %dma_wait3A_109 = arith.constant 0 : i32
      %dma_wait3A_110 = tpu.memref_slice %arg5[%dma_wait3A_108, %dma_wait3A_109] : memref<10000x128xf32, #tpu.memory_space<vmem_shared>> -> memref<10000x128xf32, #tpu.memory_space<vmem_shared>>
      %dma_wait3A_111 = tpu.memref_slice %arg8[%dma_wait3A_100] : memref<2x!tpu.dma_semaphore, #tpu.memory_space<semaphore_mem>> -> memref<1x!tpu.dma_semaphore, #tpu.memory_space<semaphore_mem>>
      %dma_wait3A_112 = tpu.memref_squeeze %dma_wait3A_111 : memref<1x!tpu.dma_semaphore, #tpu.memory_space<semaphore_mem>> -> memref<!tpu.dma_semaphore, #tpu.memory_space<semaphore_mem>>
      tpu.wait_indirect_dma semaphore(%dma_wait3A_112 : memref<!tpu.dma_semaphore, #tpu.memory_space<semaphore_mem>>) src(%dma_wait3A_110 : memref<10000x128xf32, #tpu.memory_space<vmem_shared>>) dst(%dma_wait3A_104 : memref<128x128xf32, #tpu.memory_space<vmem>>)
      %mul3A_113 = arith.constant 2 : i32
      %mul3A_114 = arith.muli %mul3A_113, %while3A_59 : i32
      %add3A_115 = arith.addi %mul3A_11, %mul3A_114 : i32
      %add3A_116 = arith.constant 0 : i32
      %add3A_117 = arith.addi %add3A_115, %add3A_116 : i32
      %mul3A_118 = arith.constant 128 : i32
      %mul3A_119 = arith.muli %add3A_117, %mul3A_118 : i32
      %dma_start3A_120 = arith.constant 0 : i32
      %dma_start3A_121 = arith.constant 0 : i32
      %dma_start3A_122 = arith.constant 0 : i32
      %dma_start3A_123 = arith.constant 0 : i32
      %dma_start3A_124 = tpu.memref_slice %arg7[%dma_start3A_120, %dma_start3A_122, %dma_start3A_123] : memref<2x128x128xf32, #tpu.memory_space<vmem>> -> memref<1x128x128xf32, #tpu.memory_space<vmem>>
      %dma_start3A_125 = tpu.memref_squeeze %dma_start3A_124 : memref<1x128x128xf32, #tpu.memory_space<vmem>> -> memref<128x128xf32, #tpu.memory_space<vmem>>
      %dma_start3A_126 = arith.constant 0 : i32
      %dma_start3A_127 = tpu.memref_slice %arg4[%mul3A_119, %dma_start3A_126] : memref<321536x128xf32, #tpu.memory_space<hbm>> -> memref<128x128xf32, #tpu.memory_space<hbm>>
      %dma_start3A_128 = tpu.memref_slice %arg9[%dma_start3A_121] : memref<2x!tpu.dma_semaphore, #tpu.memory_space<semaphore_mem>> -> memref<1x!tpu.dma_semaphore, #tpu.memory_space<semaphore_mem>>
      %dma_start3A_129 = tpu.memref_squeeze %dma_start3A_128 : memref<1x!tpu.dma_semaphore, #tpu.memory_space<semaphore_mem>> -> memref<!tpu.dma_semaphore, #tpu.memory_space<semaphore_mem>>
      %dma_start3A_130 = arith.constant 0 : i32
      %dma_start3A_131 = tpu.memref_slice %arg4[%mul3A_119, %dma_start3A_130] : memref<321536x128xf32, #tpu.memory_space<hbm>> -> memref<128x128xf32, #tpu.memory_space<hbm>>
      %dma_start3A_132 = arith.constant 0 : i32
      %dma_start3A_133 = arith.constant 0 : i32
      %dma_start3A_134 = tpu.memref_slice %arg7[%dma_start3A_120, %dma_start3A_132, %dma_start3A_133] : memref<2x128x128xf32, #tpu.memory_space<vmem>> -> memref<1x128x128xf32, #tpu.memory_space<vmem>>
      %dma_start3A_135 = tpu.memref_squeeze %dma_start3A_134 : memref<1x128x128xf32, #tpu.memory_space<vmem>> -> memref<128x128xf32, #tpu.memory_space<vmem>>
      tpu.enqueue_dma source(%dma_start3A_135 : memref<128x128xf32, #tpu.memory_space<vmem>>) target(%dma_start3A_131 : memref<128x128xf32, #tpu.memory_space<hbm>>) target_semaphore(%dma_start3A_129 : memref<!tpu.dma_semaphore, #tpu.memory_space<semaphore_mem>>)
      %dma_wait3A_136 = arith.constant 1 : i32
      %dma_wait3A_137 = arith.constant 1 : i32
      %dma_wait3A_138 = arith.constant 0 : i32
      %dma_wait3A_139 = arith.constant 0 : i32
      %dma_wait3A_140 = tpu.memref_slice %arg7[%dma_wait3A_136, %dma_wait3A_138, %dma_wait3A_139] : memref<2x128x128xf32, #tpu.memory_space<vmem>> -> memref<1x128x128xf32, #tpu.memory_space<vmem>>
      %dma_wait3A_141 = tpu.memref_squeeze %dma_wait3A_140 : memref<1x128x128xf32, #tpu.memory_space<vmem>> -> memref<128x128xf32, #tpu.memory_space<vmem>>
      %dma_wait3A_142 = arith.constant 0 : i32
      %dma_wait3A_143 = tpu.memref_slice %arg6[%add3A_84, %dma_wait3A_142] : memref<80x128xi32, #tpu.memory_space<vmem>> -> memref<1x128xi32, #tpu.memory_space<vmem>>
      %dma_wait3A_144 = tpu.memref_squeeze %dma_wait3A_143 : memref<1x128xi32, #tpu.memory_space<vmem>> -> memref<128xi32, #tpu.memory_space<vmem>>
      %dma_wait3A_145 = arith.constant 0 : i32
      %dma_wait3A_146 = arith.constant 0 : i32
      %dma_wait3A_147 = tpu.memref_slice %arg5[%dma_wait3A_145, %dma_wait3A_146] : memref<10000x128xf32, #tpu.memory_space<vmem_shared>> -> memref<10000x128xf32, #tpu.memory_space<vmem_shared>>
      %dma_wait3A_148 = tpu.memref_slice %arg8[%dma_wait3A_137] : memref<2x!tpu.dma_semaphore, #tpu.memory_space<semaphore_mem>> -> memref<1x!tpu.dma_semaphore, #tpu.memory_space<semaphore_mem>>
      %dma_wait3A_149 = tpu.memref_squeeze %dma_wait3A_148 : memref<1x!tpu.dma_semaphore, #tpu.memory_space<semaphore_mem>> -> memref<!tpu.dma_semaphore, #tpu.memory_space<semaphore_mem>>
      tpu.wait_indirect_dma semaphore(%dma_wait3A_149 : memref<!tpu.dma_semaphore, #tpu.memory_space<semaphore_mem>>) src(%dma_wait3A_147 : memref<10000x128xf32, #tpu.memory_space<vmem_shared>>) dst(%dma_wait3A_141 : memref<128x128xf32, #tpu.memory_space<vmem>>)
      %mul3A_150 = arith.constant 2 : i32
      %mul3A_151 = arith.muli %mul3A_150, %while3A_59 : i32
      %add3A_152 = arith.addi %mul3A_11, %mul3A_151 : i32
      %add3A_153 = arith.constant 1 : i32
      %add3A_154 = arith.addi %add3A_152, %add3A_153 : i32
      %mul3A_155 = arith.constant 128 : i32
      %mul3A_156 = arith.muli %add3A_154, %mul3A_155 : i32
      %dma_start3A_157 = arith.constant 1 : i32
      %dma_start3A_158 = arith.constant 1 : i32
      %dma_start3A_159 = arith.constant 0 : i32
      %dma_start3A_160 = arith.constant 0 : i32
      %dma_start3A_161 = tpu.memref_slice %arg7[%dma_start3A_157, %dma_start3A_159, %dma_start3A_160] : memref<2x128x128xf32, #tpu.memory_space<vmem>> -> memref<1x128x128xf32, #tpu.memory_space<vmem>>
      %dma_start3A_162 = tpu.memref_squeeze %dma_start3A_161 : memref<1x128x128xf32, #tpu.memory_space<vmem>> -> memref<128x128xf32, #tpu.memory_space<vmem>>
      %dma_start3A_163 = arith.constant 0 : i32
      %dma_start3A_164 = tpu.memref_slice %arg4[%mul3A_156, %dma_start3A_163] : memref<321536x128xf32, #tpu.memory_space<hbm>> -> memref<128x128xf32, #tpu.memory_space<hbm>>
      %dma_start3A_165 = tpu.memref_slice %arg9[%dma_start3A_158] : memref<2x!tpu.dma_semaphore, #tpu.memory_space<semaphore_mem>> -> memref<1x!tpu.dma_semaphore, #tpu.memory_space<semaphore_mem>>
      %dma_start3A_166 = tpu.memref_squeeze %dma_start3A_165 : memref<1x!tpu.dma_semaphore, #tpu.memory_space<semaphore_mem>> -> memref<!tpu.dma_semaphore, #tpu.memory_space<semaphore_mem>>
      %dma_start3A_167 = arith.constant 0 : i32
      %dma_start3A_168 = tpu.memref_slice %arg4[%mul3A_156, %dma_start3A_167] : memref<321536x128xf32, #tpu.memory_space<hbm>> -> memref<128x128xf32, #tpu.memory_space<hbm>>
      %dma_start3A_169 = arith.constant 0 : i32
      %dma_start3A_170 = arith.constant 0 : i32
      %dma_start3A_171 = tpu.memref_slice %arg7[%dma_start3A_157, %dma_start3A_169, %dma_start3A_170] : memref<2x128x128xf32, #tpu.memory_space<vmem>> -> memref<1x128x128xf32, #tpu.memory_space<vmem>>
      %dma_start3A_172 = tpu.memref_squeeze %dma_start3A_171 : memref<1x128x128xf32, #tpu.memory_space<vmem>> -> memref<128x128xf32, #tpu.memory_space<vmem>>
      tpu.enqueue_dma source(%dma_start3A_172 : memref<128x128xf32, #tpu.memory_space<vmem>>) target(%dma_start3A_168 : memref<128x128xf32, #tpu.memory_space<hbm>>) target_semaphore(%dma_start3A_166 : memref<!tpu.dma_semaphore, #tpu.memory_space<semaphore_mem>>)
    }
    %while3A_23 = arith.constant 1 : i32
    scf.for %while3A_59 = %while3A_21 to %while3A_17 step %while3A_23  : i32 {
      %gt3A = arith.constant 0 : i32
      %gt3A_60 = arith.cmpi sgt, %while3A_59, %gt3A : i32
      %convert_element_type3A_61 = arith.extui %gt3A_60 : i1 to i32
      %cond3A_62 = arith.constant 0 : i32
      %cond3A_63 = arith.cmpi ne, %convert_element_type3A_61, %cond3A_62 : i32
      scf.if %cond3A_63 {
        %dma_wait3A_173 = arith.constant 0 : i32
        %dma_wait3A_174 = arith.constant 0 : i32
        %dma_wait3A_175 = arith.constant 0 : i32
        %dma_wait3A_176 = arith.constant 0 : i32
        %dma_wait3A_177 = tpu.memref_slice %arg7[%dma_wait3A_173, %dma_wait3A_175, %dma_wait3A_176] : memref<2x128x128xf32, #tpu.memory_space<vmem>> -> memref<1x128x128xf32, #tpu.memory_space<vmem>>
        %dma_wait3A_178 = tpu.memref_squeeze %dma_wait3A_177 : memref<1x128x128xf32, #tpu.memory_space<vmem>> -> memref<128x128xf32, #tpu.memory_space<vmem>>
        %dma_wait3A_179 = arith.constant 0 : i32
        %dma_wait3A_180 = arith.constant 0 : i32
        %dma_wait3A_181 = tpu.memref_slice %arg4[%dma_wait3A_179, %dma_wait3A_180] : memref<321536x128xf32, #tpu.memory_space<hbm>> -> memref<128x128xf32, #tpu.memory_space<hbm>>
        %dma_wait3A_182 = tpu.memref_slice %arg9[%dma_wait3A_174] : memref<2x!tpu.dma_semaphore, #tpu.memory_space<semaphore_mem>> -> memref<1x!tpu.dma_semaphore, #tpu.memory_space<semaphore_mem>>
        %dma_wait3A_183 = tpu.memref_squeeze %dma_wait3A_182 : memref<1x!tpu.dma_semaphore, #tpu.memory_space<semaphore_mem>> -> memref<!tpu.dma_semaphore, #tpu.memory_space<semaphore_mem>>
        %dma_wait3A_184 = arith.constant 0 : i32
        %dma_wait3A_185 = arith.constant 0 : i32
        %dma_wait3A_186 = tpu.memref_slice %arg4[%dma_wait3A_184, %dma_wait3A_185] : memref<321536x128xf32, #tpu.memory_space<hbm>> -> memref<128x128xf32, #tpu.memory_space<hbm>>
        %dma_wait3A_187 = arith.constant 0 : i32
        %dma_wait3A_188 = arith.constant 0 : i32
        %dma_wait3A_189 = tpu.memref_slice %arg7[%dma_wait3A_173, %dma_wait3A_187, %dma_wait3A_188] : memref<2x128x128xf32, #tpu.memory_space<vmem>> -> memref<1x128x128xf32, #tpu.memory_space<vmem>>
        %dma_wait3A_190 = tpu.memref_squeeze %dma_wait3A_189 : memref<1x128x128xf32, #tpu.memory_space<vmem>> -> memref<128x128xf32, #tpu.memory_space<vmem>>
        tpu.wait_dma2 semaphore(%dma_wait3A_183 : memref<!tpu.dma_semaphore, #tpu.memory_space<semaphore_mem>>) src(%dma_wait3A_190 : memref<128x128xf32, #tpu.memory_space<vmem>>) dst(%dma_wait3A_186 : memref<128x128xf32, #tpu.memory_space<hbm>>)
        %dma_wait3A_191 = arith.constant 1 : i32
        %dma_wait3A_192 = arith.constant 1 : i32
        %dma_wait3A_193 = arith.constant 0 : i32
        %dma_wait3A_194 = arith.constant 0 : i32
        %dma_wait3A_195 = tpu.memref_slice %arg7[%dma_wait3A_191, %dma_wait3A_193, %dma_wait3A_194] : memref<2x128x128xf32, #tpu.memory_space<vmem>> -> memref<1x128x128xf32, #tpu.memory_space<vmem>>
        %dma_wait3A_196 = tpu.memref_squeeze %dma_wait3A_195 : memref<1x128x128xf32, #tpu.memory_space<vmem>> -> memref<128x128xf32, #tpu.memory_space<vmem>>
        %dma_wait3A_197 = arith.constant 0 : i32
        %dma_wait3A_198 = arith.constant 0 : i32
        %dma_wait3A_199 = tpu.memref_slice %arg4[%dma_wait3A_197, %dma_wait3A_198] : memref<321536x128xf32, #tpu.memory_space<hbm>> -> memref<128x128xf32, #tpu.memory_space<hbm>>
        %dma_wait3A_200 = tpu.memref_slice %arg9[%dma_wait3A_192] : memref<2x!tpu.dma_semaphore, #tpu.memory_space<semaphore_mem>> -> memref<1x!tpu.dma_semaphore, #tpu.memory_space<semaphore_mem>>
        %dma_wait3A_201 = tpu.memref_squeeze %dma_wait3A_200 : memref<1x!tpu.dma_semaphore, #tpu.memory_space<semaphore_mem>> -> memref<!tpu.dma_semaphore, #tpu.memory_space<semaphore_mem>>
        %dma_wait3A_202 = arith.constant 0 : i32
        %dma_wait3A_203 = arith.constant 0 : i32
        %dma_wait3A_204 = tpu.memref_slice %arg4[%dma_wait3A_202, %dma_wait3A_203] : memref<321536x128xf32, #tpu.memory_space<hbm>> -> memref<128x128xf32, #tpu.memory_space<hbm>>
        %dma_wait3A_205 = arith.constant 0 : i32
        %dma_wait3A_206 = arith.constant 0 : i32
        %dma_wait3A_207 = tpu.memref_slice %arg7[%dma_wait3A_191, %dma_wait3A_205, %dma_wait3A_206] : memref<2x128x128xf32, #tpu.memory_space<vmem>> -> memref<1x128x128xf32, #tpu.memory_space<vmem>>
        %dma_wait3A_208 = tpu.memref_squeeze %dma_wait3A_207 : memref<1x128x128xf32, #tpu.memory_space<vmem>> -> memref<128x128xf32, #tpu.memory_space<vmem>>
        tpu.wait_dma2 semaphore(%dma_wait3A_201 : memref<!tpu.dma_semaphore, #tpu.memory_space<semaphore_mem>>) src(%dma_wait3A_208 : memref<128x128xf32, #tpu.memory_space<vmem>>) dst(%dma_wait3A_204 : memref<128x128xf32, #tpu.memory_space<hbm>>)
      } else {
      }
      %mul3A_64 = arith.constant 2 : i32
      %mul3A_65 = arith.muli %mul3A_64, %while3A_59 : i32
      %add3A_66 = arith.constant 0 : i32
      %add3A_67 = arith.addi %mul3A_65, %add3A_66 : i32
      %dma_start3A = arith.constant 0 : i32
      %dma_start3A_68 = arith.constant 0 : i32
      %dma_start3A_69 = arith.constant 0 : i32
      %dma_start3A_70 = arith.constant 0 : i32
      %dma_start3A_71 = tpu.memref_slice %arg7[%dma_start3A, %dma_start3A_69, %dma_start3A_70] : memref<2x128x128xf32, #tpu.memory_space<vmem>> -> memref<1x128x128xf32, #tpu.memory_space<vmem>>
      %dma_start3A_72 = tpu.memref_squeeze %dma_start3A_71 : memref<1x128x128xf32, #tpu.memory_space<vmem>> -> memref<128x128xf32, #tpu.memory_space<vmem>>
      %dma_start3A_73 = arith.constant 0 : i32
      %dma_start3A_74 = tpu.memref_slice %arg6[%add3A_67, %dma_start3A_73] : memref<80x128xi32, #tpu.memory_space<vmem>> -> memref<1x128xi32, #tpu.memory_space<vmem>>
      %dma_start3A_75 = tpu.memref_squeeze %dma_start3A_74 : memref<1x128xi32, #tpu.memory_space<vmem>> -> memref<128xi32, #tpu.memory_space<vmem>>
      %dma_start3A_76 = arith.constant 0 : i32
      %dma_start3A_77 = arith.constant 0 : i32
      %dma_start3A_78 = tpu.memref_slice %arg5[%dma_start3A_76, %dma_start3A_77] : memref<10000x128xf32, #tpu.memory_space<vmem_shared>> -> memref<10000x128xf32, #tpu.memory_space<vmem_shared>>
      %dma_start3A_79 = tpu.memref_slice %arg8[%dma_start3A_68] : memref<2x!tpu.dma_semaphore, #tpu.memory_space<semaphore_mem>> -> memref<1x!tpu.dma_semaphore, #tpu.memory_space<semaphore_mem>>
      %dma_start3A_80 = tpu.memref_squeeze %dma_start3A_79 : memref<1x!tpu.dma_semaphore, #tpu.memory_space<semaphore_mem>> -> memref<!tpu.dma_semaphore, #tpu.memory_space<semaphore_mem>>
      tpu.enqueue_indirect_dma source(%dma_start3A_78 : memref<10000x128xf32, #tpu.memory_space<vmem_shared>>) target(%dma_start3A_72 : memref<128x128xf32, #tpu.memory_space<vmem>>) offsets(%dma_start3A_75 : memref<128xi32, #tpu.memory_space<vmem>>) semaphore(%dma_start3A_80 : memref<!tpu.dma_semaphore, #tpu.memory_space<semaphore_mem>>)
      %mul3A_81 = arith.constant 2 : i32
      %mul3A_82 = arith.muli %mul3A_81, %while3A_59 : i32
      %add3A_83 = arith.constant 1 : i32
      %add3A_84 = arith.addi %mul3A_82, %add3A_83 : i32
      %dma_start3A_85 = arith.constant 1 : i32
      %dma_start3A_86 = arith.constant 1 : i32
      %dma_start3A_87 = arith.constant 0 : i32
      %dma_start3A_88 = arith.constant 0 : i32
      %dma_start3A_89 = tpu.memref_slice %arg7[%dma_start3A_85, %dma_start3A_87, %dma_start3A_88] : memref<2x128x128xf32, #tpu.memory_space<vmem>> -> memref<1x128x128xf32, #tpu.memory_space<vmem>>
      %dma_start3A_90 = tpu.memref_squeeze %dma_start3A_89 : memref<1x128x128xf32, #tpu.memory_space<vmem>> -> memref<128x128xf32, #tpu.memory_space<vmem>>
      %dma_start3A_91 = arith.constant 0 : i32
      %dma_start3A_92 = tpu.memref_slice %arg6[%add3A_84, %dma_start3A_91] : memref<80x128xi32, #tpu.memory_space<vmem>> -> memref<1x128xi32, #tpu.memory_space<vmem>>
      %dma_start3A_93 = tpu.memref_squeeze %dma_start3A_92 : memref<1x128xi32, #tpu.memory_space<vmem>> -> memref<128xi32, #tpu.memory_space<vmem>>
      %dma_start3A_94 = arith.constant 0 : i32
      %dma_start3A_95 = arith.constant 0 : i32
      %dma_start3A_96 = tpu.memref_slice %arg5[%dma_start3A_94, %dma_start3A_95] : memref<10000x128xf32, #tpu.memory_space<vmem_shared>> -> memref<10000x128xf32, #tpu.memory_space<vmem_shared>>
      %dma_start3A_97 = tpu.memref_slice %arg8[%dma_start3A_86] : memref<2x!tpu.dma_semaphore, #tpu.memory_space<semaphore_mem>> -> memref<1x!tpu.dma_semaphore, #tpu.memory_space<semaphore_mem>>
      %dma_start3A_98 = tpu.memref_squeeze %dma_start3A_97 : memref<1x!tpu.dma_semaphore, #tpu.memory_space<semaphore_mem>> -> memref<!tpu.dma_semaphore, #tpu.memory_space<semaphore_mem>>
      tpu.enqueue_indirect_dma source(%dma_start3A_96 : memref<10000x128xf32, #tpu.memory_space<vmem_shared>>) target(%dma_start3A_90 : memref<128x128xf32, #tpu.memory_space<vmem>>) offsets(%dma_start3A_93 : memref<128xi32, #tpu.memory_space<vmem>>) semaphore(%dma_start3A_98 : memref<!tpu.dma_semaphore, #tpu.memory_space<semaphore_mem>>)
      %dma_wait3A_99 = arith.constant 0 : i32
      %dma_wait3A_100 = arith.constant 0 : i32
      %dma_wait3A_101 = arith.constant 0 : i32
      %dma_wait3A_102 = arith.constant 0 : i32
      %dma_wait3A_103 = tpu.memref_slice %arg7[%dma_wait3A_99, %dma_wait3A_101, %dma_wait3A_102] : memref<2x128x128xf32, #tpu.memory_space<vmem>> -> memref<1x128x128xf32, #tpu.memory_space<vmem>>
      %dma_wait3A_104 = tpu.memref_squeeze %dma_wait3A_103 : memref<1x128x128xf32, #tpu.memory_space<vmem>> -> memref<128x128xf32, #tpu.memory_space<vmem>>
      %dma_wait3A_105 = arith.constant 0 : i32
      %dma_wait3A_106 = tpu.memref_slice %arg6[%add3A_67, %dma_wait3A_105] : memref<80x128xi32, #tpu.memory_space<vmem>> -> memref<1x128xi32, #tpu.memory_space<vmem>>
      %dma_wait3A_107 = tpu.memref_squeeze %dma_wait3A_106 : memref<1x128xi32, #tpu.memory_space<vmem>> -> memref<128xi32, #tpu.memory_space<vmem>>
      %dma_wait3A_108 = arith.constant 0 : i32
      %dma_wait3A_109 = arith.constant 0 : i32
      %dma_wait3A_110 = tpu.memref_slice %arg5[%dma_wait3A_108, %dma_wait3A_109] : memref<10000x128xf32, #tpu.memory_space<vmem_shared>> -> memref<10000x128xf32, #tpu.memory_space<vmem_shared>>
      %dma_wait3A_111 = tpu.memref_slice %arg8[%dma_wait3A_100] : memref<2x!tpu.dma_semaphore, #tpu.memory_space<semaphore_mem>> -> memref<1x!tpu.dma_semaphore, #tpu.memory_space<semaphore_mem>>
      %dma_wait3A_112 = tpu.memref_squeeze %dma_wait3A_111 : memref<1x!tpu.dma_semaphore, #tpu.memory_space<semaphore_mem>> -> memref<!tpu.dma_semaphore, #tpu.memory_space<semaphore_mem>>
      tpu.wait_indirect_dma semaphore(%dma_wait3A_112 : memref<!tpu.dma_semaphore, #tpu.memory_space<semaphore_mem>>) src(%dma_wait3A_110 : memref<10000x128xf32, #tpu.memory_space<vmem_shared>>) dst(%dma_wait3A_104 : memref<128x128xf32, #tpu.memory_space<vmem>>)
      %mul3A_113 = arith.constant 2 : i32
      %mul3A_114 = arith.muli %mul3A_113, %while3A_59 : i32
      %add3A_115 = arith.addi %mul3A_11, %mul3A_114 : i32
      %add3A_116 = arith.constant 0 : i32
      %add3A_117 = arith.addi %add3A_115, %add3A_116 : i32
      %mul3A_118 = arith.constant 128 : i32
      %mul3A_119 = arith.muli %add3A_117, %mul3A_118 : i32
      %dma_start3A_120 = arith.constant 0 : i32
      %dma_start3A_121 = arith.constant 0 : i32
      %dma_start3A_122 = arith.constant 0 : i32
      %dma_start3A_123 = arith.constant 0 : i32
      %dma_start3A_124 = tpu.memref_slice %arg7[%dma_start3A_120, %dma_start3A_122, %dma_start3A_123] : memref<2x128x128xf32, #tpu.memory_space<vmem>> -> memref<1x128x128xf32, #tpu.memory_space<vmem>>
      %dma_start3A_125 = tpu.memref_squeeze %dma_start3A_124 : memref<1x128x128xf32, #tpu.memory_space<vmem>> -> memref<128x128xf32, #tpu.memory_space<vmem>>
      %dma_start3A_126 = arith.constant 0 : i32
      %dma_start3A_127 = tpu.memref_slice %arg4[%mul3A_119, %dma_start3A_126] : memref<321536x128xf32, #tpu.memory_space<hbm>> -> memref<128x128xf32, #tpu.memory_space<hbm>>
      %dma_start3A_128 = tpu.memref_slice %arg9[%dma_start3A_121] : memref<2x!tpu.dma_semaphore, #tpu.memory_space<semaphore_mem>> -> memref<1x!tpu.dma_semaphore, #tpu.memory_space<semaphore_mem>>
      %dma_start3A_129 = tpu.memref_squeeze %dma_start3A_128 : memref<1x!tpu.dma_semaphore, #tpu.memory_space<semaphore_mem>> -> memref<!tpu.dma_semaphore, #tpu.memory_space<semaphore_mem>>
      %dma_start3A_130 = arith.constant 0 : i32
      %dma_start3A_131 = tpu.memref_slice %arg4[%mul3A_119, %dma_start3A_130] : memref<321536x128xf32, #tpu.memory_space<hbm>> -> memref<128x128xf32, #tpu.memory_space<hbm>>
      %dma_start3A_132 = arith.constant 0 : i32
      %dma_start3A_133 = arith.constant 0 : i32
      %dma_start3A_134 = tpu.memref_slice %arg7[%dma_start3A_120, %dma_start3A_132, %dma_start3A_133] : memref<2x128x128xf32, #tpu.memory_space<vmem>> -> memref<1x128x128xf32, #tpu.memory_space<vmem>>
      %dma_start3A_135 = tpu.memref_squeeze %dma_start3A_134 : memref<1x128x128xf32, #tpu.memory_space<vmem>> -> memref<128x128xf32, #tpu.memory_space<vmem>>
      tpu.enqueue_dma source(%dma_start3A_135 : memref<128x128xf32, #tpu.memory_space<vmem>>) target(%dma_start3A_131 : memref<128x128xf32, #tpu.memory_space<hbm>>) target_semaphore(%dma_start3A_129 : memref<!tpu.dma_semaphore, #tpu.memory_space<semaphore_mem>>)
      %dma_wait3A_136 = arith.constant 1 : i32
      %dma_wait3A_137 = arith.constant 1 : i32
      %dma_wait3A_138 = arith.constant 0 : i32
      %dma_wait3A_139 = arith.constant 0 : i32
      %dma_wait3A_140 = tpu.memref_slice %arg7[%dma_wait3A_136, %dma_wait3A_138, %dma_wait3A_139] : memref<2x128x128xf32, #tpu.memory_space<vmem>> -> memref<1x128x128xf32, #tpu.memory_space<vmem>>
      %dma_wait3A_141 = tpu.memref_squeeze %dma_wait3A_140 : memref<1x128x128xf32, #tpu.memory_space<vmem>> -> memref<128x128xf32, #tpu.memory_space<vmem>>
      %dma_wait3A_142 = arith.constant 0 : i32
      %dma_wait3A_143 = tpu.memref_slice %arg6[%add3A_84, %dma_wait3A_142] : memref<80x128xi32, #tpu.memory_space<vmem>> -> memref<1x128xi32, #tpu.memory_space<vmem>>
      %dma_wait3A_144 = tpu.memref_squeeze %dma_wait3A_143 : memref<1x128xi32, #tpu.memory_space<vmem>> -> memref<128xi32, #tpu.memory_space<vmem>>
      %dma_wait3A_145 = arith.constant 0 : i32
      %dma_wait3A_146 = arith.constant 0 : i32
      %dma_wait3A_147 = tpu.memref_slice %arg5[%dma_wait3A_145, %dma_wait3A_146] : memref<10000x128xf32, #tpu.memory_space<vmem_shared>> -> memref<10000x128xf32, #tpu.memory_space<vmem_shared>>
      %dma_wait3A_148 = tpu.memref_slice %arg8[%dma_wait3A_137] : memref<2x!tpu.dma_semaphore, #tpu.memory_space<semaphore_mem>> -> memref<1x!tpu.dma_semaphore, #tpu.memory_space<semaphore_mem>>
      %dma_wait3A_149 = tpu.memref_squeeze %dma_wait3A_148 : memref<1x!tpu.dma_semaphore, #tpu.memory_space<semaphore_mem>> -> memref<!tpu.dma_semaphore, #tpu.memory_space<semaphore_mem>>
      tpu.wait_indirect_dma semaphore(%dma_wait3A_149 : memref<!tpu.dma_semaphore, #tpu.memory_space<semaphore_mem>>) src(%dma_wait3A_147 : memref<10000x128xf32, #tpu.memory_space<vmem_shared>>) dst(%dma_wait3A_141 : memref<128x128xf32, #tpu.memory_space<vmem>>)
      %mul3A_150 = arith.constant 2 : i32
      %mul3A_151 = arith.muli %mul3A_150, %while3A_59 : i32
      %add3A_152 = arith.addi %mul3A_11, %mul3A_151 : i32
      %add3A_153 = arith.constant 1 : i32
      %add3A_154 = arith.addi %add3A_152, %add3A_153 : i32
      %mul3A_155 = arith.constant 128 : i32
      %mul3A_156 = arith.muli %add3A_154, %mul3A_155 : i32
      %dma_start3A_157 = arith.constant 1 : i32
      %dma_start3A_158 = arith.constant 1 : i32
      %dma_start3A_159 = arith.constant 0 : i32
      %dma_start3A_160 = arith.constant 0 : i32
      %dma_start3A_161 = tpu.memref_slice %arg7[%dma_start3A_157, %dma_start3A_159, %dma_start3A_160] : memref<2x128x128xf32, #tpu.memory_space<vmem>> -> memref<1x128x128xf32, #tpu.memory_space<vmem>>
      %dma_start3A_162 = tpu.memref_squeeze %dma_start3A_161 : memref<1x128x128xf32, #tpu.memory_space<vmem>> -> memref<128x128xf32, #tpu.memory_space<vmem>>
      %dma_start3A_163 = arith.constant 0 : i32
      %dma_start3A_164 = tpu.memref_slice %arg4[%mul3A_156, %dma_start3A_163] : memref<321536x128xf32, #tpu.memory_space<hbm>> -> memref<128x128xf32, #tpu.memory_space<hbm>>
      %dma_start3A_165 = tpu.memref_slice %arg9[%dma_start3A_158] : memref<2x!tpu.dma_semaphore, #tpu.memory_space<semaphore_mem>> -> memref<1x!tpu.dma_semaphore, #tpu.memory_space<semaphore_mem>>
      %dma_start3A_166 = tpu.memref_squeeze %dma_start3A_165 : memref<1x!tpu.dma_semaphore, #tpu.memory_space<semaphore_mem>> -> memref<!tpu.dma_semaphore, #tpu.memory_space<semaphore_mem>>
      %dma_start3A_167 = arith.constant 0 : i32
      %dma_start3A_168 = tpu.memref_slice %arg4[%mul3A_156, %dma_start3A_167] : memref<321536x128xf32, #tpu.memory_space<hbm>> -> memref<128x128xf32, #tpu.memory_space<hbm>>
      %dma_start3A_169 = arith.constant 0 : i32
      %dma_start3A_170 = arith.constant 0 : i32
      %dma_start3A_171 = tpu.memref_slice %arg7[%dma_start3A_157, %dma_start3A_169, %dma_start3A_170] : memref<2x128x128xf32, #tpu.memory_space<vmem>> -> memref<1x128x128xf32, #tpu.memory_space<vmem>>
      %dma_start3A_172 = tpu.memref_squeeze %dma_start3A_171 : memref<1x128x128xf32, #tpu.memory_space<vmem>> -> memref<128x128xf32, #tpu.memory_space<vmem>>
      tpu.enqueue_dma source(%dma_start3A_172 : memref<128x128xf32, #tpu.memory_space<vmem>>) target(%dma_start3A_168 : memref<128x128xf32, #tpu.memory_space<hbm>>) target_semaphore(%dma_start3A_166 : memref<!tpu.dma_semaphore, #tpu.memory_space<semaphore_mem>>)
    }
    %dma_wait3A = arith.constant 0 : i32
    %dma_wait3A_24 = arith.constant 0 : i32
    %dma_wait3A_25 = arith.constant 0 : i32
    %dma_wait3A_26 = arith.constant 0 : i32
    %dma_wait3A_27 = tpu.memref_slice %arg7[%dma_wait3A, %dma_wait3A_25, %dma_wait3A_26] : memref<2x128x128xf32, #tpu.memory_space<vmem>> -> memref<1x128x128xf32, #tpu.memory_space<vmem>>
    %dma_wait3A_28 = tpu.memref_squeeze %dma_wait3A_27 : memref<1x128x128xf32, #tpu.memory_space<vmem>> -> memref<128x128xf32, #tpu.memory_space<vmem>>
    %dma_wait3A_29 = arith.constant 0 : i32
    %dma_wait3A_30 = arith.constant 0 : i32
    %dma_wait3A_31 = tpu.memref_slice %arg4[%dma_wait3A_29, %dma_wait3A_30] : memref<321536x128xf32, #tpu.memory_space<hbm>> -> memref<128x128xf32, #tpu.memory_space<hbm>>
    %dma_wait3A_32 = tpu.memref_slice %arg9[%dma_wait3A_24] : memref<2x!tpu.dma_semaphore, #tpu.memory_space<semaphore_mem>> -> memref<1x!tpu.dma_semaphore, #tpu.memory_space<semaphore_mem>>
    %dma_wait3A_33 = tpu.memref_squeeze %dma_wait3A_32 : memref<1x!tpu.dma_semaphore, #tpu.memory_space<semaphore_mem>> -> memref<!tpu.dma_semaphore, #tpu.memory_space<semaphore_mem>>
    %dma_wait3A_34 = arith.constant 0 : i32
    %dma_wait3A_35 = arith.constant 0 : i32
    %dma_wait3A_36 = tpu.memref_slice %arg4[%dma_wait3A_34, %dma_wait3A_35] : memref<321536x128xf32, #tpu.memory_space<hbm>> -> memref<128x128xf32, #tpu.memory_space<hbm>>
    %dma_wait3A_37 = arith.constant 0 : i32
    %dma_wait3A_38 = arith.constant 0 : i32
    %dma_wait3A_39 = tpu.memref_slice %arg7[%dma_wait3A, %dma_wait3A_37, %dma_wait3A_38] : memref<2x128x128xf32, #tpu.memory_space<vmem>> -> memref<1x128x128xf32, #tpu.memory_space<vmem>>
    %dma_wait3A_40 = tpu.memref_squeeze %dma_wait3A_39 : memref<1x128x128xf32, #tpu.memory_space<vmem>> -> memref<128x128xf32, #tpu.memory_space<vmem>>
    tpu.wait_dma2 semaphore(%dma_wait3A_33 : memref<!tpu.dma_semaphore, #tpu.memory_space<semaphore_mem>>) src(%dma_wait3A_40 : memref<128x128xf32, #tpu.memory_space<vmem>>) dst(%dma_wait3A_36 : memref<128x128xf32, #tpu.memory_space<hbm>>)
    %dma_wait3A_41 = arith.constant 1 : i32
    %dma_wait3A_42 = arith.constant 1 : i32
    %dma_wait3A_43 = arith.constant 0 : i32
    %dma_wait3A_44 = arith.constant 0 : i32
    %dma_wait3A_45 = tpu.memref_slice %arg7[%dma_wait3A_41, %dma_wait3A_43, %dma_wait3A_44] : memref<2x128x128xf32, #tpu.memory_space<vmem>> -> memref<1x128x128xf32, #tpu.memory_space<vmem>>
    %dma_wait3A_46 = tpu.memref_squeeze %dma_wait3A_45 : memref<1x128x128xf32, #tpu.memory_space<vmem>> -> memref<128x128xf32, #tpu.memory_space<vmem>>
    %dma_wait3A_47 = arith.constant 0 : i32
    %dma_wait3A_48 = arith.constant 0 : i32
    %dma_wait3A_49 = tpu.memref_slice %arg4[%dma_wait3A_47, %dma_wait3A_48] : memref<321536x128xf32, #tpu.memory_space<hbm>> -> memref<128x128xf32, #tpu.memory_space<hbm>>
    %dma_wait3A_50 = tpu.memref_slice %arg9[%dma_wait3A_42] : memref<2x!tpu.dma_semaphore, #tpu.memory_space<semaphore_mem>> -> memref<1x!tpu.dma_semaphore, #tpu.memory_space<semaphore_mem>>
    %dma_wait3A_51 = tpu.memref_squeeze %dma_wait3A_50 : memref<1x!tpu.dma_semaphore, #tpu.memory_space<semaphore_mem>> -> memref<!tpu.dma_semaphore, #tpu.memory_space<semaphore_mem>>
    %dma_wait3A_52 = arith.constant 0 : i32
    %dma_wait3A_53 = arith.constant 0 : i32
    %dma_wait3A_54 = tpu.memref_slice %arg4[%dma_wait3A_52, %dma_wait3A_53] : memref<321536x128xf32, #tpu.memory_space<hbm>> -> memref<128x128xf32, #tpu.memory_space<hbm>>
    %dma_wait3A_55 = arith.constant 0 : i32
    %dma_wait3A_56 = arith.constant 0 : i32
    %dma_wait3A_57 = tpu.memref_slice %arg7[%dma_wait3A_41, %dma_wait3A_55, %dma_wait3A_56] : memref<2x128x128xf32, #tpu.memory_space<vmem>> -> memref<1x128x128xf32, #tpu.memory_space<vmem>>
    %dma_wait3A_58 = tpu.memref_squeeze %dma_wait3A_57 : memref<1x128x128xf32, #tpu.memory_space<vmem>> -> memref<128x128xf32, #tpu.memory_space<vmem>>
    tpu.wait_dma2 semaphore(%dma_wait3A_51 : memref<!tpu.dma_semaphore, #tpu.memory_space<semaphore_mem>>) src(%dma_wait3A_58 : memref<128x128xf32, #tpu.memory_space<vmem>>) dst(%dma_wait3A_54 : memref<128x128xf32, #tpu.memory_space<hbm>>)
    return
  }
}

#map = affine_map<(d0, d1) -> (0, 0)>
module attributes {stable_mosaic.version = 14 : i64} {
  func.func @sc_gather(%arg0: i32, %arg1: i32, %arg2: memref<10000x128xf32, #tpu.memory_space<hbm>>, %arg3: memref<2520x128xi32, #tpu.memory_space<hbm>>, %arg4: memref<321536x128xf32, #tpu.memory_space<hbm>>, %arg5: memref<10000x128xf32, #tpu.memory_space<vmem_shared>>, %arg6: memref<80x128xi32, #tpu.memory_space<vmem>>, %arg7: memref<2x128x128xf32, #tpu.memory_space<vmem>>, %arg8: memref<2x!tpu.dma_semaphore, #tpu.memory_space<semaphore_mem>>, %arg9: memref<2x!tpu.dma_semaphore, #tpu.memory_space<semaphore_mem>>) attributes {dimension_semantics = [#tpu.dimension_semantics<core_parallel>, #tpu.dimension_semantics<subcore_parallel>], iteration_bounds = array<i64: 2, 16>, scalar_prefetch = 0 : i64, scratch_operands = 5 : i64, tpu.core_type = #tpu.core_type<sc_vector_subcore>, window_params = [{transform_indices = #map}, {transform_indices = #map}, {transform_indices = #map}]} {
    %mul3A = arith.constant 2 : i32
    %mul3A_0 = arith.muli %arg1, %mul3A : i32
    %add3A = arith.addi %mul3A_0, %arg0 : i32
    %mul3A_1 = arith.constant 9 : i32
    %mul3A_2 = arith.muli %add3A, %mul3A_1 : i32
    %min3A = arith.constant 26 : i32
    %min3A_3 = arith.minsi %add3A, %min3A : i32
    %add3A_4 = arith.addi %mul3A_2, %min3A_3 : i32
    %lt3A = arith.constant 26 : i32
    %lt3A_5 = arith.cmpi slt, %add3A, %lt3A : i32
    %convert_element_type3A = arith.extui %lt3A_5 : i1 to i32
    %add3A_6 = arith.constant 9 : i32
    %add3A_7 = arith.addi %add3A_6, %convert_element_type3A : i32
    %mul3A_8 = arith.constant 4 : i32
    %mul3A_9 = arith.muli %mul3A_8, %add3A_7 : i32
    %mul3A_10 = arith.constant 8 : i32
    %mul3A_11 = arith.muli %add3A_4, %mul3A_10 : i32
    "tpu.region"() ({
      %run_scoped3A = tpu.sem_alloc : memref<!tpu.dma_semaphore, #tpu.memory_space<semaphore_mem>>
      %dma_start3A = arith.constant 0 : i32
      %dma_start3A_59 = tpu.memref_slice %arg3[%mul3A_11, %dma_start3A] : memref<2520x128xi32, #tpu.memory_space<hbm>> -> memref<80x128xi32, #tpu.memory_space<hbm>>
      %dma_start3A_60 = arith.constant 0 : i32
      %dma_start3A_61 = tpu.memref_slice %arg3[%mul3A_11, %dma_start3A_60] : memref<2520x128xi32, #tpu.memory_space<hbm>> -> memref<80x128xi32, #tpu.memory_space<hbm>>
      tpu.enqueue_dma source(%dma_start3A_61 : memref<80x128xi32, #tpu.memory_space<hbm>>) target(%arg6 : memref<80x128xi32, #tpu.memory_space<vmem>>) target_semaphore(%run_scoped3A : memref<!tpu.dma_semaphore, #tpu.memory_space<semaphore_mem>>)
      %dma_wait3A_62 = arith.constant 0 : i32
      %dma_wait3A_63 = tpu.memref_slice %arg3[%mul3A_11, %dma_wait3A_62] : memref<2520x128xi32, #tpu.memory_space<hbm>> -> memref<80x128xi32, #tpu.memory_space<hbm>>
      %dma_wait3A_64 = arith.constant 0 : i32
      %dma_wait3A_65 = tpu.memref_slice %arg3[%mul3A_11, %dma_wait3A_64] : memref<2520x128xi32, #tpu.memory_space<hbm>> -> memref<80x128xi32, #tpu.memory_space<hbm>>
      tpu.wait_dma2 semaphore(%run_scoped3A : memref<!tpu.dma_semaphore, #tpu.memory_space<semaphore_mem>>) src(%dma_wait3A_65 : memref<80x128xi32, #tpu.memory_space<hbm>>) dst(%arg6 : memref<80x128xi32, #tpu.memory_space<vmem>>)
      tpu.yield
    }) : () -> ()
    %eq3A = arith.constant 0 : i32
    %eq3A_12 = arith.cmpi eq, %arg1, %eq3A : i32
    %convert_element_type3A_13 = arith.extui %eq3A_12 : i1 to i32
    %cond3A = arith.constant 0 : i32
    %cond3A_14 = arith.cmpi ne, %convert_element_type3A_13, %cond3A : i32
    scf.if %cond3A_14 {
      "tpu.region"() ({
        %run_scoped3A = tpu.sem_alloc : memref<!tpu.dma_semaphore, #tpu.memory_space<semaphore_mem>>
        tpu.enqueue_dma source(%arg2 : memref<10000x128xf32, #tpu.memory_space<hbm>>) target(%arg5 : memref<10000x128xf32, #tpu.memory_space<vmem_shared>>) target_semaphore(%run_scoped3A : memref<!tpu.dma_semaphore, #tpu.memory_space<semaphore_mem>>)
        tpu.wait_dma2 semaphore(%run_scoped3A : memref<!tpu.dma_semaphore, #tpu.memory_space<semaphore_mem>>) src(%arg2 : memref<10000x128xf32, #tpu.memory_space<hbm>>) dst(%arg5 : memref<10000x128xf32, #tpu.memory_space<vmem_shared>>)
        tpu.yield
      }) : () -> ()
    } else {
    }
    %barrier3A = arith.constant 0 : index
    tpu.barrier barrier_id(%barrier3A)
    %while3A = arith.constant 0 : i32
    %while3A_15 = arith.constant 0 : i32
    %while3A_16 = arith.subi %mul3A_9, %while3A_15 : i32
    %while3A_17 = arith.addi %while3A_15, %while3A_16 : i32
    %while3A_18 = arith.constant 1 : i32
    %while3A_19 = arith.divsi %while3A_16, %while3A_18 : i32
    %while3A_20 = arith.muli %while3A_19, %while3A_18 : i32
    %while3A_21 = arith.addi %while3A_15, %while3A_20 : i32
    %while3A_22 = arith.constant 1 : i32
    scf.for %while3A_59 = %while3A_15 to %while3A_21 step %while3A_22  : i32 {
      %gt3A = arith.constant 0 : i32
      %gt3A_60 = arith.cmpi sgt, %while3A_59, %gt3A : i32
      %convert_element_type3A_61 = arith.extui %gt3A_60 : i1 to i32
      %cond3A_62 = arith.constant 0 : i32
      %cond3A_63 = arith.cmpi ne, %convert_element_type3A_61, %cond3A_62 : i32
      scf.if %cond3A_63 {
        %dma_wait3A_173 = arith.constant 0 : i32
        %dma_wait3A_174 = arith.constant 0 : i32
        %dma_wait3A_175 = arith.constant 0 : i32
        %dma_wait3A_176 = arith.constant 0 : i32
        %dma_wait3A_177 = tpu.memref_slice %arg7[%dma_wait3A_173, %dma_wait3A_175, %dma_wait3A_176] : memref<2x128x128xf32, #tpu.memory_space<vmem>> -> memref<1x128x128xf32, #tpu.memory_space<vmem>>
        %dma_wait3A_178 = tpu.memref_squeeze %dma_wait3A_177 : memref<1x128x128xf32, #tpu.memory_space<vmem>> -> memref<128x128xf32, #tpu.memory_space<vmem>>
        %dma_wait3A_179 = arith.constant 0 : i32
        %dma_wait3A_180 = arith.constant 0 : i32
        %dma_wait3A_181 = tpu.memref_slice %arg4[%dma_wait3A_179, %dma_wait3A_180] : memref<321536x128xf32, #tpu.memory_space<hbm>> -> memref<128x128xf32, #tpu.memory_space<hbm>>
        %dma_wait3A_182 = tpu.memref_slice %arg9[%dma_wait3A_174] : memref<2x!tpu.dma_semaphore, #tpu.memory_space<semaphore_mem>> -> memref<1x!tpu.dma_semaphore, #tpu.memory_space<semaphore_mem>>
        %dma_wait3A_183 = tpu.memref_squeeze %dma_wait3A_182 : memref<1x!tpu.dma_semaphore, #tpu.memory_space<semaphore_mem>> -> memref<!tpu.dma_semaphore, #tpu.memory_space<semaphore_mem>>
        %dma_wait3A_184 = arith.constant 0 : i32
        %dma_wait3A_185 = arith.constant 0 : i32
        %dma_wait3A_186 = tpu.memref_slice %arg4[%dma_wait3A_184, %dma_wait3A_185] : memref<321536x128xf32, #tpu.memory_space<hbm>> -> memref<128x128xf32, #tpu.memory_space<hbm>>
        %dma_wait3A_187 = arith.constant 0 : i32
        %dma_wait3A_188 = arith.constant 0 : i32
        %dma_wait3A_189 = tpu.memref_slice %arg7[%dma_wait3A_173, %dma_wait3A_187, %dma_wait3A_188] : memref<2x128x128xf32, #tpu.memory_space<vmem>> -> memref<1x128x128xf32, #tpu.memory_space<vmem>>
        %dma_wait3A_190 = tpu.memref_squeeze %dma_wait3A_189 : memref<1x128x128xf32, #tpu.memory_space<vmem>> -> memref<128x128xf32, #tpu.memory_space<vmem>>
        tpu.wait_dma2 semaphore(%dma_wait3A_183 : memref<!tpu.dma_semaphore, #tpu.memory_space<semaphore_mem>>) src(%dma_wait3A_190 : memref<128x128xf32, #tpu.memory_space<vmem>>) dst(%dma_wait3A_186 : memref<128x128xf32, #tpu.memory_space<hbm>>)
        %dma_wait3A_191 = arith.constant 1 : i32
        %dma_wait3A_192 = arith.constant 1 : i32
        %dma_wait3A_193 = arith.constant 0 : i32
        %dma_wait3A_194 = arith.constant 0 : i32
        %dma_wait3A_195 = tpu.memref_slice %arg7[%dma_wait3A_191, %dma_wait3A_193, %dma_wait3A_194] : memref<2x128x128xf32, #tpu.memory_space<vmem>> -> memref<1x128x128xf32, #tpu.memory_space<vmem>>
        %dma_wait3A_196 = tpu.memref_squeeze %dma_wait3A_195 : memref<1x128x128xf32, #tpu.memory_space<vmem>> -> memref<128x128xf32, #tpu.memory_space<vmem>>
        %dma_wait3A_197 = arith.constant 0 : i32
        %dma_wait3A_198 = arith.constant 0 : i32
        %dma_wait3A_199 = tpu.memref_slice %arg4[%dma_wait3A_197, %dma_wait3A_198] : memref<321536x128xf32, #tpu.memory_space<hbm>> -> memref<128x128xf32, #tpu.memory_space<hbm>>
        %dma_wait3A_200 = tpu.memref_slice %arg9[%dma_wait3A_192] : memref<2x!tpu.dma_semaphore, #tpu.memory_space<semaphore_mem>> -> memref<1x!tpu.dma_semaphore, #tpu.memory_space<semaphore_mem>>
        %dma_wait3A_201 = tpu.memref_squeeze %dma_wait3A_200 : memref<1x!tpu.dma_semaphore, #tpu.memory_space<semaphore_mem>> -> memref<!tpu.dma_semaphore, #tpu.memory_space<semaphore_mem>>
        %dma_wait3A_202 = arith.constant 0 : i32
        %dma_wait3A_203 = arith.constant 0 : i32
        %dma_wait3A_204 = tpu.memref_slice %arg4[%dma_wait3A_202, %dma_wait3A_203] : memref<321536x128xf32, #tpu.memory_space<hbm>> -> memref<128x128xf32, #tpu.memory_space<hbm>>
        %dma_wait3A_205 = arith.constant 0 : i32
        %dma_wait3A_206 = arith.constant 0 : i32
        %dma_wait3A_207 = tpu.memref_slice %arg7[%dma_wait3A_191, %dma_wait3A_205, %dma_wait3A_206] : memref<2x128x128xf32, #tpu.memory_space<vmem>> -> memref<1x128x128xf32, #tpu.memory_space<vmem>>
        %dma_wait3A_208 = tpu.memref_squeeze %dma_wait3A_207 : memref<1x128x128xf32, #tpu.memory_space<vmem>> -> memref<128x128xf32, #tpu.memory_space<vmem>>
        tpu.wait_dma2 semaphore(%dma_wait3A_201 : memref<!tpu.dma_semaphore, #tpu.memory_space<semaphore_mem>>) src(%dma_wait3A_208 : memref<128x128xf32, #tpu.memory_space<vmem>>) dst(%dma_wait3A_204 : memref<128x128xf32, #tpu.memory_space<hbm>>)
      } else {
      }
      %mul3A_64 = arith.constant 2 : i32
      %mul3A_65 = arith.muli %mul3A_64, %while3A_59 : i32
      %add3A_66 = arith.constant 0 : i32
      %add3A_67 = arith.addi %mul3A_65, %add3A_66 : i32
      %dma_start3A = arith.constant 0 : i32
      %dma_start3A_68 = arith.constant 0 : i32
      %dma_start3A_69 = arith.constant 0 : i32
      %dma_start3A_70 = arith.constant 0 : i32
      %dma_start3A_71 = tpu.memref_slice %arg7[%dma_start3A, %dma_start3A_69, %dma_start3A_70] : memref<2x128x128xf32, #tpu.memory_space<vmem>> -> memref<1x128x128xf32, #tpu.memory_space<vmem>>
      %dma_start3A_72 = tpu.memref_squeeze %dma_start3A_71 : memref<1x128x128xf32, #tpu.memory_space<vmem>> -> memref<128x128xf32, #tpu.memory_space<vmem>>
      %dma_start3A_73 = arith.constant 0 : i32
      %dma_start3A_74 = tpu.memref_slice %arg6[%add3A_67, %dma_start3A_73] : memref<80x128xi32, #tpu.memory_space<vmem>> -> memref<1x128xi32, #tpu.memory_space<vmem>>
      %dma_start3A_75 = tpu.memref_squeeze %dma_start3A_74 : memref<1x128xi32, #tpu.memory_space<vmem>> -> memref<128xi32, #tpu.memory_space<vmem>>
      %dma_start3A_76 = arith.constant 0 : i32
      %dma_start3A_77 = arith.constant 0 : i32
      %dma_start3A_78 = tpu.memref_slice %arg5[%dma_start3A_76, %dma_start3A_77] : memref<10000x128xf32, #tpu.memory_space<vmem_shared>> -> memref<10000x128xf32, #tpu.memory_space<vmem_shared>>
      %dma_start3A_79 = tpu.memref_slice %arg8[%dma_start3A_68] : memref<2x!tpu.dma_semaphore, #tpu.memory_space<semaphore_mem>> -> memref<1x!tpu.dma_semaphore, #tpu.memory_space<semaphore_mem>>
      %dma_start3A_80 = tpu.memref_squeeze %dma_start3A_79 : memref<1x!tpu.dma_semaphore, #tpu.memory_space<semaphore_mem>> -> memref<!tpu.dma_semaphore, #tpu.memory_space<semaphore_mem>>
      tpu.enqueue_indirect_dma source(%dma_start3A_78 : memref<10000x128xf32, #tpu.memory_space<vmem_shared>>) target(%dma_start3A_72 : memref<128x128xf32, #tpu.memory_space<vmem>>) offsets(%dma_start3A_75 : memref<128xi32, #tpu.memory_space<vmem>>) semaphore(%dma_start3A_80 : memref<!tpu.dma_semaphore, #tpu.memory_space<semaphore_mem>>)
      %mul3A_81 = arith.constant 2 : i32
      %mul3A_82 = arith.muli %mul3A_81, %while3A_59 : i32
      %add3A_83 = arith.constant 1 : i32
      %add3A_84 = arith.addi %mul3A_82, %add3A_83 : i32
      %dma_start3A_85 = arith.constant 1 : i32
      %dma_start3A_86 = arith.constant 1 : i32
      %dma_start3A_87 = arith.constant 0 : i32
      %dma_start3A_88 = arith.constant 0 : i32
      %dma_start3A_89 = tpu.memref_slice %arg7[%dma_start3A_85, %dma_start3A_87, %dma_start3A_88] : memref<2x128x128xf32, #tpu.memory_space<vmem>> -> memref<1x128x128xf32, #tpu.memory_space<vmem>>
      %dma_start3A_90 = tpu.memref_squeeze %dma_start3A_89 : memref<1x128x128xf32, #tpu.memory_space<vmem>> -> memref<128x128xf32, #tpu.memory_space<vmem>>
      %dma_start3A_91 = arith.constant 0 : i32
      %dma_start3A_92 = tpu.memref_slice %arg6[%add3A_84, %dma_start3A_91] : memref<80x128xi32, #tpu.memory_space<vmem>> -> memref<1x128xi32, #tpu.memory_space<vmem>>
      %dma_start3A_93 = tpu.memref_squeeze %dma_start3A_92 : memref<1x128xi32, #tpu.memory_space<vmem>> -> memref<128xi32, #tpu.memory_space<vmem>>
      %dma_start3A_94 = arith.constant 0 : i32
      %dma_start3A_95 = arith.constant 0 : i32
      %dma_start3A_96 = tpu.memref_slice %arg5[%dma_start3A_94, %dma_start3A_95] : memref<10000x128xf32, #tpu.memory_space<vmem_shared>> -> memref<10000x128xf32, #tpu.memory_space<vmem_shared>>
      %dma_start3A_97 = tpu.memref_slice %arg8[%dma_start3A_86] : memref<2x!tpu.dma_semaphore, #tpu.memory_space<semaphore_mem>> -> memref<1x!tpu.dma_semaphore, #tpu.memory_space<semaphore_mem>>
      %dma_start3A_98 = tpu.memref_squeeze %dma_start3A_97 : memref<1x!tpu.dma_semaphore, #tpu.memory_space<semaphore_mem>> -> memref<!tpu.dma_semaphore, #tpu.memory_space<semaphore_mem>>
      tpu.enqueue_indirect_dma source(%dma_start3A_96 : memref<10000x128xf32, #tpu.memory_space<vmem_shared>>) target(%dma_start3A_90 : memref<128x128xf32, #tpu.memory_space<vmem>>) offsets(%dma_start3A_93 : memref<128xi32, #tpu.memory_space<vmem>>) semaphore(%dma_start3A_98 : memref<!tpu.dma_semaphore, #tpu.memory_space<semaphore_mem>>)
      %dma_wait3A_99 = arith.constant 0 : i32
      %dma_wait3A_100 = arith.constant 0 : i32
      %dma_wait3A_101 = arith.constant 0 : i32
      %dma_wait3A_102 = arith.constant 0 : i32
      %dma_wait3A_103 = tpu.memref_slice %arg7[%dma_wait3A_99, %dma_wait3A_101, %dma_wait3A_102] : memref<2x128x128xf32, #tpu.memory_space<vmem>> -> memref<1x128x128xf32, #tpu.memory_space<vmem>>
      %dma_wait3A_104 = tpu.memref_squeeze %dma_wait3A_103 : memref<1x128x128xf32, #tpu.memory_space<vmem>> -> memref<128x128xf32, #tpu.memory_space<vmem>>
      %dma_wait3A_105 = arith.constant 0 : i32
      %dma_wait3A_106 = tpu.memref_slice %arg6[%add3A_67, %dma_wait3A_105] : memref<80x128xi32, #tpu.memory_space<vmem>> -> memref<1x128xi32, #tpu.memory_space<vmem>>
      %dma_wait3A_107 = tpu.memref_squeeze %dma_wait3A_106 : memref<1x128xi32, #tpu.memory_space<vmem>> -> memref<128xi32, #tpu.memory_space<vmem>>
      %dma_wait3A_108 = arith.constant 0 : i32
      %dma_wait3A_109 = arith.constant 0 : i32
      %dma_wait3A_110 = tpu.memref_slice %arg5[%dma_wait3A_108, %dma_wait3A_109] : memref<10000x128xf32, #tpu.memory_space<vmem_shared>> -> memref<10000x128xf32, #tpu.memory_space<vmem_shared>>
      %dma_wait3A_111 = tpu.memref_slice %arg8[%dma_wait3A_100] : memref<2x!tpu.dma_semaphore, #tpu.memory_space<semaphore_mem>> -> memref<1x!tpu.dma_semaphore, #tpu.memory_space<semaphore_mem>>
      %dma_wait3A_112 = tpu.memref_squeeze %dma_wait3A_111 : memref<1x!tpu.dma_semaphore, #tpu.memory_space<semaphore_mem>> -> memref<!tpu.dma_semaphore, #tpu.memory_space<semaphore_mem>>
      tpu.wait_indirect_dma semaphore(%dma_wait3A_112 : memref<!tpu.dma_semaphore, #tpu.memory_space<semaphore_mem>>) src(%dma_wait3A_110 : memref<10000x128xf32, #tpu.memory_space<vmem_shared>>) dst(%dma_wait3A_104 : memref<128x128xf32, #tpu.memory_space<vmem>>)
      %mul3A_113 = arith.constant 2 : i32
      %mul3A_114 = arith.muli %mul3A_113, %while3A_59 : i32
      %add3A_115 = arith.addi %mul3A_11, %mul3A_114 : i32
      %add3A_116 = arith.constant 0 : i32
      %add3A_117 = arith.addi %add3A_115, %add3A_116 : i32
      %mul3A_118 = arith.constant 128 : i32
      %mul3A_119 = arith.muli %add3A_117, %mul3A_118 : i32
      %dma_start3A_120 = arith.constant 0 : i32
      %dma_start3A_121 = arith.constant 0 : i32
      %dma_start3A_122 = arith.constant 0 : i32
      %dma_start3A_123 = arith.constant 0 : i32
      %dma_start3A_124 = tpu.memref_slice %arg7[%dma_start3A_120, %dma_start3A_122, %dma_start3A_123] : memref<2x128x128xf32, #tpu.memory_space<vmem>> -> memref<1x128x128xf32, #tpu.memory_space<vmem>>
      %dma_start3A_125 = tpu.memref_squeeze %dma_start3A_124 : memref<1x128x128xf32, #tpu.memory_space<vmem>> -> memref<128x128xf32, #tpu.memory_space<vmem>>
      %dma_start3A_126 = arith.constant 0 : i32
      %dma_start3A_127 = tpu.memref_slice %arg4[%mul3A_119, %dma_start3A_126] : memref<321536x128xf32, #tpu.memory_space<hbm>> -> memref<128x128xf32, #tpu.memory_space<hbm>>
      %dma_start3A_128 = tpu.memref_slice %arg9[%dma_start3A_121] : memref<2x!tpu.dma_semaphore, #tpu.memory_space<semaphore_mem>> -> memref<1x!tpu.dma_semaphore, #tpu.memory_space<semaphore_mem>>
      %dma_start3A_129 = tpu.memref_squeeze %dma_start3A_128 : memref<1x!tpu.dma_semaphore, #tpu.memory_space<semaphore_mem>> -> memref<!tpu.dma_semaphore, #tpu.memory_space<semaphore_mem>>
      %dma_start3A_130 = arith.constant 0 : i32
      %dma_start3A_131 = tpu.memref_slice %arg4[%mul3A_119, %dma_start3A_130] : memref<321536x128xf32, #tpu.memory_space<hbm>> -> memref<128x128xf32, #tpu.memory_space<hbm>>
      %dma_start3A_132 = arith.constant 0 : i32
      %dma_start3A_133 = arith.constant 0 : i32
      %dma_start3A_134 = tpu.memref_slice %arg7[%dma_start3A_120, %dma_start3A_132, %dma_start3A_133] : memref<2x128x128xf32, #tpu.memory_space<vmem>> -> memref<1x128x128xf32, #tpu.memory_space<vmem>>
      %dma_start3A_135 = tpu.memref_squeeze %dma_start3A_134 : memref<1x128x128xf32, #tpu.memory_space<vmem>> -> memref<128x128xf32, #tpu.memory_space<vmem>>
      tpu.enqueue_dma source(%dma_start3A_135 : memref<128x128xf32, #tpu.memory_space<vmem>>) target(%dma_start3A_131 : memref<128x128xf32, #tpu.memory_space<hbm>>) target_semaphore(%dma_start3A_129 : memref<!tpu.dma_semaphore, #tpu.memory_space<semaphore_mem>>)
      %dma_wait3A_136 = arith.constant 1 : i32
      %dma_wait3A_137 = arith.constant 1 : i32
      %dma_wait3A_138 = arith.constant 0 : i32
      %dma_wait3A_139 = arith.constant 0 : i32
      %dma_wait3A_140 = tpu.memref_slice %arg7[%dma_wait3A_136, %dma_wait3A_138, %dma_wait3A_139] : memref<2x128x128xf32, #tpu.memory_space<vmem>> -> memref<1x128x128xf32, #tpu.memory_space<vmem>>
      %dma_wait3A_141 = tpu.memref_squeeze %dma_wait3A_140 : memref<1x128x128xf32, #tpu.memory_space<vmem>> -> memref<128x128xf32, #tpu.memory_space<vmem>>
      %dma_wait3A_142 = arith.constant 0 : i32
      %dma_wait3A_143 = tpu.memref_slice %arg6[%add3A_84, %dma_wait3A_142] : memref<80x128xi32, #tpu.memory_space<vmem>> -> memref<1x128xi32, #tpu.memory_space<vmem>>
      %dma_wait3A_144 = tpu.memref_squeeze %dma_wait3A_143 : memref<1x128xi32, #tpu.memory_space<vmem>> -> memref<128xi32, #tpu.memory_space<vmem>>
      %dma_wait3A_145 = arith.constant 0 : i32
      %dma_wait3A_146 = arith.constant 0 : i32
      %dma_wait3A_147 = tpu.memref_slice %arg5[%dma_wait3A_145, %dma_wait3A_146] : memref<10000x128xf32, #tpu.memory_space<vmem_shared>> -> memref<10000x128xf32, #tpu.memory_space<vmem_shared>>
      %dma_wait3A_148 = tpu.memref_slice %arg8[%dma_wait3A_137] : memref<2x!tpu.dma_semaphore, #tpu.memory_space<semaphore_mem>> -> memref<1x!tpu.dma_semaphore, #tpu.memory_space<semaphore_mem>>
      %dma_wait3A_149 = tpu.memref_squeeze %dma_wait3A_148 : memref<1x!tpu.dma_semaphore, #tpu.memory_space<semaphore_mem>> -> memref<!tpu.dma_semaphore, #tpu.memory_space<semaphore_mem>>
      tpu.wait_indirect_dma semaphore(%dma_wait3A_149 : memref<!tpu.dma_semaphore, #tpu.memory_space<semaphore_mem>>) src(%dma_wait3A_147 : memref<10000x128xf32, #tpu.memory_space<vmem_shared>>) dst(%dma_wait3A_141 : memref<128x128xf32, #tpu.memory_space<vmem>>)
      %mul3A_150 = arith.constant 2 : i32
      %mul3A_151 = arith.muli %mul3A_150, %while3A_59 : i32
      %add3A_152 = arith.addi %mul3A_11, %mul3A_151 : i32
      %add3A_153 = arith.constant 1 : i32
      %add3A_154 = arith.addi %add3A_152, %add3A_153 : i32
      %mul3A_155 = arith.constant 128 : i32
      %mul3A_156 = arith.muli %add3A_154, %mul3A_155 : i32
      %dma_start3A_157 = arith.constant 1 : i32
      %dma_start3A_158 = arith.constant 1 : i32
      %dma_start3A_159 = arith.constant 0 : i32
      %dma_start3A_160 = arith.constant 0 : i32
      %dma_start3A_161 = tpu.memref_slice %arg7[%dma_start3A_157, %dma_start3A_159, %dma_start3A_160] : memref<2x128x128xf32, #tpu.memory_space<vmem>> -> memref<1x128x128xf32, #tpu.memory_space<vmem>>
      %dma_start3A_162 = tpu.memref_squeeze %dma_start3A_161 : memref<1x128x128xf32, #tpu.memory_space<vmem>> -> memref<128x128xf32, #tpu.memory_space<vmem>>
      %dma_start3A_163 = arith.constant 0 : i32
      %dma_start3A_164 = tpu.memref_slice %arg4[%mul3A_156, %dma_start3A_163] : memref<321536x128xf32, #tpu.memory_space<hbm>> -> memref<128x128xf32, #tpu.memory_space<hbm>>
      %dma_start3A_165 = tpu.memref_slice %arg9[%dma_start3A_158] : memref<2x!tpu.dma_semaphore, #tpu.memory_space<semaphore_mem>> -> memref<1x!tpu.dma_semaphore, #tpu.memory_space<semaphore_mem>>
      %dma_start3A_166 = tpu.memref_squeeze %dma_start3A_165 : memref<1x!tpu.dma_semaphore, #tpu.memory_space<semaphore_mem>> -> memref<!tpu.dma_semaphore, #tpu.memory_space<semaphore_mem>>
      %dma_start3A_167 = arith.constant 0 : i32
      %dma_start3A_168 = tpu.memref_slice %arg4[%mul3A_156, %dma_start3A_167] : memref<321536x128xf32, #tpu.memory_space<hbm>> -> memref<128x128xf32, #tpu.memory_space<hbm>>
      %dma_start3A_169 = arith.constant 0 : i32
      %dma_start3A_170 = arith.constant 0 : i32
      %dma_start3A_171 = tpu.memref_slice %arg7[%dma_start3A_157, %dma_start3A_169, %dma_start3A_170] : memref<2x128x128xf32, #tpu.memory_space<vmem>> -> memref<1x128x128xf32, #tpu.memory_space<vmem>>
      %dma_start3A_172 = tpu.memref_squeeze %dma_start3A_171 : memref<1x128x128xf32, #tpu.memory_space<vmem>> -> memref<128x128xf32, #tpu.memory_space<vmem>>
      tpu.enqueue_dma source(%dma_start3A_172 : memref<128x128xf32, #tpu.memory_space<vmem>>) target(%dma_start3A_168 : memref<128x128xf32, #tpu.memory_space<hbm>>) target_semaphore(%dma_start3A_166 : memref<!tpu.dma_semaphore, #tpu.memory_space<semaphore_mem>>)
    }
    %while3A_23 = arith.constant 1 : i32
    scf.for %while3A_59 = %while3A_21 to %while3A_17 step %while3A_23  : i32 {
      %gt3A = arith.constant 0 : i32
      %gt3A_60 = arith.cmpi sgt, %while3A_59, %gt3A : i32
      %convert_element_type3A_61 = arith.extui %gt3A_60 : i1 to i32
      %cond3A_62 = arith.constant 0 : i32
      %cond3A_63 = arith.cmpi ne, %convert_element_type3A_61, %cond3A_62 : i32
      scf.if %cond3A_63 {
        %dma_wait3A_173 = arith.constant 0 : i32
        %dma_wait3A_174 = arith.constant 0 : i32
        %dma_wait3A_175 = arith.constant 0 : i32
        %dma_wait3A_176 = arith.constant 0 : i32
        %dma_wait3A_177 = tpu.memref_slice %arg7[%dma_wait3A_173, %dma_wait3A_175, %dma_wait3A_176] : memref<2x128x128xf32, #tpu.memory_space<vmem>> -> memref<1x128x128xf32, #tpu.memory_space<vmem>>
        %dma_wait3A_178 = tpu.memref_squeeze %dma_wait3A_177 : memref<1x128x128xf32, #tpu.memory_space<vmem>> -> memref<128x128xf32, #tpu.memory_space<vmem>>
        %dma_wait3A_179 = arith.constant 0 : i32
        %dma_wait3A_180 = arith.constant 0 : i32
        %dma_wait3A_181 = tpu.memref_slice %arg4[%dma_wait3A_179, %dma_wait3A_180] : memref<321536x128xf32, #tpu.memory_space<hbm>> -> memref<128x128xf32, #tpu.memory_space<hbm>>
        %dma_wait3A_182 = tpu.memref_slice %arg9[%dma_wait3A_174] : memref<2x!tpu.dma_semaphore, #tpu.memory_space<semaphore_mem>> -> memref<1x!tpu.dma_semaphore, #tpu.memory_space<semaphore_mem>>
        %dma_wait3A_183 = tpu.memref_squeeze %dma_wait3A_182 : memref<1x!tpu.dma_semaphore, #tpu.memory_space<semaphore_mem>> -> memref<!tpu.dma_semaphore, #tpu.memory_space<semaphore_mem>>
        %dma_wait3A_184 = arith.constant 0 : i32
        %dma_wait3A_185 = arith.constant 0 : i32
        %dma_wait3A_186 = tpu.memref_slice %arg4[%dma_wait3A_184, %dma_wait3A_185] : memref<321536x128xf32, #tpu.memory_space<hbm>> -> memref<128x128xf32, #tpu.memory_space<hbm>>
        %dma_wait3A_187 = arith.constant 0 : i32
        %dma_wait3A_188 = arith.constant 0 : i32
        %dma_wait3A_189 = tpu.memref_slice %arg7[%dma_wait3A_173, %dma_wait3A_187, %dma_wait3A_188] : memref<2x128x128xf32, #tpu.memory_space<vmem>> -> memref<1x128x128xf32, #tpu.memory_space<vmem>>
        %dma_wait3A_190 = tpu.memref_squeeze %dma_wait3A_189 : memref<1x128x128xf32, #tpu.memory_space<vmem>> -> memref<128x128xf32, #tpu.memory_space<vmem>>
        tpu.wait_dma2 semaphore(%dma_wait3A_183 : memref<!tpu.dma_semaphore, #tpu.memory_space<semaphore_mem>>) src(%dma_wait3A_190 : memref<128x128xf32, #tpu.memory_space<vmem>>) dst(%dma_wait3A_186 : memref<128x128xf32, #tpu.memory_space<hbm>>)
        %dma_wait3A_191 = arith.constant 1 : i32
        %dma_wait3A_192 = arith.constant 1 : i32
        %dma_wait3A_193 = arith.constant 0 : i32
        %dma_wait3A_194 = arith.constant 0 : i32
        %dma_wait3A_195 = tpu.memref_slice %arg7[%dma_wait3A_191, %dma_wait3A_193, %dma_wait3A_194] : memref<2x128x128xf32, #tpu.memory_space<vmem>> -> memref<1x128x128xf32, #tpu.memory_space<vmem>>
        %dma_wait3A_196 = tpu.memref_squeeze %dma_wait3A_195 : memref<1x128x128xf32, #tpu.memory_space<vmem>> -> memref<128x128xf32, #tpu.memory_space<vmem>>
        %dma_wait3A_197 = arith.constant 0 : i32
        %dma_wait3A_198 = arith.constant 0 : i32
        %dma_wait3A_199 = tpu.memref_slice %arg4[%dma_wait3A_197, %dma_wait3A_198] : memref<321536x128xf32, #tpu.memory_space<hbm>> -> memref<128x128xf32, #tpu.memory_space<hbm>>
        %dma_wait3A_200 = tpu.memref_slice %arg9[%dma_wait3A_192] : memref<2x!tpu.dma_semaphore, #tpu.memory_space<semaphore_mem>> -> memref<1x!tpu.dma_semaphore, #tpu.memory_space<semaphore_mem>>
        %dma_wait3A_201 = tpu.memref_squeeze %dma_wait3A_200 : memref<1x!tpu.dma_semaphore, #tpu.memory_space<semaphore_mem>> -> memref<!tpu.dma_semaphore, #tpu.memory_space<semaphore_mem>>
        %dma_wait3A_202 = arith.constant 0 : i32
        %dma_wait3A_203 = arith.constant 0 : i32
        %dma_wait3A_204 = tpu.memref_slice %arg4[%dma_wait3A_202, %dma_wait3A_203] : memref<321536x128xf32, #tpu.memory_space<hbm>> -> memref<128x128xf32, #tpu.memory_space<hbm>>
        %dma_wait3A_205 = arith.constant 0 : i32
        %dma_wait3A_206 = arith.constant 0 : i32
        %dma_wait3A_207 = tpu.memref_slice %arg7[%dma_wait3A_191, %dma_wait3A_205, %dma_wait3A_206] : memref<2x128x128xf32, #tpu.memory_space<vmem>> -> memref<1x128x128xf32, #tpu.memory_space<vmem>>
        %dma_wait3A_208 = tpu.memref_squeeze %dma_wait3A_207 : memref<1x128x128xf32, #tpu.memory_space<vmem>> -> memref<128x128xf32, #tpu.memory_space<vmem>>
        tpu.wait_dma2 semaphore(%dma_wait3A_201 : memref<!tpu.dma_semaphore, #tpu.memory_space<semaphore_mem>>) src(%dma_wait3A_208 : memref<128x128xf32, #tpu.memory_space<vmem>>) dst(%dma_wait3A_204 : memref<128x128xf32, #tpu.memory_space<hbm>>)
      } else {
      }
      %mul3A_64 = arith.constant 2 : i32
      %mul3A_65 = arith.muli %mul3A_64, %while3A_59 : i32
      %add3A_66 = arith.constant 0 : i32
      %add3A_67 = arith.addi %mul3A_65, %add3A_66 : i32
      %dma_start3A = arith.constant 0 : i32
      %dma_start3A_68 = arith.constant 0 : i32
      %dma_start3A_69 = arith.constant 0 : i32
      %dma_start3A_70 = arith.constant 0 : i32
      %dma_start3A_71 = tpu.memref_slice %arg7[%dma_start3A, %dma_start3A_69, %dma_start3A_70] : memref<2x128x128xf32, #tpu.memory_space<vmem>> -> memref<1x128x128xf32, #tpu.memory_space<vmem>>
      %dma_start3A_72 = tpu.memref_squeeze %dma_start3A_71 : memref<1x128x128xf32, #tpu.memory_space<vmem>> -> memref<128x128xf32, #tpu.memory_space<vmem>>
      %dma_start3A_73 = arith.constant 0 : i32
      %dma_start3A_74 = tpu.memref_slice %arg6[%add3A_67, %dma_start3A_73] : memref<80x128xi32, #tpu.memory_space<vmem>> -> memref<1x128xi32, #tpu.memory_space<vmem>>
      %dma_start3A_75 = tpu.memref_squeeze %dma_start3A_74 : memref<1x128xi32, #tpu.memory_space<vmem>> -> memref<128xi32, #tpu.memory_space<vmem>>
      %dma_start3A_76 = arith.constant 0 : i32
      %dma_start3A_77 = arith.constant 0 : i32
      %dma_start3A_78 = tpu.memref_slice %arg5[%dma_start3A_76, %dma_start3A_77] : memref<10000x128xf32, #tpu.memory_space<vmem_shared>> -> memref<10000x128xf32, #tpu.memory_space<vmem_shared>>
      %dma_start3A_79 = tpu.memref_slice %arg8[%dma_start3A_68] : memref<2x!tpu.dma_semaphore, #tpu.memory_space<semaphore_mem>> -> memref<1x!tpu.dma_semaphore, #tpu.memory_space<semaphore_mem>>
      %dma_start3A_80 = tpu.memref_squeeze %dma_start3A_79 : memref<1x!tpu.dma_semaphore, #tpu.memory_space<semaphore_mem>> -> memref<!tpu.dma_semaphore, #tpu.memory_space<semaphore_mem>>
      tpu.enqueue_indirect_dma source(%dma_start3A_78 : memref<10000x128xf32, #tpu.memory_space<vmem_shared>>) target(%dma_start3A_72 : memref<128x128xf32, #tpu.memory_space<vmem>>) offsets(%dma_start3A_75 : memref<128xi32, #tpu.memory_space<vmem>>) semaphore(%dma_start3A_80 : memref<!tpu.dma_semaphore, #tpu.memory_space<semaphore_mem>>)
      %mul3A_81 = arith.constant 2 : i32
      %mul3A_82 = arith.muli %mul3A_81, %while3A_59 : i32
      %add3A_83 = arith.constant 1 : i32
      %add3A_84 = arith.addi %mul3A_82, %add3A_83 : i32
      %dma_start3A_85 = arith.constant 1 : i32
      %dma_start3A_86 = arith.constant 1 : i32
      %dma_start3A_87 = arith.constant 0 : i32
      %dma_start3A_88 = arith.constant 0 : i32
      %dma_start3A_89 = tpu.memref_slice %arg7[%dma_start3A_85, %dma_start3A_87, %dma_start3A_88] : memref<2x128x128xf32, #tpu.memory_space<vmem>> -> memref<1x128x128xf32, #tpu.memory_space<vmem>>
      %dma_start3A_90 = tpu.memref_squeeze %dma_start3A_89 : memref<1x128x128xf32, #tpu.memory_space<vmem>> -> memref<128x128xf32, #tpu.memory_space<vmem>>
      %dma_start3A_91 = arith.constant 0 : i32
      %dma_start3A_92 = tpu.memref_slice %arg6[%add3A_84, %dma_start3A_91] : memref<80x128xi32, #tpu.memory_space<vmem>> -> memref<1x128xi32, #tpu.memory_space<vmem>>
      %dma_start3A_93 = tpu.memref_squeeze %dma_start3A_92 : memref<1x128xi32, #tpu.memory_space<vmem>> -> memref<128xi32, #tpu.memory_space<vmem>>
      %dma_start3A_94 = arith.constant 0 : i32
      %dma_start3A_95 = arith.constant 0 : i32
      %dma_start3A_96 = tpu.memref_slice %arg5[%dma_start3A_94, %dma_start3A_95] : memref<10000x128xf32, #tpu.memory_space<vmem_shared>> -> memref<10000x128xf32, #tpu.memory_space<vmem_shared>>
      %dma_start3A_97 = tpu.memref_slice %arg8[%dma_start3A_86] : memref<2x!tpu.dma_semaphore, #tpu.memory_space<semaphore_mem>> -> memref<1x!tpu.dma_semaphore, #tpu.memory_space<semaphore_mem>>
      %dma_start3A_98 = tpu.memref_squeeze %dma_start3A_97 : memref<1x!tpu.dma_semaphore, #tpu.memory_space<semaphore_mem>> -> memref<!tpu.dma_semaphore, #tpu.memory_space<semaphore_mem>>
      tpu.enqueue_indirect_dma source(%dma_start3A_96 : memref<10000x128xf32, #tpu.memory_space<vmem_shared>>) target(%dma_start3A_90 : memref<128x128xf32, #tpu.memory_space<vmem>>) offsets(%dma_start3A_93 : memref<128xi32, #tpu.memory_space<vmem>>) semaphore(%dma_start3A_98 : memref<!tpu.dma_semaphore, #tpu.memory_space<semaphore_mem>>)
      %dma_wait3A_99 = arith.constant 0 : i32
      %dma_wait3A_100 = arith.constant 0 : i32
      %dma_wait3A_101 = arith.constant 0 : i32
      %dma_wait3A_102 = arith.constant 0 : i32
      %dma_wait3A_103 = tpu.memref_slice %arg7[%dma_wait3A_99, %dma_wait3A_101, %dma_wait3A_102] : memref<2x128x128xf32, #tpu.memory_space<vmem>> -> memref<1x128x128xf32, #tpu.memory_space<vmem>>
      %dma_wait3A_104 = tpu.memref_squeeze %dma_wait3A_103 : memref<1x128x128xf32, #tpu.memory_space<vmem>> -> memref<128x128xf32, #tpu.memory_space<vmem>>
      %dma_wait3A_105 = arith.constant 0 : i32
      %dma_wait3A_106 = tpu.memref_slice %arg6[%add3A_67, %dma_wait3A_105] : memref<80x128xi32, #tpu.memory_space<vmem>> -> memref<1x128xi32, #tpu.memory_space<vmem>>
      %dma_wait3A_107 = tpu.memref_squeeze %dma_wait3A_106 : memref<1x128xi32, #tpu.memory_space<vmem>> -> memref<128xi32, #tpu.memory_space<vmem>>
      %dma_wait3A_108 = arith.constant 0 : i32
      %dma_wait3A_109 = arith.constant 0 : i32
      %dma_wait3A_110 = tpu.memref_slice %arg5[%dma_wait3A_108, %dma_wait3A_109] : memref<10000x128xf32, #tpu.memory_space<vmem_shared>> -> memref<10000x128xf32, #tpu.memory_space<vmem_shared>>
      %dma_wait3A_111 = tpu.memref_slice %arg8[%dma_wait3A_100] : memref<2x!tpu.dma_semaphore, #tpu.memory_space<semaphore_mem>> -> memref<1x!tpu.dma_semaphore, #tpu.memory_space<semaphore_mem>>
      %dma_wait3A_112 = tpu.memref_squeeze %dma_wait3A_111 : memref<1x!tpu.dma_semaphore, #tpu.memory_space<semaphore_mem>> -> memref<!tpu.dma_semaphore, #tpu.memory_space<semaphore_mem>>
      tpu.wait_indirect_dma semaphore(%dma_wait3A_112 : memref<!tpu.dma_semaphore, #tpu.memory_space<semaphore_mem>>) src(%dma_wait3A_110 : memref<10000x128xf32, #tpu.memory_space<vmem_shared>>) dst(%dma_wait3A_104 : memref<128x128xf32, #tpu.memory_space<vmem>>)
      %mul3A_113 = arith.constant 2 : i32
      %mul3A_114 = arith.muli %mul3A_113, %while3A_59 : i32
      %add3A_115 = arith.addi %mul3A_11, %mul3A_114 : i32
      %add3A_116 = arith.constant 0 : i32
      %add3A_117 = arith.addi %add3A_115, %add3A_116 : i32
      %mul3A_118 = arith.constant 128 : i32
      %mul3A_119 = arith.muli %add3A_117, %mul3A_118 : i32
      %dma_start3A_120 = arith.constant 0 : i32
      %dma_start3A_121 = arith.constant 0 : i32
      %dma_start3A_122 = arith.constant 0 : i32
      %dma_start3A_123 = arith.constant 0 : i32
      %dma_start3A_124 = tpu.memref_slice %arg7[%dma_start3A_120, %dma_start3A_122, %dma_start3A_123] : memref<2x128x128xf32, #tpu.memory_space<vmem>> -> memref<1x128x128xf32, #tpu.memory_space<vmem>>
      %dma_start3A_125 = tpu.memref_squeeze %dma_start3A_124 : memref<1x128x128xf32, #tpu.memory_space<vmem>> -> memref<128x128xf32, #tpu.memory_space<vmem>>
      %dma_start3A_126 = arith.constant 0 : i32
      %dma_start3A_127 = tpu.memref_slice %arg4[%mul3A_119, %dma_start3A_126] : memref<321536x128xf32, #tpu.memory_space<hbm>> -> memref<128x128xf32, #tpu.memory_space<hbm>>
      %dma_start3A_128 = tpu.memref_slice %arg9[%dma_start3A_121] : memref<2x!tpu.dma_semaphore, #tpu.memory_space<semaphore_mem>> -> memref<1x!tpu.dma_semaphore, #tpu.memory_space<semaphore_mem>>
      %dma_start3A_129 = tpu.memref_squeeze %dma_start3A_128 : memref<1x!tpu.dma_semaphore, #tpu.memory_space<semaphore_mem>> -> memref<!tpu.dma_semaphore, #tpu.memory_space<semaphore_mem>>
      %dma_start3A_130 = arith.constant 0 : i32
      %dma_start3A_131 = tpu.memref_slice %arg4[%mul3A_119, %dma_start3A_130] : memref<321536x128xf32, #tpu.memory_space<hbm>> -> memref<128x128xf32, #tpu.memory_space<hbm>>
      %dma_start3A_132 = arith.constant 0 : i32
      %dma_start3A_133 = arith.constant 0 : i32
      %dma_start3A_134 = tpu.memref_slice %arg7[%dma_start3A_120, %dma_start3A_132, %dma_start3A_133] : memref<2x128x128xf32, #tpu.memory_space<vmem>> -> memref<1x128x128xf32, #tpu.memory_space<vmem>>
      %dma_start3A_135 = tpu.memref_squeeze %dma_start3A_134 : memref<1x128x128xf32, #tpu.memory_space<vmem>> -> memref<128x128xf32, #tpu.memory_space<vmem>>
      tpu.enqueue_dma source(%dma_start3A_135 : memref<128x128xf32, #tpu.memory_space<vmem>>) target(%dma_start3A_131 : memref<128x128xf32, #tpu.memory_space<hbm>>) target_semaphore(%dma_start3A_129 : memref<!tpu.dma_semaphore, #tpu.memory_space<semaphore_mem>>)
      %dma_wait3A_136 = arith.constant 1 : i32
      %dma_wait3A_137 = arith.constant 1 : i32
      %dma_wait3A_138 = arith.constant 0 : i32
      %dma_wait3A_139 = arith.constant 0 : i32
      %dma_wait3A_140 = tpu.memref_slice %arg7[%dma_wait3A_136, %dma_wait3A_138, %dma_wait3A_139] : memref<2x128x128xf32, #tpu.memory_space<vmem>> -> memref<1x128x128xf32, #tpu.memory_space<vmem>>
      %dma_wait3A_141 = tpu.memref_squeeze %dma_wait3A_140 : memref<1x128x128xf32, #tpu.memory_space<vmem>> -> memref<128x128xf32, #tpu.memory_space<vmem>>
      %dma_wait3A_142 = arith.constant 0 : i32
      %dma_wait3A_143 = tpu.memref_slice %arg6[%add3A_84, %dma_wait3A_142] : memref<80x128xi32, #tpu.memory_space<vmem>> -> memref<1x128xi32, #tpu.memory_space<vmem>>
      %dma_wait3A_144 = tpu.memref_squeeze %dma_wait3A_143 : memref<1x128xi32, #tpu.memory_space<vmem>> -> memref<128xi32, #tpu.memory_space<vmem>>
      %dma_wait3A_145 = arith.constant 0 : i32
      %dma_wait3A_146 = arith.constant 0 : i32
      %dma_wait3A_147 = tpu.memref_slice %arg5[%dma_wait3A_145, %dma_wait3A_146] : memref<10000x128xf32, #tpu.memory_space<vmem_shared>> -> memref<10000x128xf32, #tpu.memory_space<vmem_shared>>
      %dma_wait3A_148 = tpu.memref_slice %arg8[%dma_wait3A_137] : memref<2x!tpu.dma_semaphore, #tpu.memory_space<semaphore_mem>> -> memref<1x!tpu.dma_semaphore, #tpu.memory_space<semaphore_mem>>
      %dma_wait3A_149 = tpu.memref_squeeze %dma_wait3A_148 : memref<1x!tpu.dma_semaphore, #tpu.memory_space<semaphore_mem>> -> memref<!tpu.dma_semaphore, #tpu.memory_space<semaphore_mem>>
      tpu.wait_indirect_dma semaphore(%dma_wait3A_149 : memref<!tpu.dma_semaphore, #tpu.memory_space<semaphore_mem>>) src(%dma_wait3A_147 : memref<10000x128xf32, #tpu.memory_space<vmem_shared>>) dst(%dma_wait3A_141 : memref<128x128xf32, #tpu.memory_space<vmem>>)
      %mul3A_150 = arith.constant 2 : i32
      %mul3A_151 = arith.muli %mul3A_150, %while3A_59 : i32
      %add3A_152 = arith.addi %mul3A_11, %mul3A_151 : i32
      %add3A_153 = arith.constant 1 : i32
      %add3A_154 = arith.addi %add3A_152, %add3A_153 : i32
      %mul3A_155 = arith.constant 128 : i32
      %mul3A_156 = arith.muli %add3A_154, %mul3A_155 : i32
      %dma_start3A_157 = arith.constant 1 : i32
      %dma_start3A_158 = arith.constant 1 : i32
      %dma_start3A_159 = arith.constant 0 : i32
      %dma_start3A_160 = arith.constant 0 : i32
      %dma_start3A_161 = tpu.memref_slice %arg7[%dma_start3A_157, %dma_start3A_159, %dma_start3A_160] : memref<2x128x128xf32, #tpu.memory_space<vmem>> -> memref<1x128x128xf32, #tpu.memory_space<vmem>>
      %dma_start3A_162 = tpu.memref_squeeze %dma_start3A_161 : memref<1x128x128xf32, #tpu.memory_space<vmem>> -> memref<128x128xf32, #tpu.memory_space<vmem>>
      %dma_start3A_163 = arith.constant 0 : i32
      %dma_start3A_164 = tpu.memref_slice %arg4[%mul3A_156, %dma_start3A_163] : memref<321536x128xf32, #tpu.memory_space<hbm>> -> memref<128x128xf32, #tpu.memory_space<hbm>>
      %dma_start3A_165 = tpu.memref_slice %arg9[%dma_start3A_158] : memref<2x!tpu.dma_semaphore, #tpu.memory_space<semaphore_mem>> -> memref<1x!tpu.dma_semaphore, #tpu.memory_space<semaphore_mem>>
      %dma_start3A_166 = tpu.memref_squeeze %dma_start3A_165 : memref<1x!tpu.dma_semaphore, #tpu.memory_space<semaphore_mem>> -> memref<!tpu.dma_semaphore, #tpu.memory_space<semaphore_mem>>
      %dma_start3A_167 = arith.constant 0 : i32
      %dma_start3A_168 = tpu.memref_slice %arg4[%mul3A_156, %dma_start3A_167] : memref<321536x128xf32, #tpu.memory_space<hbm>> -> memref<128x128xf32, #tpu.memory_space<hbm>>
      %dma_start3A_169 = arith.constant 0 : i32
      %dma_start3A_170 = arith.constant 0 : i32
      %dma_start3A_171 = tpu.memref_slice %arg7[%dma_start3A_157, %dma_start3A_169, %dma_start3A_170] : memref<2x128x128xf32, #tpu.memory_space<vmem>> -> memref<1x128x128xf32, #tpu.memory_space<vmem>>
      %dma_start3A_172 = tpu.memref_squeeze %dma_start3A_171 : memref<1x128x128xf32, #tpu.memory_space<vmem>> -> memref<128x128xf32, #tpu.memory_space<vmem>>
      tpu.enqueue_dma source(%dma_start3A_172 : memref<128x128xf32, #tpu.memory_space<vmem>>) target(%dma_start3A_168 : memref<128x128xf32, #tpu.memory_space<hbm>>) target_semaphore(%dma_start3A_166 : memref<!tpu.dma_semaphore, #tpu.memory_space<semaphore_mem>>)
    }
    %dma_wait3A = arith.constant 0 : i32
    %dma_wait3A_24 = arith.constant 0 : i32
    %dma_wait3A_25 = arith.constant 0 : i32
    %dma_wait3A_26 = arith.constant 0 : i32
    %dma_wait3A_27 = tpu.memref_slice %arg7[%dma_wait3A, %dma_wait3A_25, %dma_wait3A_26] : memref<2x128x128xf32, #tpu.memory_space<vmem>> -> memref<1x128x128xf32, #tpu.memory_space<vmem>>
    %dma_wait3A_28 = tpu.memref_squeeze %dma_wait3A_27 : memref<1x128x128xf32, #tpu.memory_space<vmem>> -> memref<128x128xf32, #tpu.memory_space<vmem>>
    %dma_wait3A_29 = arith.constant 0 : i32
    %dma_wait3A_30 = arith.constant 0 : i32
    %dma_wait3A_31 = tpu.memref_slice %arg4[%dma_wait3A_29, %dma_wait3A_30] : memref<321536x128xf32, #tpu.memory_space<hbm>> -> memref<128x128xf32, #tpu.memory_space<hbm>>
    %dma_wait3A_32 = tpu.memref_slice %arg9[%dma_wait3A_24] : memref<2x!tpu.dma_semaphore, #tpu.memory_space<semaphore_mem>> -> memref<1x!tpu.dma_semaphore, #tpu.memory_space<semaphore_mem>>
    %dma_wait3A_33 = tpu.memref_squeeze %dma_wait3A_32 : memref<1x!tpu.dma_semaphore, #tpu.memory_space<semaphore_mem>> -> memref<!tpu.dma_semaphore, #tpu.memory_space<semaphore_mem>>
    %dma_wait3A_34 = arith.constant 0 : i32
    %dma_wait3A_35 = arith.constant 0 : i32
    %dma_wait3A_36 = tpu.memref_slice %arg4[%dma_wait3A_34, %dma_wait3A_35] : memref<321536x128xf32, #tpu.memory_space<hbm>> -> memref<128x128xf32, #tpu.memory_space<hbm>>
    %dma_wait3A_37 = arith.constant 0 : i32
    %dma_wait3A_38 = arith.constant 0 : i32
    %dma_wait3A_39 = tpu.memref_slice %arg7[%dma_wait3A, %dma_wait3A_37, %dma_wait3A_38] : memref<2x128x128xf32, #tpu.memory_space<vmem>> -> memref<1x128x128xf32, #tpu.memory_space<vmem>>
    %dma_wait3A_40 = tpu.memref_squeeze %dma_wait3A_39 : memref<1x128x128xf32, #tpu.memory_space<vmem>> -> memref<128x128xf32, #tpu.memory_space<vmem>>
    tpu.wait_dma2 semaphore(%dma_wait3A_33 : memref<!tpu.dma_semaphore, #tpu.memory_space<semaphore_mem>>) src(%dma_wait3A_40 : memref<128x128xf32, #tpu.memory_space<vmem>>) dst(%dma_wait3A_36 : memref<128x128xf32, #tpu.memory_space<hbm>>)
    %dma_wait3A_41 = arith.constant 1 : i32
    %dma_wait3A_42 = arith.constant 1 : i32
    %dma_wait3A_43 = arith.constant 0 : i32
    %dma_wait3A_44 = arith.constant 0 : i32
    %dma_wait3A_45 = tpu.memref_slice %arg7[%dma_wait3A_41, %dma_wait3A_43, %dma_wait3A_44] : memref<2x128x128xf32, #tpu.memory_space<vmem>> -> memref<1x128x128xf32, #tpu.memory_space<vmem>>
    %dma_wait3A_46 = tpu.memref_squeeze %dma_wait3A_45 : memref<1x128x128xf32, #tpu.memory_space<vmem>> -> memref<128x128xf32, #tpu.memory_space<vmem>>
    %dma_wait3A_47 = arith.constant 0 : i32
    %dma_wait3A_48 = arith.constant 0 : i32
    %dma_wait3A_49 = tpu.memref_slice %arg4[%dma_wait3A_47, %dma_wait3A_48] : memref<321536x128xf32, #tpu.memory_space<hbm>> -> memref<128x128xf32, #tpu.memory_space<hbm>>
    %dma_wait3A_50 = tpu.memref_slice %arg9[%dma_wait3A_42] : memref<2x!tpu.dma_semaphore, #tpu.memory_space<semaphore_mem>> -> memref<1x!tpu.dma_semaphore, #tpu.memory_space<semaphore_mem>>
    %dma_wait3A_51 = tpu.memref_squeeze %dma_wait3A_50 : memref<1x!tpu.dma_semaphore, #tpu.memory_space<semaphore_mem>> -> memref<!tpu.dma_semaphore, #tpu.memory_space<semaphore_mem>>
    %dma_wait3A_52 = arith.constant 0 : i32
    %dma_wait3A_53 = arith.constant 0 : i32
    %dma_wait3A_54 = tpu.memref_slice %arg4[%dma_wait3A_52, %dma_wait3A_53] : memref<321536x128xf32, #tpu.memory_space<hbm>> -> memref<128x128xf32, #tpu.memory_space<hbm>>
    %dma_wait3A_55 = arith.constant 0 : i32
    %dma_wait3A_56 = arith.constant 0 : i32
    %dma_wait3A_57 = tpu.memref_slice %arg7[%dma_wait3A_41, %dma_wait3A_55, %dma_wait3A_56] : memref<2x128x128xf32, #tpu.memory_space<vmem>> -> memref<1x128x128xf32, #tpu.memory_space<vmem>>
    %dma_wait3A_58 = tpu.memref_squeeze %dma_wait3A_57 : memref<1x128x128xf32, #tpu.memory_space<vmem>> -> memref<128x128xf32, #tpu.memory_space<vmem>>
    tpu.wait_dma2 semaphore(%dma_wait3A_51 : memref<!tpu.dma_semaphore, #tpu.memory_space<semaphore_mem>>) src(%dma_wait3A_58 : memref<128x128xf32, #tpu.memory_space<vmem>>) dst(%dma_wait3A_54 : memref<128x128xf32, #tpu.memory_space<hbm>>)
    return
  }
}

#map = affine_map<(d0, d1) -> (0, 0)>
module attributes {stable_mosaic.version = 14 : i64} {
  func.func @sc_gather(%arg0: i32, %arg1: i32, %arg2: memref<10000x128xf32, #tpu.memory_space<hbm>>, %arg3: memref<2520x128xi32, #tpu.memory_space<hbm>>, %arg4: memref<321536x128xf32, #tpu.memory_space<hbm>>, %arg5: memref<10000x128xf32, #tpu.memory_space<vmem_shared>>, %arg6: memref<80x128xi32, #tpu.memory_space<vmem>>, %arg7: memref<2x128x128xf32, #tpu.memory_space<vmem>>, %arg8: memref<2x!tpu.dma_semaphore, #tpu.memory_space<semaphore_mem>>, %arg9: memref<2x!tpu.dma_semaphore, #tpu.memory_space<semaphore_mem>>) attributes {dimension_semantics = [#tpu.dimension_semantics<core_parallel>, #tpu.dimension_semantics<subcore_parallel>], iteration_bounds = array<i64: 2, 16>, scalar_prefetch = 0 : i64, scratch_operands = 5 : i64, tpu.core_type = #tpu.core_type<sc_vector_subcore>, window_params = [{transform_indices = #map}, {transform_indices = #map}, {transform_indices = #map}]} {
    %mul3A = arith.constant 2 : i32
    %mul3A_0 = arith.muli %arg1, %mul3A : i32
    %add3A = arith.addi %mul3A_0, %arg0 : i32
    %mul3A_1 = arith.constant 9 : i32
    %mul3A_2 = arith.muli %add3A, %mul3A_1 : i32
    %min3A = arith.constant 26 : i32
    %min3A_3 = arith.minsi %add3A, %min3A : i32
    %add3A_4 = arith.addi %mul3A_2, %min3A_3 : i32
    %lt3A = arith.constant 26 : i32
    %lt3A_5 = arith.cmpi slt, %add3A, %lt3A : i32
    %convert_element_type3A = arith.extui %lt3A_5 : i1 to i32
    %add3A_6 = arith.constant 9 : i32
    %add3A_7 = arith.addi %add3A_6, %convert_element_type3A : i32
    %mul3A_8 = arith.constant 4 : i32
    %mul3A_9 = arith.muli %mul3A_8, %add3A_7 : i32
    %mul3A_10 = arith.constant 8 : i32
    %mul3A_11 = arith.muli %add3A_4, %mul3A_10 : i32
    "tpu.region"() ({
      %run_scoped3A = tpu.sem_alloc : memref<!tpu.dma_semaphore, #tpu.memory_space<semaphore_mem>>
      %dma_start3A = arith.constant 0 : i32
      %dma_start3A_59 = tpu.memref_slice %arg3[%mul3A_11, %dma_start3A] : memref<2520x128xi32, #tpu.memory_space<hbm>> -> memref<80x128xi32, #tpu.memory_space<hbm>>
      %dma_start3A_60 = arith.constant 0 : i32
      %dma_start3A_61 = tpu.memref_slice %arg3[%mul3A_11, %dma_start3A_60] : memref<2520x128xi32, #tpu.memory_space<hbm>> -> memref<80x128xi32, #tpu.memory_space<hbm>>
      tpu.enqueue_dma source(%dma_start3A_61 : memref<80x128xi32, #tpu.memory_space<hbm>>) target(%arg6 : memref<80x128xi32, #tpu.memory_space<vmem>>) target_semaphore(%run_scoped3A : memref<!tpu.dma_semaphore, #tpu.memory_space<semaphore_mem>>)
      %dma_wait3A_62 = arith.constant 0 : i32
      %dma_wait3A_63 = tpu.memref_slice %arg3[%mul3A_11, %dma_wait3A_62] : memref<2520x128xi32, #tpu.memory_space<hbm>> -> memref<80x128xi32, #tpu.memory_space<hbm>>
      %dma_wait3A_64 = arith.constant 0 : i32
      %dma_wait3A_65 = tpu.memref_slice %arg3[%mul3A_11, %dma_wait3A_64] : memref<2520x128xi32, #tpu.memory_space<hbm>> -> memref<80x128xi32, #tpu.memory_space<hbm>>
      tpu.wait_dma2 semaphore(%run_scoped3A : memref<!tpu.dma_semaphore, #tpu.memory_space<semaphore_mem>>) src(%dma_wait3A_65 : memref<80x128xi32, #tpu.memory_space<hbm>>) dst(%arg6 : memref<80x128xi32, #tpu.memory_space<vmem>>)
      tpu.yield
    }) : () -> ()
    %eq3A = arith.constant 0 : i32
    %eq3A_12 = arith.cmpi eq, %arg1, %eq3A : i32
    %convert_element_type3A_13 = arith.extui %eq3A_12 : i1 to i32
    %cond3A = arith.constant 0 : i32
    %cond3A_14 = arith.cmpi ne, %convert_element_type3A_13, %cond3A : i32
    scf.if %cond3A_14 {
      "tpu.region"() ({
        %run_scoped3A = tpu.sem_alloc : memref<!tpu.dma_semaphore, #tpu.memory_space<semaphore_mem>>
        tpu.enqueue_dma source(%arg2 : memref<10000x128xf32, #tpu.memory_space<hbm>>) target(%arg5 : memref<10000x128xf32, #tpu.memory_space<vmem_shared>>) target_semaphore(%run_scoped3A : memref<!tpu.dma_semaphore, #tpu.memory_space<semaphore_mem>>)
        tpu.wait_dma2 semaphore(%run_scoped3A : memref<!tpu.dma_semaphore, #tpu.memory_space<semaphore_mem>>) src(%arg2 : memref<10000x128xf32, #tpu.memory_space<hbm>>) dst(%arg5 : memref<10000x128xf32, #tpu.memory_space<vmem_shared>>)
        tpu.yield
      }) : () -> ()
    } else {
    }
    %barrier3A = arith.constant 0 : index
    tpu.barrier barrier_id(%barrier3A)
    %while3A = arith.constant 0 : i32
    %while3A_15 = arith.constant 0 : i32
    %while3A_16 = arith.subi %mul3A_9, %while3A_15 : i32
    %while3A_17 = arith.addi %while3A_15, %while3A_16 : i32
    %while3A_18 = arith.constant 1 : i32
    %while3A_19 = arith.divsi %while3A_16, %while3A_18 : i32
    %while3A_20 = arith.muli %while3A_19, %while3A_18 : i32
    %while3A_21 = arith.addi %while3A_15, %while3A_20 : i32
    %while3A_22 = arith.constant 1 : i32
    scf.for %while3A_59 = %while3A_15 to %while3A_21 step %while3A_22  : i32 {
      %gt3A = arith.constant 0 : i32
      %gt3A_60 = arith.cmpi sgt, %while3A_59, %gt3A : i32
      %convert_element_type3A_61 = arith.extui %gt3A_60 : i1 to i32
      %cond3A_62 = arith.constant 0 : i32
      %cond3A_63 = arith.cmpi ne, %convert_element_type3A_61, %cond3A_62 : i32
      scf.if %cond3A_63 {
        %dma_wait3A_173 = arith.constant 0 : i32
        %dma_wait3A_174 = arith.constant 0 : i32
        %dma_wait3A_175 = arith.constant 0 : i32
        %dma_wait3A_176 = arith.constant 0 : i32
        %dma_wait3A_177 = tpu.memref_slice %arg7[%dma_wait3A_173, %dma_wait3A_175, %dma_wait3A_176] : memref<2x128x128xf32, #tpu.memory_space<vmem>> -> memref<1x128x128xf32, #tpu.memory_space<vmem>>
        %dma_wait3A_178 = tpu.memref_squeeze %dma_wait3A_177 : memref<1x128x128xf32, #tpu.memory_space<vmem>> -> memref<128x128xf32, #tpu.memory_space<vmem>>
        %dma_wait3A_179 = arith.constant 0 : i32
        %dma_wait3A_180 = arith.constant 0 : i32
        %dma_wait3A_181 = tpu.memref_slice %arg4[%dma_wait3A_179, %dma_wait3A_180] : memref<321536x128xf32, #tpu.memory_space<hbm>> -> memref<128x128xf32, #tpu.memory_space<hbm>>
        %dma_wait3A_182 = tpu.memref_slice %arg9[%dma_wait3A_174] : memref<2x!tpu.dma_semaphore, #tpu.memory_space<semaphore_mem>> -> memref<1x!tpu.dma_semaphore, #tpu.memory_space<semaphore_mem>>
        %dma_wait3A_183 = tpu.memref_squeeze %dma_wait3A_182 : memref<1x!tpu.dma_semaphore, #tpu.memory_space<semaphore_mem>> -> memref<!tpu.dma_semaphore, #tpu.memory_space<semaphore_mem>>
        %dma_wait3A_184 = arith.constant 0 : i32
        %dma_wait3A_185 = arith.constant 0 : i32
        %dma_wait3A_186 = tpu.memref_slice %arg4[%dma_wait3A_184, %dma_wait3A_185] : memref<321536x128xf32, #tpu.memory_space<hbm>> -> memref<128x128xf32, #tpu.memory_space<hbm>>
        %dma_wait3A_187 = arith.constant 0 : i32
        %dma_wait3A_188 = arith.constant 0 : i32
        %dma_wait3A_189 = tpu.memref_slice %arg7[%dma_wait3A_173, %dma_wait3A_187, %dma_wait3A_188] : memref<2x128x128xf32, #tpu.memory_space<vmem>> -> memref<1x128x128xf32, #tpu.memory_space<vmem>>
        %dma_wait3A_190 = tpu.memref_squeeze %dma_wait3A_189 : memref<1x128x128xf32, #tpu.memory_space<vmem>> -> memref<128x128xf32, #tpu.memory_space<vmem>>
        tpu.wait_dma2 semaphore(%dma_wait3A_183 : memref<!tpu.dma_semaphore, #tpu.memory_space<semaphore_mem>>) src(%dma_wait3A_190 : memref<128x128xf32, #tpu.memory_space<vmem>>) dst(%dma_wait3A_186 : memref<128x128xf32, #tpu.memory_space<hbm>>)
        %dma_wait3A_191 = arith.constant 1 : i32
        %dma_wait3A_192 = arith.constant 1 : i32
        %dma_wait3A_193 = arith.constant 0 : i32
        %dma_wait3A_194 = arith.constant 0 : i32
        %dma_wait3A_195 = tpu.memref_slice %arg7[%dma_wait3A_191, %dma_wait3A_193, %dma_wait3A_194] : memref<2x128x128xf32, #tpu.memory_space<vmem>> -> memref<1x128x128xf32, #tpu.memory_space<vmem>>
        %dma_wait3A_196 = tpu.memref_squeeze %dma_wait3A_195 : memref<1x128x128xf32, #tpu.memory_space<vmem>> -> memref<128x128xf32, #tpu.memory_space<vmem>>
        %dma_wait3A_197 = arith.constant 0 : i32
        %dma_wait3A_198 = arith.constant 0 : i32
        %dma_wait3A_199 = tpu.memref_slice %arg4[%dma_wait3A_197, %dma_wait3A_198] : memref<321536x128xf32, #tpu.memory_space<hbm>> -> memref<128x128xf32, #tpu.memory_space<hbm>>
        %dma_wait3A_200 = tpu.memref_slice %arg9[%dma_wait3A_192] : memref<2x!tpu.dma_semaphore, #tpu.memory_space<semaphore_mem>> -> memref<1x!tpu.dma_semaphore, #tpu.memory_space<semaphore_mem>>
        %dma_wait3A_201 = tpu.memref_squeeze %dma_wait3A_200 : memref<1x!tpu.dma_semaphore, #tpu.memory_space<semaphore_mem>> -> memref<!tpu.dma_semaphore, #tpu.memory_space<semaphore_mem>>
        %dma_wait3A_202 = arith.constant 0 : i32
        %dma_wait3A_203 = arith.constant 0 : i32
        %dma_wait3A_204 = tpu.memref_slice %arg4[%dma_wait3A_202, %dma_wait3A_203] : memref<321536x128xf32, #tpu.memory_space<hbm>> -> memref<128x128xf32, #tpu.memory_space<hbm>>
        %dma_wait3A_205 = arith.constant 0 : i32
        %dma_wait3A_206 = arith.constant 0 : i32
        %dma_wait3A_207 = tpu.memref_slice %arg7[%dma_wait3A_191, %dma_wait3A_205, %dma_wait3A_206] : memref<2x128x128xf32, #tpu.memory_space<vmem>> -> memref<1x128x128xf32, #tpu.memory_space<vmem>>
        %dma_wait3A_208 = tpu.memref_squeeze %dma_wait3A_207 : memref<1x128x128xf32, #tpu.memory_space<vmem>> -> memref<128x128xf32, #tpu.memory_space<vmem>>
        tpu.wait_dma2 semaphore(%dma_wait3A_201 : memref<!tpu.dma_semaphore, #tpu.memory_space<semaphore_mem>>) src(%dma_wait3A_208 : memref<128x128xf32, #tpu.memory_space<vmem>>) dst(%dma_wait3A_204 : memref<128x128xf32, #tpu.memory_space<hbm>>)
      } else {
      }
      %mul3A_64 = arith.constant 2 : i32
      %mul3A_65 = arith.muli %mul3A_64, %while3A_59 : i32
      %add3A_66 = arith.constant 0 : i32
      %add3A_67 = arith.addi %mul3A_65, %add3A_66 : i32
      %dma_start3A = arith.constant 0 : i32
      %dma_start3A_68 = arith.constant 0 : i32
      %dma_start3A_69 = arith.constant 0 : i32
      %dma_start3A_70 = arith.constant 0 : i32
      %dma_start3A_71 = tpu.memref_slice %arg7[%dma_start3A, %dma_start3A_69, %dma_start3A_70] : memref<2x128x128xf32, #tpu.memory_space<vmem>> -> memref<1x128x128xf32, #tpu.memory_space<vmem>>
      %dma_start3A_72 = tpu.memref_squeeze %dma_start3A_71 : memref<1x128x128xf32, #tpu.memory_space<vmem>> -> memref<128x128xf32, #tpu.memory_space<vmem>>
      %dma_start3A_73 = arith.constant 0 : i32
      %dma_start3A_74 = tpu.memref_slice %arg6[%add3A_67, %dma_start3A_73] : memref<80x128xi32, #tpu.memory_space<vmem>> -> memref<1x128xi32, #tpu.memory_space<vmem>>
      %dma_start3A_75 = tpu.memref_squeeze %dma_start3A_74 : memref<1x128xi32, #tpu.memory_space<vmem>> -> memref<128xi32, #tpu.memory_space<vmem>>
      %dma_start3A_76 = arith.constant 0 : i32
      %dma_start3A_77 = arith.constant 0 : i32
      %dma_start3A_78 = tpu.memref_slice %arg5[%dma_start3A_76, %dma_start3A_77] : memref<10000x128xf32, #tpu.memory_space<vmem_shared>> -> memref<10000x128xf32, #tpu.memory_space<vmem_shared>>
      %dma_start3A_79 = tpu.memref_slice %arg8[%dma_start3A_68] : memref<2x!tpu.dma_semaphore, #tpu.memory_space<semaphore_mem>> -> memref<1x!tpu.dma_semaphore, #tpu.memory_space<semaphore_mem>>
      %dma_start3A_80 = tpu.memref_squeeze %dma_start3A_79 : memref<1x!tpu.dma_semaphore, #tpu.memory_space<semaphore_mem>> -> memref<!tpu.dma_semaphore, #tpu.memory_space<semaphore_mem>>
      tpu.enqueue_indirect_dma source(%dma_start3A_78 : memref<10000x128xf32, #tpu.memory_space<vmem_shared>>) target(%dma_start3A_72 : memref<128x128xf32, #tpu.memory_space<vmem>>) offsets(%dma_start3A_75 : memref<128xi32, #tpu.memory_space<vmem>>) semaphore(%dma_start3A_80 : memref<!tpu.dma_semaphore, #tpu.memory_space<semaphore_mem>>)
      %mul3A_81 = arith.constant 2 : i32
      %mul3A_82 = arith.muli %mul3A_81, %while3A_59 : i32
      %add3A_83 = arith.constant 1 : i32
      %add3A_84 = arith.addi %mul3A_82, %add3A_83 : i32
      %dma_start3A_85 = arith.constant 1 : i32
      %dma_start3A_86 = arith.constant 1 : i32
      %dma_start3A_87 = arith.constant 0 : i32
      %dma_start3A_88 = arith.constant 0 : i32
      %dma_start3A_89 = tpu.memref_slice %arg7[%dma_start3A_85, %dma_start3A_87, %dma_start3A_88] : memref<2x128x128xf32, #tpu.memory_space<vmem>> -> memref<1x128x128xf32, #tpu.memory_space<vmem>>
      %dma_start3A_90 = tpu.memref_squeeze %dma_start3A_89 : memref<1x128x128xf32, #tpu.memory_space<vmem>> -> memref<128x128xf32, #tpu.memory_space<vmem>>
      %dma_start3A_91 = arith.constant 0 : i32
      %dma_start3A_92 = tpu.memref_slice %arg6[%add3A_84, %dma_start3A_91] : memref<80x128xi32, #tpu.memory_space<vmem>> -> memref<1x128xi32, #tpu.memory_space<vmem>>
      %dma_start3A_93 = tpu.memref_squeeze %dma_start3A_92 : memref<1x128xi32, #tpu.memory_space<vmem>> -> memref<128xi32, #tpu.memory_space<vmem>>
      %dma_start3A_94 = arith.constant 0 : i32
      %dma_start3A_95 = arith.constant 0 : i32
      %dma_start3A_96 = tpu.memref_slice %arg5[%dma_start3A_94, %dma_start3A_95] : memref<10000x128xf32, #tpu.memory_space<vmem_shared>> -> memref<10000x128xf32, #tpu.memory_space<vmem_shared>>
      %dma_start3A_97 = tpu.memref_slice %arg8[%dma_start3A_86] : memref<2x!tpu.dma_semaphore, #tpu.memory_space<semaphore_mem>> -> memref<1x!tpu.dma_semaphore, #tpu.memory_space<semaphore_mem>>
      %dma_start3A_98 = tpu.memref_squeeze %dma_start3A_97 : memref<1x!tpu.dma_semaphore, #tpu.memory_space<semaphore_mem>> -> memref<!tpu.dma_semaphore, #tpu.memory_space<semaphore_mem>>
      tpu.enqueue_indirect_dma source(%dma_start3A_96 : memref<10000x128xf32, #tpu.memory_space<vmem_shared>>) target(%dma_start3A_90 : memref<128x128xf32, #tpu.memory_space<vmem>>) offsets(%dma_start3A_93 : memref<128xi32, #tpu.memory_space<vmem>>) semaphore(%dma_start3A_98 : memref<!tpu.dma_semaphore, #tpu.memory_space<semaphore_mem>>)
      %dma_wait3A_99 = arith.constant 0 : i32
      %dma_wait3A_100 = arith.constant 0 : i32
      %dma_wait3A_101 = arith.constant 0 : i32
      %dma_wait3A_102 = arith.constant 0 : i32
      %dma_wait3A_103 = tpu.memref_slice %arg7[%dma_wait3A_99, %dma_wait3A_101, %dma_wait3A_102] : memref<2x128x128xf32, #tpu.memory_space<vmem>> -> memref<1x128x128xf32, #tpu.memory_space<vmem>>
      %dma_wait3A_104 = tpu.memref_squeeze %dma_wait3A_103 : memref<1x128x128xf32, #tpu.memory_space<vmem>> -> memref<128x128xf32, #tpu.memory_space<vmem>>
      %dma_wait3A_105 = arith.constant 0 : i32
      %dma_wait3A_106 = tpu.memref_slice %arg6[%add3A_67, %dma_wait3A_105] : memref<80x128xi32, #tpu.memory_space<vmem>> -> memref<1x128xi32, #tpu.memory_space<vmem>>
      %dma_wait3A_107 = tpu.memref_squeeze %dma_wait3A_106 : memref<1x128xi32, #tpu.memory_space<vmem>> -> memref<128xi32, #tpu.memory_space<vmem>>
      %dma_wait3A_108 = arith.constant 0 : i32
      %dma_wait3A_109 = arith.constant 0 : i32
      %dma_wait3A_110 = tpu.memref_slice %arg5[%dma_wait3A_108, %dma_wait3A_109] : memref<10000x128xf32, #tpu.memory_space<vmem_shared>> -> memref<10000x128xf32, #tpu.memory_space<vmem_shared>>
      %dma_wait3A_111 = tpu.memref_slice %arg8[%dma_wait3A_100] : memref<2x!tpu.dma_semaphore, #tpu.memory_space<semaphore_mem>> -> memref<1x!tpu.dma_semaphore, #tpu.memory_space<semaphore_mem>>
      %dma_wait3A_112 = tpu.memref_squeeze %dma_wait3A_111 : memref<1x!tpu.dma_semaphore, #tpu.memory_space<semaphore_mem>> -> memref<!tpu.dma_semaphore, #tpu.memory_space<semaphore_mem>>
      tpu.wait_indirect_dma semaphore(%dma_wait3A_112 : memref<!tpu.dma_semaphore, #tpu.memory_space<semaphore_mem>>) src(%dma_wait3A_110 : memref<10000x128xf32, #tpu.memory_space<vmem_shared>>) dst(%dma_wait3A_104 : memref<128x128xf32, #tpu.memory_space<vmem>>)
      %mul3A_113 = arith.constant 2 : i32
      %mul3A_114 = arith.muli %mul3A_113, %while3A_59 : i32
      %add3A_115 = arith.addi %mul3A_11, %mul3A_114 : i32
      %add3A_116 = arith.constant 0 : i32
      %add3A_117 = arith.addi %add3A_115, %add3A_116 : i32
      %mul3A_118 = arith.constant 128 : i32
      %mul3A_119 = arith.muli %add3A_117, %mul3A_118 : i32
      %dma_start3A_120 = arith.constant 0 : i32
      %dma_start3A_121 = arith.constant 0 : i32
      %dma_start3A_122 = arith.constant 0 : i32
      %dma_start3A_123 = arith.constant 0 : i32
      %dma_start3A_124 = tpu.memref_slice %arg7[%dma_start3A_120, %dma_start3A_122, %dma_start3A_123] : memref<2x128x128xf32, #tpu.memory_space<vmem>> -> memref<1x128x128xf32, #tpu.memory_space<vmem>>
      %dma_start3A_125 = tpu.memref_squeeze %dma_start3A_124 : memref<1x128x128xf32, #tpu.memory_space<vmem>> -> memref<128x128xf32, #tpu.memory_space<vmem>>
      %dma_start3A_126 = arith.constant 0 : i32
      %dma_start3A_127 = tpu.memref_slice %arg4[%mul3A_119, %dma_start3A_126] : memref<321536x128xf32, #tpu.memory_space<hbm>> -> memref<128x128xf32, #tpu.memory_space<hbm>>
      %dma_start3A_128 = tpu.memref_slice %arg9[%dma_start3A_121] : memref<2x!tpu.dma_semaphore, #tpu.memory_space<semaphore_mem>> -> memref<1x!tpu.dma_semaphore, #tpu.memory_space<semaphore_mem>>
      %dma_start3A_129 = tpu.memref_squeeze %dma_start3A_128 : memref<1x!tpu.dma_semaphore, #tpu.memory_space<semaphore_mem>> -> memref<!tpu.dma_semaphore, #tpu.memory_space<semaphore_mem>>
      %dma_start3A_130 = arith.constant 0 : i32
      %dma_start3A_131 = tpu.memref_slice %arg4[%mul3A_119, %dma_start3A_130] : memref<321536x128xf32, #tpu.memory_space<hbm>> -> memref<128x128xf32, #tpu.memory_space<hbm>>
      %dma_start3A_132 = arith.constant 0 : i32
      %dma_start3A_133 = arith.constant 0 : i32
      %dma_start3A_134 = tpu.memref_slice %arg7[%dma_start3A_120, %dma_start3A_132, %dma_start3A_133] : memref<2x128x128xf32, #tpu.memory_space<vmem>> -> memref<1x128x128xf32, #tpu.memory_space<vmem>>
      %dma_start3A_135 = tpu.memref_squeeze %dma_start3A_134 : memref<1x128x128xf32, #tpu.memory_space<vmem>> -> memref<128x128xf32, #tpu.memory_space<vmem>>
      tpu.enqueue_dma source(%dma_start3A_135 : memref<128x128xf32, #tpu.memory_space<vmem>>) target(%dma_start3A_131 : memref<128x128xf32, #tpu.memory_space<hbm>>) target_semaphore(%dma_start3A_129 : memref<!tpu.dma_semaphore, #tpu.memory_space<semaphore_mem>>)
      %dma_wait3A_136 = arith.constant 1 : i32
      %dma_wait3A_137 = arith.constant 1 : i32
      %dma_wait3A_138 = arith.constant 0 : i32
      %dma_wait3A_139 = arith.constant 0 : i32
      %dma_wait3A_140 = tpu.memref_slice %arg7[%dma_wait3A_136, %dma_wait3A_138, %dma_wait3A_139] : memref<2x128x128xf32, #tpu.memory_space<vmem>> -> memref<1x128x128xf32, #tpu.memory_space<vmem>>
      %dma_wait3A_141 = tpu.memref_squeeze %dma_wait3A_140 : memref<1x128x128xf32, #tpu.memory_space<vmem>> -> memref<128x128xf32, #tpu.memory_space<vmem>>
      %dma_wait3A_142 = arith.constant 0 : i32
      %dma_wait3A_143 = tpu.memref_slice %arg6[%add3A_84, %dma_wait3A_142] : memref<80x128xi32, #tpu.memory_space<vmem>> -> memref<1x128xi32, #tpu.memory_space<vmem>>
      %dma_wait3A_144 = tpu.memref_squeeze %dma_wait3A_143 : memref<1x128xi32, #tpu.memory_space<vmem>> -> memref<128xi32, #tpu.memory_space<vmem>>
      %dma_wait3A_145 = arith.constant 0 : i32
      %dma_wait3A_146 = arith.constant 0 : i32
      %dma_wait3A_147 = tpu.memref_slice %arg5[%dma_wait3A_145, %dma_wait3A_146] : memref<10000x128xf32, #tpu.memory_space<vmem_shared>> -> memref<10000x128xf32, #tpu.memory_space<vmem_shared>>
      %dma_wait3A_148 = tpu.memref_slice %arg8[%dma_wait3A_137] : memref<2x!tpu.dma_semaphore, #tpu.memory_space<semaphore_mem>> -> memref<1x!tpu.dma_semaphore, #tpu.memory_space<semaphore_mem>>
      %dma_wait3A_149 = tpu.memref_squeeze %dma_wait3A_148 : memref<1x!tpu.dma_semaphore, #tpu.memory_space<semaphore_mem>> -> memref<!tpu.dma_semaphore, #tpu.memory_space<semaphore_mem>>
      tpu.wait_indirect_dma semaphore(%dma_wait3A_149 : memref<!tpu.dma_semaphore, #tpu.memory_space<semaphore_mem>>) src(%dma_wait3A_147 : memref<10000x128xf32, #tpu.memory_space<vmem_shared>>) dst(%dma_wait3A_141 : memref<128x128xf32, #tpu.memory_space<vmem>>)
      %mul3A_150 = arith.constant 2 : i32
      %mul3A_151 = arith.muli %mul3A_150, %while3A_59 : i32
      %add3A_152 = arith.addi %mul3A_11, %mul3A_151 : i32
      %add3A_153 = arith.constant 1 : i32
      %add3A_154 = arith.addi %add3A_152, %add3A_153 : i32
      %mul3A_155 = arith.constant 128 : i32
      %mul3A_156 = arith.muli %add3A_154, %mul3A_155 : i32
      %dma_start3A_157 = arith.constant 1 : i32
      %dma_start3A_158 = arith.constant 1 : i32
      %dma_start3A_159 = arith.constant 0 : i32
      %dma_start3A_160 = arith.constant 0 : i32
      %dma_start3A_161 = tpu.memref_slice %arg7[%dma_start3A_157, %dma_start3A_159, %dma_start3A_160] : memref<2x128x128xf32, #tpu.memory_space<vmem>> -> memref<1x128x128xf32, #tpu.memory_space<vmem>>
      %dma_start3A_162 = tpu.memref_squeeze %dma_start3A_161 : memref<1x128x128xf32, #tpu.memory_space<vmem>> -> memref<128x128xf32, #tpu.memory_space<vmem>>
      %dma_start3A_163 = arith.constant 0 : i32
      %dma_start3A_164 = tpu.memref_slice %arg4[%mul3A_156, %dma_start3A_163] : memref<321536x128xf32, #tpu.memory_space<hbm>> -> memref<128x128xf32, #tpu.memory_space<hbm>>
      %dma_start3A_165 = tpu.memref_slice %arg9[%dma_start3A_158] : memref<2x!tpu.dma_semaphore, #tpu.memory_space<semaphore_mem>> -> memref<1x!tpu.dma_semaphore, #tpu.memory_space<semaphore_mem>>
      %dma_start3A_166 = tpu.memref_squeeze %dma_start3A_165 : memref<1x!tpu.dma_semaphore, #tpu.memory_space<semaphore_mem>> -> memref<!tpu.dma_semaphore, #tpu.memory_space<semaphore_mem>>
      %dma_start3A_167 = arith.constant 0 : i32
      %dma_start3A_168 = tpu.memref_slice %arg4[%mul3A_156, %dma_start3A_167] : memref<321536x128xf32, #tpu.memory_space<hbm>> -> memref<128x128xf32, #tpu.memory_space<hbm>>
      %dma_start3A_169 = arith.constant 0 : i32
      %dma_start3A_170 = arith.constant 0 : i32
      %dma_start3A_171 = tpu.memref_slice %arg7[%dma_start3A_157, %dma_start3A_169, %dma_start3A_170] : memref<2x128x128xf32, #tpu.memory_space<vmem>> -> memref<1x128x128xf32, #tpu.memory_space<vmem>>
      %dma_start3A_172 = tpu.memref_squeeze %dma_start3A_171 : memref<1x128x128xf32, #tpu.memory_space<vmem>> -> memref<128x128xf32, #tpu.memory_space<vmem>>
      tpu.enqueue_dma source(%dma_start3A_172 : memref<128x128xf32, #tpu.memory_space<vmem>>) target(%dma_start3A_168 : memref<128x128xf32, #tpu.memory_space<hbm>>) target_semaphore(%dma_start3A_166 : memref<!tpu.dma_semaphore, #tpu.memory_space<semaphore_mem>>)
    }
    %while3A_23 = arith.constant 1 : i32
    scf.for %while3A_59 = %while3A_21 to %while3A_17 step %while3A_23  : i32 {
      %gt3A = arith.constant 0 : i32
      %gt3A_60 = arith.cmpi sgt, %while3A_59, %gt3A : i32
      %convert_element_type3A_61 = arith.extui %gt3A_60 : i1 to i32
      %cond3A_62 = arith.constant 0 : i32
      %cond3A_63 = arith.cmpi ne, %convert_element_type3A_61, %cond3A_62 : i32
      scf.if %cond3A_63 {
        %dma_wait3A_173 = arith.constant 0 : i32
        %dma_wait3A_174 = arith.constant 0 : i32
        %dma_wait3A_175 = arith.constant 0 : i32
        %dma_wait3A_176 = arith.constant 0 : i32
        %dma_wait3A_177 = tpu.memref_slice %arg7[%dma_wait3A_173, %dma_wait3A_175, %dma_wait3A_176] : memref<2x128x128xf32, #tpu.memory_space<vmem>> -> memref<1x128x128xf32, #tpu.memory_space<vmem>>
        %dma_wait3A_178 = tpu.memref_squeeze %dma_wait3A_177 : memref<1x128x128xf32, #tpu.memory_space<vmem>> -> memref<128x128xf32, #tpu.memory_space<vmem>>
        %dma_wait3A_179 = arith.constant 0 : i32
        %dma_wait3A_180 = arith.constant 0 : i32
        %dma_wait3A_181 = tpu.memref_slice %arg4[%dma_wait3A_179, %dma_wait3A_180] : memref<321536x128xf32, #tpu.memory_space<hbm>> -> memref<128x128xf32, #tpu.memory_space<hbm>>
        %dma_wait3A_182 = tpu.memref_slice %arg9[%dma_wait3A_174] : memref<2x!tpu.dma_semaphore, #tpu.memory_space<semaphore_mem>> -> memref<1x!tpu.dma_semaphore, #tpu.memory_space<semaphore_mem>>
        %dma_wait3A_183 = tpu.memref_squeeze %dma_wait3A_182 : memref<1x!tpu.dma_semaphore, #tpu.memory_space<semaphore_mem>> -> memref<!tpu.dma_semaphore, #tpu.memory_space<semaphore_mem>>
        %dma_wait3A_184 = arith.constant 0 : i32
        %dma_wait3A_185 = arith.constant 0 : i32
        %dma_wait3A_186 = tpu.memref_slice %arg4[%dma_wait3A_184, %dma_wait3A_185] : memref<321536x128xf32, #tpu.memory_space<hbm>> -> memref<128x128xf32, #tpu.memory_space<hbm>>
        %dma_wait3A_187 = arith.constant 0 : i32
        %dma_wait3A_188 = arith.constant 0 : i32
        %dma_wait3A_189 = tpu.memref_slice %arg7[%dma_wait3A_173, %dma_wait3A_187, %dma_wait3A_188] : memref<2x128x128xf32, #tpu.memory_space<vmem>> -> memref<1x128x128xf32, #tpu.memory_space<vmem>>
        %dma_wait3A_190 = tpu.memref_squeeze %dma_wait3A_189 : memref<1x128x128xf32, #tpu.memory_space<vmem>> -> memref<128x128xf32, #tpu.memory_space<vmem>>
        tpu.wait_dma2 semaphore(%dma_wait3A_183 : memref<!tpu.dma_semaphore, #tpu.memory_space<semaphore_mem>>) src(%dma_wait3A_190 : memref<128x128xf32, #tpu.memory_space<vmem>>) dst(%dma_wait3A_186 : memref<128x128xf32, #tpu.memory_space<hbm>>)
        %dma_wait3A_191 = arith.constant 1 : i32
        %dma_wait3A_192 = arith.constant 1 : i32
        %dma_wait3A_193 = arith.constant 0 : i32
        %dma_wait3A_194 = arith.constant 0 : i32
        %dma_wait3A_195 = tpu.memref_slice %arg7[%dma_wait3A_191, %dma_wait3A_193, %dma_wait3A_194] : memref<2x128x128xf32, #tpu.memory_space<vmem>> -> memref<1x128x128xf32, #tpu.memory_space<vmem>>
        %dma_wait3A_196 = tpu.memref_squeeze %dma_wait3A_195 : memref<1x128x128xf32, #tpu.memory_space<vmem>> -> memref<128x128xf32, #tpu.memory_space<vmem>>
        %dma_wait3A_197 = arith.constant 0 : i32
        %dma_wait3A_198 = arith.constant 0 : i32
        %dma_wait3A_199 = tpu.memref_slice %arg4[%dma_wait3A_197, %dma_wait3A_198] : memref<321536x128xf32, #tpu.memory_space<hbm>> -> memref<128x128xf32, #tpu.memory_space<hbm>>
        %dma_wait3A_200 = tpu.memref_slice %arg9[%dma_wait3A_192] : memref<2x!tpu.dma_semaphore, #tpu.memory_space<semaphore_mem>> -> memref<1x!tpu.dma_semaphore, #tpu.memory_space<semaphore_mem>>
        %dma_wait3A_201 = tpu.memref_squeeze %dma_wait3A_200 : memref<1x!tpu.dma_semaphore, #tpu.memory_space<semaphore_mem>> -> memref<!tpu.dma_semaphore, #tpu.memory_space<semaphore_mem>>
        %dma_wait3A_202 = arith.constant 0 : i32
        %dma_wait3A_203 = arith.constant 0 : i32
        %dma_wait3A_204 = tpu.memref_slice %arg4[%dma_wait3A_202, %dma_wait3A_203] : memref<321536x128xf32, #tpu.memory_space<hbm>> -> memref<128x128xf32, #tpu.memory_space<hbm>>
        %dma_wait3A_205 = arith.constant 0 : i32
        %dma_wait3A_206 = arith.constant 0 : i32
        %dma_wait3A_207 = tpu.memref_slice %arg7[%dma_wait3A_191, %dma_wait3A_205, %dma_wait3A_206] : memref<2x128x128xf32, #tpu.memory_space<vmem>> -> memref<1x128x128xf32, #tpu.memory_space<vmem>>
        %dma_wait3A_208 = tpu.memref_squeeze %dma_wait3A_207 : memref<1x128x128xf32, #tpu.memory_space<vmem>> -> memref<128x128xf32, #tpu.memory_space<vmem>>
        tpu.wait_dma2 semaphore(%dma_wait3A_201 : memref<!tpu.dma_semaphore, #tpu.memory_space<semaphore_mem>>) src(%dma_wait3A_208 : memref<128x128xf32, #tpu.memory_space<vmem>>) dst(%dma_wait3A_204 : memref<128x128xf32, #tpu.memory_space<hbm>>)
      } else {
      }
      %mul3A_64 = arith.constant 2 : i32
      %mul3A_65 = arith.muli %mul3A_64, %while3A_59 : i32
      %add3A_66 = arith.constant 0 : i32
      %add3A_67 = arith.addi %mul3A_65, %add3A_66 : i32
      %dma_start3A = arith.constant 0 : i32
      %dma_start3A_68 = arith.constant 0 : i32
      %dma_start3A_69 = arith.constant 0 : i32
      %dma_start3A_70 = arith.constant 0 : i32
      %dma_start3A_71 = tpu.memref_slice %arg7[%dma_start3A, %dma_start3A_69, %dma_start3A_70] : memref<2x128x128xf32, #tpu.memory_space<vmem>> -> memref<1x128x128xf32, #tpu.memory_space<vmem>>
      %dma_start3A_72 = tpu.memref_squeeze %dma_start3A_71 : memref<1x128x128xf32, #tpu.memory_space<vmem>> -> memref<128x128xf32, #tpu.memory_space<vmem>>
      %dma_start3A_73 = arith.constant 0 : i32
      %dma_start3A_74 = tpu.memref_slice %arg6[%add3A_67, %dma_start3A_73] : memref<80x128xi32, #tpu.memory_space<vmem>> -> memref<1x128xi32, #tpu.memory_space<vmem>>
      %dma_start3A_75 = tpu.memref_squeeze %dma_start3A_74 : memref<1x128xi32, #tpu.memory_space<vmem>> -> memref<128xi32, #tpu.memory_space<vmem>>
      %dma_start3A_76 = arith.constant 0 : i32
      %dma_start3A_77 = arith.constant 0 : i32
      %dma_start3A_78 = tpu.memref_slice %arg5[%dma_start3A_76, %dma_start3A_77] : memref<10000x128xf32, #tpu.memory_space<vmem_shared>> -> memref<10000x128xf32, #tpu.memory_space<vmem_shared>>
      %dma_start3A_79 = tpu.memref_slice %arg8[%dma_start3A_68] : memref<2x!tpu.dma_semaphore, #tpu.memory_space<semaphore_mem>> -> memref<1x!tpu.dma_semaphore, #tpu.memory_space<semaphore_mem>>
      %dma_start3A_80 = tpu.memref_squeeze %dma_start3A_79 : memref<1x!tpu.dma_semaphore, #tpu.memory_space<semaphore_mem>> -> memref<!tpu.dma_semaphore, #tpu.memory_space<semaphore_mem>>
      tpu.enqueue_indirect_dma source(%dma_start3A_78 : memref<10000x128xf32, #tpu.memory_space<vmem_shared>>) target(%dma_start3A_72 : memref<128x128xf32, #tpu.memory_space<vmem>>) offsets(%dma_start3A_75 : memref<128xi32, #tpu.memory_space<vmem>>) semaphore(%dma_start3A_80 : memref<!tpu.dma_semaphore, #tpu.memory_space<semaphore_mem>>)
      %mul3A_81 = arith.constant 2 : i32
      %mul3A_82 = arith.muli %mul3A_81, %while3A_59 : i32
      %add3A_83 = arith.constant 1 : i32
      %add3A_84 = arith.addi %mul3A_82, %add3A_83 : i32
      %dma_start3A_85 = arith.constant 1 : i32
      %dma_start3A_86 = arith.constant 1 : i32
      %dma_start3A_87 = arith.constant 0 : i32
      %dma_start3A_88 = arith.constant 0 : i32
      %dma_start3A_89 = tpu.memref_slice %arg7[%dma_start3A_85, %dma_start3A_87, %dma_start3A_88] : memref<2x128x128xf32, #tpu.memory_space<vmem>> -> memref<1x128x128xf32, #tpu.memory_space<vmem>>
      %dma_start3A_90 = tpu.memref_squeeze %dma_start3A_89 : memref<1x128x128xf32, #tpu.memory_space<vmem>> -> memref<128x128xf32, #tpu.memory_space<vmem>>
      %dma_start3A_91 = arith.constant 0 : i32
      %dma_start3A_92 = tpu.memref_slice %arg6[%add3A_84, %dma_start3A_91] : memref<80x128xi32, #tpu.memory_space<vmem>> -> memref<1x128xi32, #tpu.memory_space<vmem>>
      %dma_start3A_93 = tpu.memref_squeeze %dma_start3A_92 : memref<1x128xi32, #tpu.memory_space<vmem>> -> memref<128xi32, #tpu.memory_space<vmem>>
      %dma_start3A_94 = arith.constant 0 : i32
      %dma_start3A_95 = arith.constant 0 : i32
      %dma_start3A_96 = tpu.memref_slice %arg5[%dma_start3A_94, %dma_start3A_95] : memref<10000x128xf32, #tpu.memory_space<vmem_shared>> -> memref<10000x128xf32, #tpu.memory_space<vmem_shared>>
      %dma_start3A_97 = tpu.memref_slice %arg8[%dma_start3A_86] : memref<2x!tpu.dma_semaphore, #tpu.memory_space<semaphore_mem>> -> memref<1x!tpu.dma_semaphore, #tpu.memory_space<semaphore_mem>>
      %dma_start3A_98 = tpu.memref_squeeze %dma_start3A_97 : memref<1x!tpu.dma_semaphore, #tpu.memory_space<semaphore_mem>> -> memref<!tpu.dma_semaphore, #tpu.memory_space<semaphore_mem>>
      tpu.enqueue_indirect_dma source(%dma_start3A_96 : memref<10000x128xf32, #tpu.memory_space<vmem_shared>>) target(%dma_start3A_90 : memref<128x128xf32, #tpu.memory_space<vmem>>) offsets(%dma_start3A_93 : memref<128xi32, #tpu.memory_space<vmem>>) semaphore(%dma_start3A_98 : memref<!tpu.dma_semaphore, #tpu.memory_space<semaphore_mem>>)
      %dma_wait3A_99 = arith.constant 0 : i32
      %dma_wait3A_100 = arith.constant 0 : i32
      %dma_wait3A_101 = arith.constant 0 : i32
      %dma_wait3A_102 = arith.constant 0 : i32
      %dma_wait3A_103 = tpu.memref_slice %arg7[%dma_wait3A_99, %dma_wait3A_101, %dma_wait3A_102] : memref<2x128x128xf32, #tpu.memory_space<vmem>> -> memref<1x128x128xf32, #tpu.memory_space<vmem>>
      %dma_wait3A_104 = tpu.memref_squeeze %dma_wait3A_103 : memref<1x128x128xf32, #tpu.memory_space<vmem>> -> memref<128x128xf32, #tpu.memory_space<vmem>>
      %dma_wait3A_105 = arith.constant 0 : i32
      %dma_wait3A_106 = tpu.memref_slice %arg6[%add3A_67, %dma_wait3A_105] : memref<80x128xi32, #tpu.memory_space<vmem>> -> memref<1x128xi32, #tpu.memory_space<vmem>>
      %dma_wait3A_107 = tpu.memref_squeeze %dma_wait3A_106 : memref<1x128xi32, #tpu.memory_space<vmem>> -> memref<128xi32, #tpu.memory_space<vmem>>
      %dma_wait3A_108 = arith.constant 0 : i32
      %dma_wait3A_109 = arith.constant 0 : i32
      %dma_wait3A_110 = tpu.memref_slice %arg5[%dma_wait3A_108, %dma_wait3A_109] : memref<10000x128xf32, #tpu.memory_space<vmem_shared>> -> memref<10000x128xf32, #tpu.memory_space<vmem_shared>>
      %dma_wait3A_111 = tpu.memref_slice %arg8[%dma_wait3A_100] : memref<2x!tpu.dma_semaphore, #tpu.memory_space<semaphore_mem>> -> memref<1x!tpu.dma_semaphore, #tpu.memory_space<semaphore_mem>>
      %dma_wait3A_112 = tpu.memref_squeeze %dma_wait3A_111 : memref<1x!tpu.dma_semaphore, #tpu.memory_space<semaphore_mem>> -> memref<!tpu.dma_semaphore, #tpu.memory_space<semaphore_mem>>
      tpu.wait_indirect_dma semaphore(%dma_wait3A_112 : memref<!tpu.dma_semaphore, #tpu.memory_space<semaphore_mem>>) src(%dma_wait3A_110 : memref<10000x128xf32, #tpu.memory_space<vmem_shared>>) dst(%dma_wait3A_104 : memref<128x128xf32, #tpu.memory_space<vmem>>)
      %mul3A_113 = arith.constant 2 : i32
      %mul3A_114 = arith.muli %mul3A_113, %while3A_59 : i32
      %add3A_115 = arith.addi %mul3A_11, %mul3A_114 : i32
      %add3A_116 = arith.constant 0 : i32
      %add3A_117 = arith.addi %add3A_115, %add3A_116 : i32
      %mul3A_118 = arith.constant 128 : i32
      %mul3A_119 = arith.muli %add3A_117, %mul3A_118 : i32
      %dma_start3A_120 = arith.constant 0 : i32
      %dma_start3A_121 = arith.constant 0 : i32
      %dma_start3A_122 = arith.constant 0 : i32
      %dma_start3A_123 = arith.constant 0 : i32
      %dma_start3A_124 = tpu.memref_slice %arg7[%dma_start3A_120, %dma_start3A_122, %dma_start3A_123] : memref<2x128x128xf32, #tpu.memory_space<vmem>> -> memref<1x128x128xf32, #tpu.memory_space<vmem>>
      %dma_start3A_125 = tpu.memref_squeeze %dma_start3A_124 : memref<1x128x128xf32, #tpu.memory_space<vmem>> -> memref<128x128xf32, #tpu.memory_space<vmem>>
      %dma_start3A_126 = arith.constant 0 : i32
      %dma_start3A_127 = tpu.memref_slice %arg4[%mul3A_119, %dma_start3A_126] : memref<321536x128xf32, #tpu.memory_space<hbm>> -> memref<128x128xf32, #tpu.memory_space<hbm>>
      %dma_start3A_128 = tpu.memref_slice %arg9[%dma_start3A_121] : memref<2x!tpu.dma_semaphore, #tpu.memory_space<semaphore_mem>> -> memref<1x!tpu.dma_semaphore, #tpu.memory_space<semaphore_mem>>
      %dma_start3A_129 = tpu.memref_squeeze %dma_start3A_128 : memref<1x!tpu.dma_semaphore, #tpu.memory_space<semaphore_mem>> -> memref<!tpu.dma_semaphore, #tpu.memory_space<semaphore_mem>>
      %dma_start3A_130 = arith.constant 0 : i32
      %dma_start3A_131 = tpu.memref_slice %arg4[%mul3A_119, %dma_start3A_130] : memref<321536x128xf32, #tpu.memory_space<hbm>> -> memref<128x128xf32, #tpu.memory_space<hbm>>
      %dma_start3A_132 = arith.constant 0 : i32
      %dma_start3A_133 = arith.constant 0 : i32
      %dma_start3A_134 = tpu.memref_slice %arg7[%dma_start3A_120, %dma_start3A_132, %dma_start3A_133] : memref<2x128x128xf32, #tpu.memory_space<vmem>> -> memref<1x128x128xf32, #tpu.memory_space<vmem>>
      %dma_start3A_135 = tpu.memref_squeeze %dma_start3A_134 : memref<1x128x128xf32, #tpu.memory_space<vmem>> -> memref<128x128xf32, #tpu.memory_space<vmem>>
      tpu.enqueue_dma source(%dma_start3A_135 : memref<128x128xf32, #tpu.memory_space<vmem>>) target(%dma_start3A_131 : memref<128x128xf32, #tpu.memory_space<hbm>>) target_semaphore(%dma_start3A_129 : memref<!tpu.dma_semaphore, #tpu.memory_space<semaphore_mem>>)
      %dma_wait3A_136 = arith.constant 1 : i32
      %dma_wait3A_137 = arith.constant 1 : i32
      %dma_wait3A_138 = arith.constant 0 : i32
      %dma_wait3A_139 = arith.constant 0 : i32
      %dma_wait3A_140 = tpu.memref_slice %arg7[%dma_wait3A_136, %dma_wait3A_138, %dma_wait3A_139] : memref<2x128x128xf32, #tpu.memory_space<vmem>> -> memref<1x128x128xf32, #tpu.memory_space<vmem>>
      %dma_wait3A_141 = tpu.memref_squeeze %dma_wait3A_140 : memref<1x128x128xf32, #tpu.memory_space<vmem>> -> memref<128x128xf32, #tpu.memory_space<vmem>>
      %dma_wait3A_142 = arith.constant 0 : i32
      %dma_wait3A_143 = tpu.memref_slice %arg6[%add3A_84, %dma_wait3A_142] : memref<80x128xi32, #tpu.memory_space<vmem>> -> memref<1x128xi32, #tpu.memory_space<vmem>>
      %dma_wait3A_144 = tpu.memref_squeeze %dma_wait3A_143 : memref<1x128xi32, #tpu.memory_space<vmem>> -> memref<128xi32, #tpu.memory_space<vmem>>
      %dma_wait3A_145 = arith.constant 0 : i32
      %dma_wait3A_146 = arith.constant 0 : i32
      %dma_wait3A_147 = tpu.memref_slice %arg5[%dma_wait3A_145, %dma_wait3A_146] : memref<10000x128xf32, #tpu.memory_space<vmem_shared>> -> memref<10000x128xf32, #tpu.memory_space<vmem_shared>>
      %dma_wait3A_148 = tpu.memref_slice %arg8[%dma_wait3A_137] : memref<2x!tpu.dma_semaphore, #tpu.memory_space<semaphore_mem>> -> memref<1x!tpu.dma_semaphore, #tpu.memory_space<semaphore_mem>>
      %dma_wait3A_149 = tpu.memref_squeeze %dma_wait3A_148 : memref<1x!tpu.dma_semaphore, #tpu.memory_space<semaphore_mem>> -> memref<!tpu.dma_semaphore, #tpu.memory_space<semaphore_mem>>
      tpu.wait_indirect_dma semaphore(%dma_wait3A_149 : memref<!tpu.dma_semaphore, #tpu.memory_space<semaphore_mem>>) src(%dma_wait3A_147 : memref<10000x128xf32, #tpu.memory_space<vmem_shared>>) dst(%dma_wait3A_141 : memref<128x128xf32, #tpu.memory_space<vmem>>)
      %mul3A_150 = arith.constant 2 : i32
      %mul3A_151 = arith.muli %mul3A_150, %while3A_59 : i32
      %add3A_152 = arith.addi %mul3A_11, %mul3A_151 : i32
      %add3A_153 = arith.constant 1 : i32
      %add3A_154 = arith.addi %add3A_152, %add3A_153 : i32
      %mul3A_155 = arith.constant 128 : i32
      %mul3A_156 = arith.muli %add3A_154, %mul3A_155 : i32
      %dma_start3A_157 = arith.constant 1 : i32
      %dma_start3A_158 = arith.constant 1 : i32
      %dma_start3A_159 = arith.constant 0 : i32
      %dma_start3A_160 = arith.constant 0 : i32
      %dma_start3A_161 = tpu.memref_slice %arg7[%dma_start3A_157, %dma_start3A_159, %dma_start3A_160] : memref<2x128x128xf32, #tpu.memory_space<vmem>> -> memref<1x128x128xf32, #tpu.memory_space<vmem>>
      %dma_start3A_162 = tpu.memref_squeeze %dma_start3A_161 : memref<1x128x128xf32, #tpu.memory_space<vmem>> -> memref<128x128xf32, #tpu.memory_space<vmem>>
      %dma_start3A_163 = arith.constant 0 : i32
      %dma_start3A_164 = tpu.memref_slice %arg4[%mul3A_156, %dma_start3A_163] : memref<321536x128xf32, #tpu.memory_space<hbm>> -> memref<128x128xf32, #tpu.memory_space<hbm>>
      %dma_start3A_165 = tpu.memref_slice %arg9[%dma_start3A_158] : memref<2x!tpu.dma_semaphore, #tpu.memory_space<semaphore_mem>> -> memref<1x!tpu.dma_semaphore, #tpu.memory_space<semaphore_mem>>
      %dma_start3A_166 = tpu.memref_squeeze %dma_start3A_165 : memref<1x!tpu.dma_semaphore, #tpu.memory_space<semaphore_mem>> -> memref<!tpu.dma_semaphore, #tpu.memory_space<semaphore_mem>>
      %dma_start3A_167 = arith.constant 0 : i32
      %dma_start3A_168 = tpu.memref_slice %arg4[%mul3A_156, %dma_start3A_167] : memref<321536x128xf32, #tpu.memory_space<hbm>> -> memref<128x128xf32, #tpu.memory_space<hbm>>
      %dma_start3A_169 = arith.constant 0 : i32
      %dma_start3A_170 = arith.constant 0 : i32
      %dma_start3A_171 = tpu.memref_slice %arg7[%dma_start3A_157, %dma_start3A_169, %dma_start3A_170] : memref<2x128x128xf32, #tpu.memory_space<vmem>> -> memref<1x128x128xf32, #tpu.memory_space<vmem>>
      %dma_start3A_172 = tpu.memref_squeeze %dma_start3A_171 : memref<1x128x128xf32, #tpu.memory_space<vmem>> -> memref<128x128xf32, #tpu.memory_space<vmem>>
      tpu.enqueue_dma source(%dma_start3A_172 : memref<128x128xf32, #tpu.memory_space<vmem>>) target(%dma_start3A_168 : memref<128x128xf32, #tpu.memory_space<hbm>>) target_semaphore(%dma_start3A_166 : memref<!tpu.dma_semaphore, #tpu.memory_space<semaphore_mem>>)
    }
    %dma_wait3A = arith.constant 0 : i32
    %dma_wait3A_24 = arith.constant 0 : i32
    %dma_wait3A_25 = arith.constant 0 : i32
    %dma_wait3A_26 = arith.constant 0 : i32
    %dma_wait3A_27 = tpu.memref_slice %arg7[%dma_wait3A, %dma_wait3A_25, %dma_wait3A_26] : memref<2x128x128xf32, #tpu.memory_space<vmem>> -> memref<1x128x128xf32, #tpu.memory_space<vmem>>
    %dma_wait3A_28 = tpu.memref_squeeze %dma_wait3A_27 : memref<1x128x128xf32, #tpu.memory_space<vmem>> -> memref<128x128xf32, #tpu.memory_space<vmem>>
    %dma_wait3A_29 = arith.constant 0 : i32
    %dma_wait3A_30 = arith.constant 0 : i32
    %dma_wait3A_31 = tpu.memref_slice %arg4[%dma_wait3A_29, %dma_wait3A_30] : memref<321536x128xf32, #tpu.memory_space<hbm>> -> memref<128x128xf32, #tpu.memory_space<hbm>>
    %dma_wait3A_32 = tpu.memref_slice %arg9[%dma_wait3A_24] : memref<2x!tpu.dma_semaphore, #tpu.memory_space<semaphore_mem>> -> memref<1x!tpu.dma_semaphore, #tpu.memory_space<semaphore_mem>>
    %dma_wait3A_33 = tpu.memref_squeeze %dma_wait3A_32 : memref<1x!tpu.dma_semaphore, #tpu.memory_space<semaphore_mem>> -> memref<!tpu.dma_semaphore, #tpu.memory_space<semaphore_mem>>
    %dma_wait3A_34 = arith.constant 0 : i32
    %dma_wait3A_35 = arith.constant 0 : i32
    %dma_wait3A_36 = tpu.memref_slice %arg4[%dma_wait3A_34, %dma_wait3A_35] : memref<321536x128xf32, #tpu.memory_space<hbm>> -> memref<128x128xf32, #tpu.memory_space<hbm>>
    %dma_wait3A_37 = arith.constant 0 : i32
    %dma_wait3A_38 = arith.constant 0 : i32
    %dma_wait3A_39 = tpu.memref_slice %arg7[%dma_wait3A, %dma_wait3A_37, %dma_wait3A_38] : memref<2x128x128xf32, #tpu.memory_space<vmem>> -> memref<1x128x128xf32, #tpu.memory_space<vmem>>
    %dma_wait3A_40 = tpu.memref_squeeze %dma_wait3A_39 : memref<1x128x128xf32, #tpu.memory_space<vmem>> -> memref<128x128xf32, #tpu.memory_space<vmem>>
    tpu.wait_dma2 semaphore(%dma_wait3A_33 : memref<!tpu.dma_semaphore, #tpu.memory_space<semaphore_mem>>) src(%dma_wait3A_40 : memref<128x128xf32, #tpu.memory_space<vmem>>) dst(%dma_wait3A_36 : memref<128x128xf32, #tpu.memory_space<hbm>>)
    %dma_wait3A_41 = arith.constant 1 : i32
    %dma_wait3A_42 = arith.constant 1 : i32
    %dma_wait3A_43 = arith.constant 0 : i32
    %dma_wait3A_44 = arith.constant 0 : i32
    %dma_wait3A_45 = tpu.memref_slice %arg7[%dma_wait3A_41, %dma_wait3A_43, %dma_wait3A_44] : memref<2x128x128xf32, #tpu.memory_space<vmem>> -> memref<1x128x128xf32, #tpu.memory_space<vmem>>
    %dma_wait3A_46 = tpu.memref_squeeze %dma_wait3A_45 : memref<1x128x128xf32, #tpu.memory_space<vmem>> -> memref<128x128xf32, #tpu.memory_space<vmem>>
    %dma_wait3A_47 = arith.constant 0 : i32
    %dma_wait3A_48 = arith.constant 0 : i32
    %dma_wait3A_49 = tpu.memref_slice %arg4[%dma_wait3A_47, %dma_wait3A_48] : memref<321536x128xf32, #tpu.memory_space<hbm>> -> memref<128x128xf32, #tpu.memory_space<hbm>>
    %dma_wait3A_50 = tpu.memref_slice %arg9[%dma_wait3A_42] : memref<2x!tpu.dma_semaphore, #tpu.memory_space<semaphore_mem>> -> memref<1x!tpu.dma_semaphore, #tpu.memory_space<semaphore_mem>>
    %dma_wait3A_51 = tpu.memref_squeeze %dma_wait3A_50 : memref<1x!tpu.dma_semaphore, #tpu.memory_space<semaphore_mem>> -> memref<!tpu.dma_semaphore, #tpu.memory_space<semaphore_mem>>
    %dma_wait3A_52 = arith.constant 0 : i32
    %dma_wait3A_53 = arith.constant 0 : i32
    %dma_wait3A_54 = tpu.memref_slice %arg4[%dma_wait3A_52, %dma_wait3A_53] : memref<321536x128xf32, #tpu.memory_space<hbm>> -> memref<128x128xf32, #tpu.memory_space<hbm>>
    %dma_wait3A_55 = arith.constant 0 : i32
    %dma_wait3A_56 = arith.constant 0 : i32
    %dma_wait3A_57 = tpu.memref_slice %arg7[%dma_wait3A_41, %dma_wait3A_55, %dma_wait3A_56] : memref<2x128x128xf32, #tpu.memory_space<vmem>> -> memref<1x128x128xf32, #tpu.memory_space<vmem>>
    %dma_wait3A_58 = tpu.memref_squeeze %dma_wait3A_57 : memref<1x128x128xf32, #tpu.memory_space<vmem>> -> memref<128x128xf32, #tpu.memory_space<vmem>>
    tpu.wait_dma2 semaphore(%dma_wait3A_51 : memref<!tpu.dma_semaphore, #tpu.memory_space<semaphore_mem>>) src(%dma_wait3A_58 : memref<128x128xf32, #tpu.memory_space<vmem>>) dst(%dma_wait3A_54 : memref<128x128xf32, #tpu.memory_space<hbm>>)
    return
  }
}

module attributes {stable_mosaic.version = 14 : i64} {
  func.func @_mm_body(%arg0: i32, %arg1: memref<32x1000x128xf32, #tpu.memory_space<vmem>>, %arg2: memref<32x128x128xbf16, #tpu.memory_space<vmem>>, %arg3: memref<1x128xf32, #tpu.memory_space<vmem>>, %arg4: memref<1000x128xf32, #tpu.memory_space<vmem>>) attributes {dimension_semantics = [#tpu.dimension_semantics<arbitrary>], iteration_bounds = array<i64: 10>, scalar_prefetch = 0 : i64, scratch_operands = 0 : i64, tpu.core_type = #tpu.core_type<tc>, window_params = [{transform_indices = @transform_0, window_bounds = array<i64: 32, 1000, 128>}, {pipeline_mode = #tpu.pipeline_mode<synchronous>, transform_indices = @transform_1, window_bounds = array<i64: 32, 128, 128>}, {pipeline_mode = #tpu.pipeline_mode<synchronous>, transform_indices = @transform_2, window_bounds = array<i64: 1, 128>}, {transform_indices = @transform_3, window_bounds = array<i64: 1000, 128>}]} {
    %broadcast_in_dim3A = arith.constant 0.000000e+00 : f32
    %broadcast_in_dim3A_0 = vector.broadcast %broadcast_in_dim3A : f32 to vector<1000x128xf32>
    %get3A = arith.constant 0 : index
    %get3A_1 = arith.constant 0 : index
    %get3A_2 = arith.constant 0 : index
    %get3A_3 = vector.load %arg1[%get3A, %get3A_1, %get3A_2] : memref<32x1000x128xf32, #tpu.memory_space<vmem>>, vector<1x1000x128xf32>
    %get3A_4 = vector.shape_cast %get3A_3 : vector<1x1000x128xf32> to vector<1000x128xf32>
    %convert_element_type3A = arith.truncf %get3A_4 : vector<1000x128xf32> to vector<1000x128xbf16>
    %get3A_5 = arith.constant 0 : index
    %get3A_6 = arith.constant 0 : index
    %get3A_7 = arith.constant 0 : index
    %get3A_8 = vector.load %arg2[%get3A_5, %get3A_6, %get3A_7] : memref<32x128x128xbf16, #tpu.memory_space<vmem>>, vector<1x128x128xbf16>
    %get3A_9 = vector.shape_cast %get3A_8 : vector<1x128x128xbf16> to vector<128x128xbf16>
    %dot_general3A = arith.constant dense<0.000000e+00> : vector<1000x128xf32>
    %dot_general3A_10 = tpu.matmul %convert_element_type3A, %get3A_9, %dot_general3A {dimension_numbers = #tpu.dot_dimension_numbers<[1], [0], [0], [1], [0, 0, 1, 1], [], []>, transpose_lhs_hint = false} : vector<1000x128xbf16>, vector<128x128xbf16>, vector<1000x128xf32> -> vector<1000x128xf32>
    %add3A = arith.addf %broadcast_in_dim3A_0, %dot_general3A_10 : vector<1000x128xf32>
    %get3A_11 = arith.constant 1 : index
    %get3A_12 = arith.constant 0 : index
    %get3A_13 = arith.constant 0 : index
    %get3A_14 = vector.load %arg1[%get3A_11, %get3A_12, %get3A_13] : memref<32x1000x128xf32, #tpu.memory_space<vmem>>, vector<1x1000x128xf32>
    %get3A_15 = vector.shape_cast %get3A_14 : vector<1x1000x128xf32> to vector<1000x128xf32>
    %convert_element_type3A_16 = arith.truncf %get3A_15 : vector<1000x128xf32> to vector<1000x128xbf16>
    %get3A_17 = arith.constant 1 : index
    %get3A_18 = arith.constant 0 : index
    %get3A_19 = arith.constant 0 : index
    %get3A_20 = vector.load %arg2[%get3A_17, %get3A_18, %get3A_19] : memref<32x128x128xbf16, #tpu.memory_space<vmem>>, vector<1x128x128xbf16>
    %get3A_21 = vector.shape_cast %get3A_20 : vector<1x128x128xbf16> to vector<128x128xbf16>
    %dot_general3A_22 = arith.constant dense<0.000000e+00> : vector<1000x128xf32>
    %dot_general3A_23 = tpu.matmul %convert_element_type3A_16, %get3A_21, %dot_general3A_22 {dimension_numbers = #tpu.dot_dimension_numbers<[1], [0], [0], [1], [0, 0, 1, 1], [], []>, transpose_lhs_hint = false} : vector<1000x128xbf16>, vector<128x128xbf16>, vector<1000x128xf32> -> vector<1000x128xf32>
    %add3A_24 = arith.addf %add3A, %dot_general3A_23 : vector<1000x128xf32>
    %get3A_25 = arith.constant 2 : index
    %get3A_26 = arith.constant 0 : index
    %get3A_27 = arith.constant 0 : index
    %get3A_28 = vector.load %arg1[%get3A_25, %get3A_26, %get3A_27] : memref<32x1000x128xf32, #tpu.memory_space<vmem>>, vector<1x1000x128xf32>
    %get3A_29 = vector.shape_cast %get3A_28 : vector<1x1000x128xf32> to vector<1000x128xf32>
    %convert_element_type3A_30 = arith.truncf %get3A_29 : vector<1000x128xf32> to vector<1000x128xbf16>
    %get3A_31 = arith.constant 2 : index
    %get3A_32 = arith.constant 0 : index
    %get3A_33 = arith.constant 0 : index
    %get3A_34 = vector.load %arg2[%get3A_31, %get3A_32, %get3A_33] : memref<32x128x128xbf16, #tpu.memory_space<vmem>>, vector<1x128x128xbf16>
    %get3A_35 = vector.shape_cast %get3A_34 : vector<1x128x128xbf16> to vector<128x128xbf16>
    %dot_general3A_36 = arith.constant dense<0.000000e+00> : vector<1000x128xf32>
    %dot_general3A_37 = tpu.matmul %convert_element_type3A_30, %get3A_35, %dot_general3A_36 {dimension_numbers = #tpu.dot_dimension_numbers<[1], [0], [0], [1], [0, 0, 1, 1], [], []>, transpose_lhs_hint = false} : vector<1000x128xbf16>, vector<128x128xbf16>, vector<1000x128xf32> -> vector<1000x128xf32>
    %add3A_38 = arith.addf %add3A_24, %dot_general3A_37 : vector<1000x128xf32>
    %get3A_39 = arith.constant 3 : index
    %get3A_40 = arith.constant 0 : index
    %get3A_41 = arith.constant 0 : index
    %get3A_42 = vector.load %arg1[%get3A_39, %get3A_40, %get3A_41] : memref<32x1000x128xf32, #tpu.memory_space<vmem>>, vector<1x1000x128xf32>
    %get3A_43 = vector.shape_cast %get3A_42 : vector<1x1000x128xf32> to vector<1000x128xf32>
    %convert_element_type3A_44 = arith.truncf %get3A_43 : vector<1000x128xf32> to vector<1000x128xbf16>
    %get3A_45 = arith.constant 3 : index
    %get3A_46 = arith.constant 0 : index
    %get3A_47 = arith.constant 0 : index
    %get3A_48 = vector.load %arg2[%get3A_45, %get3A_46, %get3A_47] : memref<32x128x128xbf16, #tpu.memory_space<vmem>>, vector<1x128x128xbf16>
    %get3A_49 = vector.shape_cast %get3A_48 : vector<1x128x128xbf16> to vector<128x128xbf16>
    %dot_general3A_50 = arith.constant dense<0.000000e+00> : vector<1000x128xf32>
    %dot_general3A_51 = tpu.matmul %convert_element_type3A_44, %get3A_49, %dot_general3A_50 {dimension_numbers = #tpu.dot_dimension_numbers<[1], [0], [0], [1], [0, 0, 1, 1], [], []>, transpose_lhs_hint = false} : vector<1000x128xbf16>, vector<128x128xbf16>, vector<1000x128xf32> -> vector<1000x128xf32>
    %add3A_52 = arith.addf %add3A_38, %dot_general3A_51 : vector<1000x128xf32>
    %get3A_53 = arith.constant 4 : index
    %get3A_54 = arith.constant 0 : index
    %get3A_55 = arith.constant 0 : index
    %get3A_56 = vector.load %arg1[%get3A_53, %get3A_54, %get3A_55] : memref<32x1000x128xf32, #tpu.memory_space<vmem>>, vector<1x1000x128xf32>
    %get3A_57 = vector.shape_cast %get3A_56 : vector<1x1000x128xf32> to vector<1000x128xf32>
    %convert_element_type3A_58 = arith.truncf %get3A_57 : vector<1000x128xf32> to vector<1000x128xbf16>
    %get3A_59 = arith.constant 4 : index
    %get3A_60 = arith.constant 0 : index
    %get3A_61 = arith.constant 0 : index
    %get3A_62 = vector.load %arg2[%get3A_59, %get3A_60, %get3A_61] : memref<32x128x128xbf16, #tpu.memory_space<vmem>>, vector<1x128x128xbf16>
    %get3A_63 = vector.shape_cast %get3A_62 : vector<1x128x128xbf16> to vector<128x128xbf16>
    %dot_general3A_64 = arith.constant dense<0.000000e+00> : vector<1000x128xf32>
    %dot_general3A_65 = tpu.matmul %convert_element_type3A_58, %get3A_63, %dot_general3A_64 {dimension_numbers = #tpu.dot_dimension_numbers<[1], [0], [0], [1], [0, 0, 1, 1], [], []>, transpose_lhs_hint = false} : vector<1000x128xbf16>, vector<128x128xbf16>, vector<1000x128xf32> -> vector<1000x128xf32>
    %add3A_66 = arith.addf %add3A_52, %dot_general3A_65 : vector<1000x128xf32>
    %get3A_67 = arith.constant 5 : index
    %get3A_68 = arith.constant 0 : index
    %get3A_69 = arith.constant 0 : index
    %get3A_70 = vector.load %arg1[%get3A_67, %get3A_68, %get3A_69] : memref<32x1000x128xf32, #tpu.memory_space<vmem>>, vector<1x1000x128xf32>
    %get3A_71 = vector.shape_cast %get3A_70 : vector<1x1000x128xf32> to vector<1000x128xf32>
    %convert_element_type3A_72 = arith.truncf %get3A_71 : vector<1000x128xf32> to vector<1000x128xbf16>
    %get3A_73 = arith.constant 5 : index
    %get3A_74 = arith.constant 0 : index
    %get3A_75 = arith.constant 0 : index
    %get3A_76 = vector.load %arg2[%get3A_73, %get3A_74, %get3A_75] : memref<32x128x128xbf16, #tpu.memory_space<vmem>>, vector<1x128x128xbf16>
    %get3A_77 = vector.shape_cast %get3A_76 : vector<1x128x128xbf16> to vector<128x128xbf16>
    %dot_general3A_78 = arith.constant dense<0.000000e+00> : vector<1000x128xf32>
    %dot_general3A_79 = tpu.matmul %convert_element_type3A_72, %get3A_77, %dot_general3A_78 {dimension_numbers = #tpu.dot_dimension_numbers<[1], [0], [0], [1], [0, 0, 1, 1], [], []>, transpose_lhs_hint = false} : vector<1000x128xbf16>, vector<128x128xbf16>, vector<1000x128xf32> -> vector<1000x128xf32>
    %add3A_80 = arith.addf %add3A_66, %dot_general3A_79 : vector<1000x128xf32>
    %get3A_81 = arith.constant 6 : index
    %get3A_82 = arith.constant 0 : index
    %get3A_83 = arith.constant 0 : index
    %get3A_84 = vector.load %arg1[%get3A_81, %get3A_82, %get3A_83] : memref<32x1000x128xf32, #tpu.memory_space<vmem>>, vector<1x1000x128xf32>
    %get3A_85 = vector.shape_cast %get3A_84 : vector<1x1000x128xf32> to vector<1000x128xf32>
    %convert_element_type3A_86 = arith.truncf %get3A_85 : vector<1000x128xf32> to vector<1000x128xbf16>
    %get3A_87 = arith.constant 6 : index
    %get3A_88 = arith.constant 0 : index
    %get3A_89 = arith.constant 0 : index
    %get3A_90 = vector.load %arg2[%get3A_87, %get3A_88, %get3A_89] : memref<32x128x128xbf16, #tpu.memory_space<vmem>>, vector<1x128x128xbf16>
    %get3A_91 = vector.shape_cast %get3A_90 : vector<1x128x128xbf16> to vector<128x128xbf16>
    %dot_general3A_92 = arith.constant dense<0.000000e+00> : vector<1000x128xf32>
    %dot_general3A_93 = tpu.matmul %convert_element_type3A_86, %get3A_91, %dot_general3A_92 {dimension_numbers = #tpu.dot_dimension_numbers<[1], [0], [0], [1], [0, 0, 1, 1], [], []>, transpose_lhs_hint = false} : vector<1000x128xbf16>, vector<128x128xbf16>, vector<1000x128xf32> -> vector<1000x128xf32>
    %add3A_94 = arith.addf %add3A_80, %dot_general3A_93 : vector<1000x128xf32>
    %get3A_95 = arith.constant 7 : index
    %get3A_96 = arith.constant 0 : index
    %get3A_97 = arith.constant 0 : index
    %get3A_98 = vector.load %arg1[%get3A_95, %get3A_96, %get3A_97] : memref<32x1000x128xf32, #tpu.memory_space<vmem>>, vector<1x1000x128xf32>
    %get3A_99 = vector.shape_cast %get3A_98 : vector<1x1000x128xf32> to vector<1000x128xf32>
    %convert_element_type3A_100 = arith.truncf %get3A_99 : vector<1000x128xf32> to vector<1000x128xbf16>
    %get3A_101 = arith.constant 7 : index
    %get3A_102 = arith.constant 0 : index
    %get3A_103 = arith.constant 0 : index
    %get3A_104 = vector.load %arg2[%get3A_101, %get3A_102, %get3A_103] : memref<32x128x128xbf16, #tpu.memory_space<vmem>>, vector<1x128x128xbf16>
    %get3A_105 = vector.shape_cast %get3A_104 : vector<1x128x128xbf16> to vector<128x128xbf16>
    %dot_general3A_106 = arith.constant dense<0.000000e+00> : vector<1000x128xf32>
    %dot_general3A_107 = tpu.matmul %convert_element_type3A_100, %get3A_105, %dot_general3A_106 {dimension_numbers = #tpu.dot_dimension_numbers<[1], [0], [0], [1], [0, 0, 1, 1], [], []>, transpose_lhs_hint = false} : vector<1000x128xbf16>, vector<128x128xbf16>, vector<1000x128xf32> -> vector<1000x128xf32>
    %add3A_108 = arith.addf %add3A_94, %dot_general3A_107 : vector<1000x128xf32>
    %get3A_109 = arith.constant 8 : index
    %get3A_110 = arith.constant 0 : index
    %get3A_111 = arith.constant 0 : index
    %get3A_112 = vector.load %arg1[%get3A_109, %get3A_110, %get3A_111] : memref<32x1000x128xf32, #tpu.memory_space<vmem>>, vector<1x1000x128xf32>
    %get3A_113 = vector.shape_cast %get3A_112 : vector<1x1000x128xf32> to vector<1000x128xf32>
    %convert_element_type3A_114 = arith.truncf %get3A_113 : vector<1000x128xf32> to vector<1000x128xbf16>
    %get3A_115 = arith.constant 8 : index
    %get3A_116 = arith.constant 0 : index
    %get3A_117 = arith.constant 0 : index
    %get3A_118 = vector.load %arg2[%get3A_115, %get3A_116, %get3A_117] : memref<32x128x128xbf16, #tpu.memory_space<vmem>>, vector<1x128x128xbf16>
    %get3A_119 = vector.shape_cast %get3A_118 : vector<1x128x128xbf16> to vector<128x128xbf16>
    %dot_general3A_120 = arith.constant dense<0.000000e+00> : vector<1000x128xf32>
    %dot_general3A_121 = tpu.matmul %convert_element_type3A_114, %get3A_119, %dot_general3A_120 {dimension_numbers = #tpu.dot_dimension_numbers<[1], [0], [0], [1], [0, 0, 1, 1], [], []>, transpose_lhs_hint = false} : vector<1000x128xbf16>, vector<128x128xbf16>, vector<1000x128xf32> -> vector<1000x128xf32>
    %add3A_122 = arith.addf %add3A_108, %dot_general3A_121 : vector<1000x128xf32>
    %get3A_123 = arith.constant 9 : index
    %get3A_124 = arith.constant 0 : index
    %get3A_125 = arith.constant 0 : index
    %get3A_126 = vector.load %arg1[%get3A_123, %get3A_124, %get3A_125] : memref<32x1000x128xf32, #tpu.memory_space<vmem>>, vector<1x1000x128xf32>
    %get3A_127 = vector.shape_cast %get3A_126 : vector<1x1000x128xf32> to vector<1000x128xf32>
    %convert_element_type3A_128 = arith.truncf %get3A_127 : vector<1000x128xf32> to vector<1000x128xbf16>
    %get3A_129 = arith.constant 9 : index
    %get3A_130 = arith.constant 0 : index
    %get3A_131 = arith.constant 0 : index
    %get3A_132 = vector.load %arg2[%get3A_129, %get3A_130, %get3A_131] : memref<32x128x128xbf16, #tpu.memory_space<vmem>>, vector<1x128x128xbf16>
    %get3A_133 = vector.shape_cast %get3A_132 : vector<1x128x128xbf16> to vector<128x128xbf16>
    %dot_general3A_134 = arith.constant dense<0.000000e+00> : vector<1000x128xf32>
    %dot_general3A_135 = tpu.matmul %convert_element_type3A_128, %get3A_133, %dot_general3A_134 {dimension_numbers = #tpu.dot_dimension_numbers<[1], [0], [0], [1], [0, 0, 1, 1], [], []>, transpose_lhs_hint = false} : vector<1000x128xbf16>, vector<128x128xbf16>, vector<1000x128xf32> -> vector<1000x128xf32>
    %add3A_136 = arith.addf %add3A_122, %dot_general3A_135 : vector<1000x128xf32>
    %get3A_137 = arith.constant 10 : index
    %get3A_138 = arith.constant 0 : index
    %get3A_139 = arith.constant 0 : index
    %get3A_140 = vector.load %arg1[%get3A_137, %get3A_138, %get3A_139] : memref<32x1000x128xf32, #tpu.memory_space<vmem>>, vector<1x1000x128xf32>
    %get3A_141 = vector.shape_cast %get3A_140 : vector<1x1000x128xf32> to vector<1000x128xf32>
    %convert_element_type3A_142 = arith.truncf %get3A_141 : vector<1000x128xf32> to vector<1000x128xbf16>
    %get3A_143 = arith.constant 10 : index
    %get3A_144 = arith.constant 0 : index
    %get3A_145 = arith.constant 0 : index
    %get3A_146 = vector.load %arg2[%get3A_143, %get3A_144, %get3A_145] : memref<32x128x128xbf16, #tpu.memory_space<vmem>>, vector<1x128x128xbf16>
    %get3A_147 = vector.shape_cast %get3A_146 : vector<1x128x128xbf16> to vector<128x128xbf16>
    %dot_general3A_148 = arith.constant dense<0.000000e+00> : vector<1000x128xf32>
    %dot_general3A_149 = tpu.matmul %convert_element_type3A_142, %get3A_147, %dot_general3A_148 {dimension_numbers = #tpu.dot_dimension_numbers<[1], [0], [0], [1], [0, 0, 1, 1], [], []>, transpose_lhs_hint = false} : vector<1000x128xbf16>, vector<128x128xbf16>, vector<1000x128xf32> -> vector<1000x128xf32>
    %add3A_150 = arith.addf %add3A_136, %dot_general3A_149 : vector<1000x128xf32>
    %get3A_151 = arith.constant 11 : index
    %get3A_152 = arith.constant 0 : index
    %get3A_153 = arith.constant 0 : index
    %get3A_154 = vector.load %arg1[%get3A_151, %get3A_152, %get3A_153] : memref<32x1000x128xf32, #tpu.memory_space<vmem>>, vector<1x1000x128xf32>
    %get3A_155 = vector.shape_cast %get3A_154 : vector<1x1000x128xf32> to vector<1000x128xf32>
    %convert_element_type3A_156 = arith.truncf %get3A_155 : vector<1000x128xf32> to vector<1000x128xbf16>
    %get3A_157 = arith.constant 11 : index
    %get3A_158 = arith.constant 0 : index
    %get3A_159 = arith.constant 0 : index
    %get3A_160 = vector.load %arg2[%get3A_157, %get3A_158, %get3A_159] : memref<32x128x128xbf16, #tpu.memory_space<vmem>>, vector<1x128x128xbf16>
    %get3A_161 = vector.shape_cast %get3A_160 : vector<1x128x128xbf16> to vector<128x128xbf16>
    %dot_general3A_162 = arith.constant dense<0.000000e+00> : vector<1000x128xf32>
    %dot_general3A_163 = tpu.matmul %convert_element_type3A_156, %get3A_161, %dot_general3A_162 {dimension_numbers = #tpu.dot_dimension_numbers<[1], [0], [0], [1], [0, 0, 1, 1], [], []>, transpose_lhs_hint = false} : vector<1000x128xbf16>, vector<128x128xbf16>, vector<1000x128xf32> -> vector<1000x128xf32>
    %add3A_164 = arith.addf %add3A_150, %dot_general3A_163 : vector<1000x128xf32>
    %get3A_165 = arith.constant 12 : index
    %get3A_166 = arith.constant 0 : index
    %get3A_167 = arith.constant 0 : index
    %get3A_168 = vector.load %arg1[%get3A_165, %get3A_166, %get3A_167] : memref<32x1000x128xf32, #tpu.memory_space<vmem>>, vector<1x1000x128xf32>
    %get3A_169 = vector.shape_cast %get3A_168 : vector<1x1000x128xf32> to vector<1000x128xf32>
    %convert_element_type3A_170 = arith.truncf %get3A_169 : vector<1000x128xf32> to vector<1000x128xbf16>
    %get3A_171 = arith.constant 12 : index
    %get3A_172 = arith.constant 0 : index
    %get3A_173 = arith.constant 0 : index
    %get3A_174 = vector.load %arg2[%get3A_171, %get3A_172, %get3A_173] : memref<32x128x128xbf16, #tpu.memory_space<vmem>>, vector<1x128x128xbf16>
    %get3A_175 = vector.shape_cast %get3A_174 : vector<1x128x128xbf16> to vector<128x128xbf16>
    %dot_general3A_176 = arith.constant dense<0.000000e+00> : vector<1000x128xf32>
    %dot_general3A_177 = tpu.matmul %convert_element_type3A_170, %get3A_175, %dot_general3A_176 {dimension_numbers = #tpu.dot_dimension_numbers<[1], [0], [0], [1], [0, 0, 1, 1], [], []>, transpose_lhs_hint = false} : vector<1000x128xbf16>, vector<128x128xbf16>, vector<1000x128xf32> -> vector<1000x128xf32>
    %add3A_178 = arith.addf %add3A_164, %dot_general3A_177 : vector<1000x128xf32>
    %get3A_179 = arith.constant 13 : index
    %get3A_180 = arith.constant 0 : index
    %get3A_181 = arith.constant 0 : index
    %get3A_182 = vector.load %arg1[%get3A_179, %get3A_180, %get3A_181] : memref<32x1000x128xf32, #tpu.memory_space<vmem>>, vector<1x1000x128xf32>
    %get3A_183 = vector.shape_cast %get3A_182 : vector<1x1000x128xf32> to vector<1000x128xf32>
    %convert_element_type3A_184 = arith.truncf %get3A_183 : vector<1000x128xf32> to vector<1000x128xbf16>
    %get3A_185 = arith.constant 13 : index
    %get3A_186 = arith.constant 0 : index
    %get3A_187 = arith.constant 0 : index
    %get3A_188 = vector.load %arg2[%get3A_185, %get3A_186, %get3A_187] : memref<32x128x128xbf16, #tpu.memory_space<vmem>>, vector<1x128x128xbf16>
    %get3A_189 = vector.shape_cast %get3A_188 : vector<1x128x128xbf16> to vector<128x128xbf16>
    %dot_general3A_190 = arith.constant dense<0.000000e+00> : vector<1000x128xf32>
    %dot_general3A_191 = tpu.matmul %convert_element_type3A_184, %get3A_189, %dot_general3A_190 {dimension_numbers = #tpu.dot_dimension_numbers<[1], [0], [0], [1], [0, 0, 1, 1], [], []>, transpose_lhs_hint = false} : vector<1000x128xbf16>, vector<128x128xbf16>, vector<1000x128xf32> -> vector<1000x128xf32>
    %add3A_192 = arith.addf %add3A_178, %dot_general3A_191 : vector<1000x128xf32>
    %get3A_193 = arith.constant 14 : index
    %get3A_194 = arith.constant 0 : index
    %get3A_195 = arith.constant 0 : index
    %get3A_196 = vector.load %arg1[%get3A_193, %get3A_194, %get3A_195] : memref<32x1000x128xf32, #tpu.memory_space<vmem>>, vector<1x1000x128xf32>
    %get3A_197 = vector.shape_cast %get3A_196 : vector<1x1000x128xf32> to vector<1000x128xf32>
    %convert_element_type3A_198 = arith.truncf %get3A_197 : vector<1000x128xf32> to vector<1000x128xbf16>
    %get3A_199 = arith.constant 14 : index
    %get3A_200 = arith.constant 0 : index
    %get3A_201 = arith.constant 0 : index
    %get3A_202 = vector.load %arg2[%get3A_199, %get3A_200, %get3A_201] : memref<32x128x128xbf16, #tpu.memory_space<vmem>>, vector<1x128x128xbf16>
    %get3A_203 = vector.shape_cast %get3A_202 : vector<1x128x128xbf16> to vector<128x128xbf16>
    %dot_general3A_204 = arith.constant dense<0.000000e+00> : vector<1000x128xf32>
    %dot_general3A_205 = tpu.matmul %convert_element_type3A_198, %get3A_203, %dot_general3A_204 {dimension_numbers = #tpu.dot_dimension_numbers<[1], [0], [0], [1], [0, 0, 1, 1], [], []>, transpose_lhs_hint = false} : vector<1000x128xbf16>, vector<128x128xbf16>, vector<1000x128xf32> -> vector<1000x128xf32>
    %add3A_206 = arith.addf %add3A_192, %dot_general3A_205 : vector<1000x128xf32>
    %get3A_207 = arith.constant 15 : index
    %get3A_208 = arith.constant 0 : index
    %get3A_209 = arith.constant 0 : index
    %get3A_210 = vector.load %arg1[%get3A_207, %get3A_208, %get3A_209] : memref<32x1000x128xf32, #tpu.memory_space<vmem>>, vector<1x1000x128xf32>
    %get3A_211 = vector.shape_cast %get3A_210 : vector<1x1000x128xf32> to vector<1000x128xf32>
    %convert_element_type3A_212 = arith.truncf %get3A_211 : vector<1000x128xf32> to vector<1000x128xbf16>
    %get3A_213 = arith.constant 15 : index
    %get3A_214 = arith.constant 0 : index
    %get3A_215 = arith.constant 0 : index
    %get3A_216 = vector.load %arg2[%get3A_213, %get3A_214, %get3A_215] : memref<32x128x128xbf16, #tpu.memory_space<vmem>>, vector<1x128x128xbf16>
    %get3A_217 = vector.shape_cast %get3A_216 : vector<1x128x128xbf16> to vector<128x128xbf16>
    %dot_general3A_218 = arith.constant dense<0.000000e+00> : vector<1000x128xf32>
    %dot_general3A_219 = tpu.matmul %convert_element_type3A_212, %get3A_217, %dot_general3A_218 {dimension_numbers = #tpu.dot_dimension_numbers<[1], [0], [0], [1], [0, 0, 1, 1], [], []>, transpose_lhs_hint = false} : vector<1000x128xbf16>, vector<128x128xbf16>, vector<1000x128xf32> -> vector<1000x128xf32>
    %add3A_220 = arith.addf %add3A_206, %dot_general3A_219 : vector<1000x128xf32>
    %get3A_221 = arith.constant 16 : index
    %get3A_222 = arith.constant 0 : index
    %get3A_223 = arith.constant 0 : index
    %get3A_224 = vector.load %arg1[%get3A_221, %get3A_222, %get3A_223] : memref<32x1000x128xf32, #tpu.memory_space<vmem>>, vector<1x1000x128xf32>
    %get3A_225 = vector.shape_cast %get3A_224 : vector<1x1000x128xf32> to vector<1000x128xf32>
    %convert_element_type3A_226 = arith.truncf %get3A_225 : vector<1000x128xf32> to vector<1000x128xbf16>
    %get3A_227 = arith.constant 16 : index
    %get3A_228 = arith.constant 0 : index
    %get3A_229 = arith.constant 0 : index
    %get3A_230 = vector.load %arg2[%get3A_227, %get3A_228, %get3A_229] : memref<32x128x128xbf16, #tpu.memory_space<vmem>>, vector<1x128x128xbf16>
    %get3A_231 = vector.shape_cast %get3A_230 : vector<1x128x128xbf16> to vector<128x128xbf16>
    %dot_general3A_232 = arith.constant dense<0.000000e+00> : vector<1000x128xf32>
    %dot_general3A_233 = tpu.matmul %convert_element_type3A_226, %get3A_231, %dot_general3A_232 {dimension_numbers = #tpu.dot_dimension_numbers<[1], [0], [0], [1], [0, 0, 1, 1], [], []>, transpose_lhs_hint = false} : vector<1000x128xbf16>, vector<128x128xbf16>, vector<1000x128xf32> -> vector<1000x128xf32>
    %add3A_234 = arith.addf %add3A_220, %dot_general3A_233 : vector<1000x128xf32>
    %get3A_235 = arith.constant 17 : index
    %get3A_236 = arith.constant 0 : index
    %get3A_237 = arith.constant 0 : index
    %get3A_238 = vector.load %arg1[%get3A_235, %get3A_236, %get3A_237] : memref<32x1000x128xf32, #tpu.memory_space<vmem>>, vector<1x1000x128xf32>
    %get3A_239 = vector.shape_cast %get3A_238 : vector<1x1000x128xf32> to vector<1000x128xf32>
    %convert_element_type3A_240 = arith.truncf %get3A_239 : vector<1000x128xf32> to vector<1000x128xbf16>
    %get3A_241 = arith.constant 17 : index
    %get3A_242 = arith.constant 0 : index
    %get3A_243 = arith.constant 0 : index
    %get3A_244 = vector.load %arg2[%get3A_241, %get3A_242, %get3A_243] : memref<32x128x128xbf16, #tpu.memory_space<vmem>>, vector<1x128x128xbf16>
    %get3A_245 = vector.shape_cast %get3A_244 : vector<1x128x128xbf16> to vector<128x128xbf16>
    %dot_general3A_246 = arith.constant dense<0.000000e+00> : vector<1000x128xf32>
    %dot_general3A_247 = tpu.matmul %convert_element_type3A_240, %get3A_245, %dot_general3A_246 {dimension_numbers = #tpu.dot_dimension_numbers<[1], [0], [0], [1], [0, 0, 1, 1], [], []>, transpose_lhs_hint = false} : vector<1000x128xbf16>, vector<128x128xbf16>, vector<1000x128xf32> -> vector<1000x128xf32>
    %add3A_248 = arith.addf %add3A_234, %dot_general3A_247 : vector<1000x128xf32>
    %get3A_249 = arith.constant 18 : index
    %get3A_250 = arith.constant 0 : index
    %get3A_251 = arith.constant 0 : index
    %get3A_252 = vector.load %arg1[%get3A_249, %get3A_250, %get3A_251] : memref<32x1000x128xf32, #tpu.memory_space<vmem>>, vector<1x1000x128xf32>
    %get3A_253 = vector.shape_cast %get3A_252 : vector<1x1000x128xf32> to vector<1000x128xf32>
    %convert_element_type3A_254 = arith.truncf %get3A_253 : vector<1000x128xf32> to vector<1000x128xbf16>
    %get3A_255 = arith.constant 18 : index
    %get3A_256 = arith.constant 0 : index
    %get3A_257 = arith.constant 0 : index
    %get3A_258 = vector.load %arg2[%get3A_255, %get3A_256, %get3A_257] : memref<32x128x128xbf16, #tpu.memory_space<vmem>>, vector<1x128x128xbf16>
    %get3A_259 = vector.shape_cast %get3A_258 : vector<1x128x128xbf16> to vector<128x128xbf16>
    %dot_general3A_260 = arith.constant dense<0.000000e+00> : vector<1000x128xf32>
    %dot_general3A_261 = tpu.matmul %convert_element_type3A_254, %get3A_259, %dot_general3A_260 {dimension_numbers = #tpu.dot_dimension_numbers<[1], [0], [0], [1], [0, 0, 1, 1], [], []>, transpose_lhs_hint = false} : vector<1000x128xbf16>, vector<128x128xbf16>, vector<1000x128xf32> -> vector<1000x128xf32>
    %add3A_262 = arith.addf %add3A_248, %dot_general3A_261 : vector<1000x128xf32>
    %get3A_263 = arith.constant 19 : index
    %get3A_264 = arith.constant 0 : index
    %get3A_265 = arith.constant 0 : index
    %get3A_266 = vector.load %arg1[%get3A_263, %get3A_264, %get3A_265] : memref<32x1000x128xf32, #tpu.memory_space<vmem>>, vector<1x1000x128xf32>
    %get3A_267 = vector.shape_cast %get3A_266 : vector<1x1000x128xf32> to vector<1000x128xf32>
    %convert_element_type3A_268 = arith.truncf %get3A_267 : vector<1000x128xf32> to vector<1000x128xbf16>
    %get3A_269 = arith.constant 19 : index
    %get3A_270 = arith.constant 0 : index
    %get3A_271 = arith.constant 0 : index
    %get3A_272 = vector.load %arg2[%get3A_269, %get3A_270, %get3A_271] : memref<32x128x128xbf16, #tpu.memory_space<vmem>>, vector<1x128x128xbf16>
    %get3A_273 = vector.shape_cast %get3A_272 : vector<1x128x128xbf16> to vector<128x128xbf16>
    %dot_general3A_274 = arith.constant dense<0.000000e+00> : vector<1000x128xf32>
    %dot_general3A_275 = tpu.matmul %convert_element_type3A_268, %get3A_273, %dot_general3A_274 {dimension_numbers = #tpu.dot_dimension_numbers<[1], [0], [0], [1], [0, 0, 1, 1], [], []>, transpose_lhs_hint = false} : vector<1000x128xbf16>, vector<128x128xbf16>, vector<1000x128xf32> -> vector<1000x128xf32>
    %add3A_276 = arith.addf %add3A_262, %dot_general3A_275 : vector<1000x128xf32>
    %get3A_277 = arith.constant 20 : index
    %get3A_278 = arith.constant 0 : index
    %get3A_279 = arith.constant 0 : index
    %get3A_280 = vector.load %arg1[%get3A_277, %get3A_278, %get3A_279] : memref<32x1000x128xf32, #tpu.memory_space<vmem>>, vector<1x1000x128xf32>
    %get3A_281 = vector.shape_cast %get3A_280 : vector<1x1000x128xf32> to vector<1000x128xf32>
    %convert_element_type3A_282 = arith.truncf %get3A_281 : vector<1000x128xf32> to vector<1000x128xbf16>
    %get3A_283 = arith.constant 20 : index
    %get3A_284 = arith.constant 0 : index
    %get3A_285 = arith.constant 0 : index
    %get3A_286 = vector.load %arg2[%get3A_283, %get3A_284, %get3A_285] : memref<32x128x128xbf16, #tpu.memory_space<vmem>>, vector<1x128x128xbf16>
    %get3A_287 = vector.shape_cast %get3A_286 : vector<1x128x128xbf16> to vector<128x128xbf16>
    %dot_general3A_288 = arith.constant dense<0.000000e+00> : vector<1000x128xf32>
    %dot_general3A_289 = tpu.matmul %convert_element_type3A_282, %get3A_287, %dot_general3A_288 {dimension_numbers = #tpu.dot_dimension_numbers<[1], [0], [0], [1], [0, 0, 1, 1], [], []>, transpose_lhs_hint = false} : vector<1000x128xbf16>, vector<128x128xbf16>, vector<1000x128xf32> -> vector<1000x128xf32>
    %add3A_290 = arith.addf %add3A_276, %dot_general3A_289 : vector<1000x128xf32>
    %get3A_291 = arith.constant 21 : index
    %get3A_292 = arith.constant 0 : index
    %get3A_293 = arith.constant 0 : index
    %get3A_294 = vector.load %arg1[%get3A_291, %get3A_292, %get3A_293] : memref<32x1000x128xf32, #tpu.memory_space<vmem>>, vector<1x1000x128xf32>
    %get3A_295 = vector.shape_cast %get3A_294 : vector<1x1000x128xf32> to vector<1000x128xf32>
    %convert_element_type3A_296 = arith.truncf %get3A_295 : vector<1000x128xf32> to vector<1000x128xbf16>
    %get3A_297 = arith.constant 21 : index
    %get3A_298 = arith.constant 0 : index
    %get3A_299 = arith.constant 0 : index
    %get3A_300 = vector.load %arg2[%get3A_297, %get3A_298, %get3A_299] : memref<32x128x128xbf16, #tpu.memory_space<vmem>>, vector<1x128x128xbf16>
    %get3A_301 = vector.shape_cast %get3A_300 : vector<1x128x128xbf16> to vector<128x128xbf16>
    %dot_general3A_302 = arith.constant dense<0.000000e+00> : vector<1000x128xf32>
    %dot_general3A_303 = tpu.matmul %convert_element_type3A_296, %get3A_301, %dot_general3A_302 {dimension_numbers = #tpu.dot_dimension_numbers<[1], [0], [0], [1], [0, 0, 1, 1], [], []>, transpose_lhs_hint = false} : vector<1000x128xbf16>, vector<128x128xbf16>, vector<1000x128xf32> -> vector<1000x128xf32>
    %add3A_304 = arith.addf %add3A_290, %dot_general3A_303 : vector<1000x128xf32>
    %get3A_305 = arith.constant 22 : index
    %get3A_306 = arith.constant 0 : index
    %get3A_307 = arith.constant 0 : index
    %get3A_308 = vector.load %arg1[%get3A_305, %get3A_306, %get3A_307] : memref<32x1000x128xf32, #tpu.memory_space<vmem>>, vector<1x1000x128xf32>
    %get3A_309 = vector.shape_cast %get3A_308 : vector<1x1000x128xf32> to vector<1000x128xf32>
    %convert_element_type3A_310 = arith.truncf %get3A_309 : vector<1000x128xf32> to vector<1000x128xbf16>
    %get3A_311 = arith.constant 22 : index
    %get3A_312 = arith.constant 0 : index
    %get3A_313 = arith.constant 0 : index
    %get3A_314 = vector.load %arg2[%get3A_311, %get3A_312, %get3A_313] : memref<32x128x128xbf16, #tpu.memory_space<vmem>>, vector<1x128x128xbf16>
    %get3A_315 = vector.shape_cast %get3A_314 : vector<1x128x128xbf16> to vector<128x128xbf16>
    %dot_general3A_316 = arith.constant dense<0.000000e+00> : vector<1000x128xf32>
    %dot_general3A_317 = tpu.matmul %convert_element_type3A_310, %get3A_315, %dot_general3A_316 {dimension_numbers = #tpu.dot_dimension_numbers<[1], [0], [0], [1], [0, 0, 1, 1], [], []>, transpose_lhs_hint = false} : vector<1000x128xbf16>, vector<128x128xbf16>, vector<1000x128xf32> -> vector<1000x128xf32>
    %add3A_318 = arith.addf %add3A_304, %dot_general3A_317 : vector<1000x128xf32>
    %get3A_319 = arith.constant 23 : index
    %get3A_320 = arith.constant 0 : index
    %get3A_321 = arith.constant 0 : index
    %get3A_322 = vector.load %arg1[%get3A_319, %get3A_320, %get3A_321] : memref<32x1000x128xf32, #tpu.memory_space<vmem>>, vector<1x1000x128xf32>
    %get3A_323 = vector.shape_cast %get3A_322 : vector<1x1000x128xf32> to vector<1000x128xf32>
    %convert_element_type3A_324 = arith.truncf %get3A_323 : vector<1000x128xf32> to vector<1000x128xbf16>
    %get3A_325 = arith.constant 23 : index
    %get3A_326 = arith.constant 0 : index
    %get3A_327 = arith.constant 0 : index
    %get3A_328 = vector.load %arg2[%get3A_325, %get3A_326, %get3A_327] : memref<32x128x128xbf16, #tpu.memory_space<vmem>>, vector<1x128x128xbf16>
    %get3A_329 = vector.shape_cast %get3A_328 : vector<1x128x128xbf16> to vector<128x128xbf16>
    %dot_general3A_330 = arith.constant dense<0.000000e+00> : vector<1000x128xf32>
    %dot_general3A_331 = tpu.matmul %convert_element_type3A_324, %get3A_329, %dot_general3A_330 {dimension_numbers = #tpu.dot_dimension_numbers<[1], [0], [0], [1], [0, 0, 1, 1], [], []>, transpose_lhs_hint = false} : vector<1000x128xbf16>, vector<128x128xbf16>, vector<1000x128xf32> -> vector<1000x128xf32>
    %add3A_332 = arith.addf %add3A_318, %dot_general3A_331 : vector<1000x128xf32>
    %get3A_333 = arith.constant 24 : index
    %get3A_334 = arith.constant 0 : index
    %get3A_335 = arith.constant 0 : index
    %get3A_336 = vector.load %arg1[%get3A_333, %get3A_334, %get3A_335] : memref<32x1000x128xf32, #tpu.memory_space<vmem>>, vector<1x1000x128xf32>
    %get3A_337 = vector.shape_cast %get3A_336 : vector<1x1000x128xf32> to vector<1000x128xf32>
    %convert_element_type3A_338 = arith.truncf %get3A_337 : vector<1000x128xf32> to vector<1000x128xbf16>
    %get3A_339 = arith.constant 24 : index
    %get3A_340 = arith.constant 0 : index
    %get3A_341 = arith.constant 0 : index
    %get3A_342 = vector.load %arg2[%get3A_339, %get3A_340, %get3A_341] : memref<32x128x128xbf16, #tpu.memory_space<vmem>>, vector<1x128x128xbf16>
    %get3A_343 = vector.shape_cast %get3A_342 : vector<1x128x128xbf16> to vector<128x128xbf16>
    %dot_general3A_344 = arith.constant dense<0.000000e+00> : vector<1000x128xf32>
    %dot_general3A_345 = tpu.matmul %convert_element_type3A_338, %get3A_343, %dot_general3A_344 {dimension_numbers = #tpu.dot_dimension_numbers<[1], [0], [0], [1], [0, 0, 1, 1], [], []>, transpose_lhs_hint = false} : vector<1000x128xbf16>, vector<128x128xbf16>, vector<1000x128xf32> -> vector<1000x128xf32>
    %add3A_346 = arith.addf %add3A_332, %dot_general3A_345 : vector<1000x128xf32>
    %get3A_347 = arith.constant 25 : index
    %get3A_348 = arith.constant 0 : index
    %get3A_349 = arith.constant 0 : index
    %get3A_350 = vector.load %arg1[%get3A_347, %get3A_348, %get3A_349] : memref<32x1000x128xf32, #tpu.memory_space<vmem>>, vector<1x1000x128xf32>
    %get3A_351 = vector.shape_cast %get3A_350 : vector<1x1000x128xf32> to vector<1000x128xf32>
    %convert_element_type3A_352 = arith.truncf %get3A_351 : vector<1000x128xf32> to vector<1000x128xbf16>
    %get3A_353 = arith.constant 25 : index
    %get3A_354 = arith.constant 0 : index
    %get3A_355 = arith.constant 0 : index
    %get3A_356 = vector.load %arg2[%get3A_353, %get3A_354, %get3A_355] : memref<32x128x128xbf16, #tpu.memory_space<vmem>>, vector<1x128x128xbf16>
    %get3A_357 = vector.shape_cast %get3A_356 : vector<1x128x128xbf16> to vector<128x128xbf16>
    %dot_general3A_358 = arith.constant dense<0.000000e+00> : vector<1000x128xf32>
    %dot_general3A_359 = tpu.matmul %convert_element_type3A_352, %get3A_357, %dot_general3A_358 {dimension_numbers = #tpu.dot_dimension_numbers<[1], [0], [0], [1], [0, 0, 1, 1], [], []>, transpose_lhs_hint = false} : vector<1000x128xbf16>, vector<128x128xbf16>, vector<1000x128xf32> -> vector<1000x128xf32>
    %add3A_360 = arith.addf %add3A_346, %dot_general3A_359 : vector<1000x128xf32>
    %get3A_361 = arith.constant 26 : index
    %get3A_362 = arith.constant 0 : index
    %get3A_363 = arith.constant 0 : index
    %get3A_364 = vector.load %arg1[%get3A_361, %get3A_362, %get3A_363] : memref<32x1000x128xf32, #tpu.memory_space<vmem>>, vector<1x1000x128xf32>
    %get3A_365 = vector.shape_cast %get3A_364 : vector<1x1000x128xf32> to vector<1000x128xf32>
    %convert_element_type3A_366 = arith.truncf %get3A_365 : vector<1000x128xf32> to vector<1000x128xbf16>
    %get3A_367 = arith.constant 26 : index
    %get3A_368 = arith.constant 0 : index
    %get3A_369 = arith.constant 0 : index
    %get3A_370 = vector.load %arg2[%get3A_367, %get3A_368, %get3A_369] : memref<32x128x128xbf16, #tpu.memory_space<vmem>>, vector<1x128x128xbf16>
    %get3A_371 = vector.shape_cast %get3A_370 : vector<1x128x128xbf16> to vector<128x128xbf16>
    %dot_general3A_372 = arith.constant dense<0.000000e+00> : vector<1000x128xf32>
    %dot_general3A_373 = tpu.matmul %convert_element_type3A_366, %get3A_371, %dot_general3A_372 {dimension_numbers = #tpu.dot_dimension_numbers<[1], [0], [0], [1], [0, 0, 1, 1], [], []>, transpose_lhs_hint = false} : vector<1000x128xbf16>, vector<128x128xbf16>, vector<1000x128xf32> -> vector<1000x128xf32>
    %add3A_374 = arith.addf %add3A_360, %dot_general3A_373 : vector<1000x128xf32>
    %get3A_375 = arith.constant 27 : index
    %get3A_376 = arith.constant 0 : index
    %get3A_377 = arith.constant 0 : index
    %get3A_378 = vector.load %arg1[%get3A_375, %get3A_376, %get3A_377] : memref<32x1000x128xf32, #tpu.memory_space<vmem>>, vector<1x1000x128xf32>
    %get3A_379 = vector.shape_cast %get3A_378 : vector<1x1000x128xf32> to vector<1000x128xf32>
    %convert_element_type3A_380 = arith.truncf %get3A_379 : vector<1000x128xf32> to vector<1000x128xbf16>
    %get3A_381 = arith.constant 27 : index
    %get3A_382 = arith.constant 0 : index
    %get3A_383 = arith.constant 0 : index
    %get3A_384 = vector.load %arg2[%get3A_381, %get3A_382, %get3A_383] : memref<32x128x128xbf16, #tpu.memory_space<vmem>>, vector<1x128x128xbf16>
    %get3A_385 = vector.shape_cast %get3A_384 : vector<1x128x128xbf16> to vector<128x128xbf16>
    %dot_general3A_386 = arith.constant dense<0.000000e+00> : vector<1000x128xf32>
    %dot_general3A_387 = tpu.matmul %convert_element_type3A_380, %get3A_385, %dot_general3A_386 {dimension_numbers = #tpu.dot_dimension_numbers<[1], [0], [0], [1], [0, 0, 1, 1], [], []>, transpose_lhs_hint = false} : vector<1000x128xbf16>, vector<128x128xbf16>, vector<1000x128xf32> -> vector<1000x128xf32>
    %add3A_388 = arith.addf %add3A_374, %dot_general3A_387 : vector<1000x128xf32>
    %get3A_389 = arith.constant 28 : index
    %get3A_390 = arith.constant 0 : index
    %get3A_391 = arith.constant 0 : index
    %get3A_392 = vector.load %arg1[%get3A_389, %get3A_390, %get3A_391] : memref<32x1000x128xf32, #tpu.memory_space<vmem>>, vector<1x1000x128xf32>
    %get3A_393 = vector.shape_cast %get3A_392 : vector<1x1000x128xf32> to vector<1000x128xf32>
    %convert_element_type3A_394 = arith.truncf %get3A_393 : vector<1000x128xf32> to vector<1000x128xbf16>
    %get3A_395 = arith.constant 28 : index
    %get3A_396 = arith.constant 0 : index
    %get3A_397 = arith.constant 0 : index
    %get3A_398 = vector.load %arg2[%get3A_395, %get3A_396, %get3A_397] : memref<32x128x128xbf16, #tpu.memory_space<vmem>>, vector<1x128x128xbf16>
    %get3A_399 = vector.shape_cast %get3A_398 : vector<1x128x128xbf16> to vector<128x128xbf16>
    %dot_general3A_400 = arith.constant dense<0.000000e+00> : vector<1000x128xf32>
    %dot_general3A_401 = tpu.matmul %convert_element_type3A_394, %get3A_399, %dot_general3A_400 {dimension_numbers = #tpu.dot_dimension_numbers<[1], [0], [0], [1], [0, 0, 1, 1], [], []>, transpose_lhs_hint = false} : vector<1000x128xbf16>, vector<128x128xbf16>, vector<1000x128xf32> -> vector<1000x128xf32>
    %add3A_402 = arith.addf %add3A_388, %dot_general3A_401 : vector<1000x128xf32>
    %get3A_403 = arith.constant 29 : index
    %get3A_404 = arith.constant 0 : index
    %get3A_405 = arith.constant 0 : index
    %get3A_406 = vector.load %arg1[%get3A_403, %get3A_404, %get3A_405] : memref<32x1000x128xf32, #tpu.memory_space<vmem>>, vector<1x1000x128xf32>
    %get3A_407 = vector.shape_cast %get3A_406 : vector<1x1000x128xf32> to vector<1000x128xf32>
    %convert_element_type3A_408 = arith.truncf %get3A_407 : vector<1000x128xf32> to vector<1000x128xbf16>
    %get3A_409 = arith.constant 29 : index
    %get3A_410 = arith.constant 0 : index
    %get3A_411 = arith.constant 0 : index
    %get3A_412 = vector.load %arg2[%get3A_409, %get3A_410, %get3A_411] : memref<32x128x128xbf16, #tpu.memory_space<vmem>>, vector<1x128x128xbf16>
    %get3A_413 = vector.shape_cast %get3A_412 : vector<1x128x128xbf16> to vector<128x128xbf16>
    %dot_general3A_414 = arith.constant dense<0.000000e+00> : vector<1000x128xf32>
    %dot_general3A_415 = tpu.matmul %convert_element_type3A_408, %get3A_413, %dot_general3A_414 {dimension_numbers = #tpu.dot_dimension_numbers<[1], [0], [0], [1], [0, 0, 1, 1], [], []>, transpose_lhs_hint = false} : vector<1000x128xbf16>, vector<128x128xbf16>, vector<1000x128xf32> -> vector<1000x128xf32>
    %add3A_416 = arith.addf %add3A_402, %dot_general3A_415 : vector<1000x128xf32>
    %get3A_417 = arith.constant 30 : index
    %get3A_418 = arith.constant 0 : index
    %get3A_419 = arith.constant 0 : index
    %get3A_420 = vector.load %arg1[%get3A_417, %get3A_418, %get3A_419] : memref<32x1000x128xf32, #tpu.memory_space<vmem>>, vector<1x1000x128xf32>
    %get3A_421 = vector.shape_cast %get3A_420 : vector<1x1000x128xf32> to vector<1000x128xf32>
    %convert_element_type3A_422 = arith.truncf %get3A_421 : vector<1000x128xf32> to vector<1000x128xbf16>
    %get3A_423 = arith.constant 30 : index
    %get3A_424 = arith.constant 0 : index
    %get3A_425 = arith.constant 0 : index
    %get3A_426 = vector.load %arg2[%get3A_423, %get3A_424, %get3A_425] : memref<32x128x128xbf16, #tpu.memory_space<vmem>>, vector<1x128x128xbf16>
    %get3A_427 = vector.shape_cast %get3A_426 : vector<1x128x128xbf16> to vector<128x128xbf16>
    %dot_general3A_428 = arith.constant dense<0.000000e+00> : vector<1000x128xf32>
    %dot_general3A_429 = tpu.matmul %convert_element_type3A_422, %get3A_427, %dot_general3A_428 {dimension_numbers = #tpu.dot_dimension_numbers<[1], [0], [0], [1], [0, 0, 1, 1], [], []>, transpose_lhs_hint = false} : vector<1000x128xbf16>, vector<128x128xbf16>, vector<1000x128xf32> -> vector<1000x128xf32>
    %add3A_430 = arith.addf %add3A_416, %dot_general3A_429 : vector<1000x128xf32>
    %get3A_431 = arith.constant 31 : index
    %get3A_432 = arith.constant 0 : index
    %get3A_433 = arith.constant 0 : index
    %get3A_434 = vector.load %arg1[%get3A_431, %get3A_432, %get3A_433] : memref<32x1000x128xf32, #tpu.memory_space<vmem>>, vector<1x1000x128xf32>
    %get3A_435 = vector.shape_cast %get3A_434 : vector<1x1000x128xf32> to vector<1000x128xf32>
    %convert_element_type3A_436 = arith.truncf %get3A_435 : vector<1000x128xf32> to vector<1000x128xbf16>
    %get3A_437 = arith.constant 31 : index
    %get3A_438 = arith.constant 0 : index
    %get3A_439 = arith.constant 0 : index
    %get3A_440 = vector.load %arg2[%get3A_437, %get3A_438, %get3A_439] : memref<32x128x128xbf16, #tpu.memory_space<vmem>>, vector<1x128x128xbf16>
    %get3A_441 = vector.shape_cast %get3A_440 : vector<1x128x128xbf16> to vector<128x128xbf16>
    %dot_general3A_442 = arith.constant dense<0.000000e+00> : vector<1000x128xf32>
    %dot_general3A_443 = tpu.matmul %convert_element_type3A_436, %get3A_441, %dot_general3A_442 {dimension_numbers = #tpu.dot_dimension_numbers<[1], [0], [0], [1], [0, 0, 1, 1], [], []>, transpose_lhs_hint = false} : vector<1000x128xbf16>, vector<128x128xbf16>, vector<1000x128xf32> -> vector<1000x128xf32>
    %add3A_444 = arith.addf %add3A_430, %dot_general3A_443 : vector<1000x128xf32>
    %get3A_445 = arith.constant 0 : index
    %get3A_446 = arith.constant 0 : index
    %get3A_447 = vector.load %arg3[%get3A_445, %get3A_446] : memref<1x128xf32, #tpu.memory_space<vmem>>, vector<1x128xf32>
    %add3A_448 = vector.broadcast %get3A_447 : vector<1x128xf32> to vector<1000x128xf32>
    %add3A_449 = arith.addf %add3A_444, %add3A_448 : vector<1000x128xf32>
    %gt3A = arith.constant 0.000000e+00 : f32
    %gt3A_450 = vector.broadcast %gt3A : f32 to vector<1000x128xf32>
    %gt3A_451 = arith.cmpf ogt, %add3A_449, %gt3A_450 : vector<1000x128xf32>
    %min3A = arith.constant 0.000000e+00 : f32
    %min3A_452 = vector.broadcast %min3A : f32 to vector<1000x128xf32>
    %min3A_453 = arith.minimumf %add3A_449, %min3A_452 : vector<1000x128xf32>
    %exp3A = math.exp %min3A_453 : vector<1000x128xf32>
    %sub3A = arith.constant 1.000000e+00 : f32
    %sub3A_454 = vector.broadcast %sub3A : f32 to vector<1000x128xf32>
    %sub3A_455 = arith.subf %exp3A, %sub3A_454 : vector<1000x128xf32>
    %select_n3A = arith.select %gt3A_451, %add3A_449, %sub3A_455 : vector<1000x128xi1>, vector<1000x128xf32>
    %mul3A = arith.constant 1000 : i32
    %mul3A_456 = arith.muli %arg0, %mul3A : i32
    %iota3A = tpu.iota {dimensions = array<i32: 0>} : vector<1000x1xi32>
    %add3A_457 = vector.broadcast %mul3A_456 : i32 to vector<1000x1xi32>
    %add3A_458 = arith.addi %add3A_457, %iota3A : vector<1000x1xi32>
    %eq3A = arith.constant 9999 : i32
    %eq3A_459 = vector.broadcast %eq3A : i32 to vector<1000x1xi32>
    %eq3A_460 = arith.cmpi eq, %add3A_458, %eq3A_459 : vector<1000x1xi32>
    %jit3A = arith.constant 0.000000e+00 : f32
    %broadcast_in_dim3A_461 = vector.shape_cast %eq3A_460 : vector<1000x1xi1> to vector<1000x1xi1>
    %broadcast_in_dim3A_462 = vector.broadcast %broadcast_in_dim3A_461 : vector<1000x1xi1> to vector<1000x128xi1>
    %broadcast_in_dim3A_463 = vector.broadcast %jit3A : f32 to vector<1000x128xf32>
    %select_n3A_464 = arith.select %broadcast_in_dim3A_462, %broadcast_in_dim3A_463, %select_n3A : vector<1000x128xi1>, vector<1000x128xf32>
    %swap3A = arith.constant 0 : index
    %swap3A_465 = arith.constant 0 : index
    %swap3A_466 = vector.load %arg4[%swap3A, %swap3A_465] : memref<1000x128xf32, #tpu.memory_space<vmem>>, vector<1000x128xf32>
    tpu.vector_store %arg4[%swap3A, %swap3A_465], %select_n3A_464 {strides = array<i32>} : memref<1000x128xf32, #tpu.memory_space<vmem>>, vector<1000x128xf32>,
    return
  }
  func.func @transform_0(%arg0: i32) -> (i32, i32, i32) {
    %c0_i32 = arith.constant 0 : i32
    %c0_i32_0 = arith.constant 0 : i32
    %c0_i32_1 = arith.constant 0 : i32
    return %c0_i32, %arg0, %c0_i32_0 : i32, i32, i32
  }
  func.func @transform_1(%arg0: i32) -> (i32, i32, i32) {
    %c0_i32 = arith.constant 0 : i32
    %c0_i32_0 = arith.constant 0 : i32
    %c0_i32_1 = arith.constant 0 : i32
    %c0_i32_2 = arith.constant 0 : i32
    return %c0_i32, %c0_i32_0, %c0_i32_1 : i32, i32, i32
  }
  func.func @transform_2(%arg0: i32) -> (i32, i32) {
    %c0_i32 = arith.constant 0 : i32
    %c0_i32_0 = arith.constant 0 : i32
    %c0_i32_1 = arith.constant 0 : i32
    return %c0_i32, %c0_i32_0 : i32, i32
  }
  func.func @transform_3(%arg0: i32) -> (i32, i32) {
    %c0_i32 = arith.constant 0 : i32
    %c0_i32_0 = arith.constant 0 : i32
    return %arg0, %c0_i32 : i32, i32
  }
}

</mosaic_0001>

<sc_bundles>
// kernel: kernel.10.cloned.1.call-start
scs
__scs_entry_jumppad:
0x0: {  	(pc) =	sbr.rel $0x88, $3  }
0x1: {  	(tag) =	ssettag $0x0;
	lr =	simm.s32 $0x1  }
0x2: {  	[smem:$0x3F9D] =	sst lr;
	_ =	strace $0xD0000000  }
0x3: {  	_ = 	snop  }
0x4: {  	_ = 	snop  }
0x5: {  	_ = 	snop  }
0x6: {  	_ = 	snop  }
0x7: {  	_ = 	snop  }
__scs_overlays_trampoline_lowered:
0x8: {  	[smem:$0x3FAC] =	sst s0  }
0x9: {  	[smem:$0x3FAD] =	sst s1  }
0xa: {  	[smem:$0x3FAE] =	sst s2  }
0xb: {  	[smem:$0x3FAF] =	sst s3  }
0xc: {  	[smem:$0x3FB0] =	sst s4  }
0xd: {  	[smem:$0x3FB1] =	sst s5  }
0xe: {  	[smem:$0x3FB2] =	sst s6  }
0xf: {  	[smem:$0x3FB3] =	sst s7  }
0x10: {  	[smem:$0x3FB4] =	sst s8  }
0x11: {  	[smem:$0x3FB5] =	sst s9;
	s0 =	simm.s32 @!p0 $0x0  }
0x12: {  	s1 =	sld [smem:$0x3F9B];
	s0 =	simm.s32 @p0 $0x1  }
0x13: {  	[smem:$0x3FB6] =	sst s0;
	s0 =	simm.s32 @!p1 $0x0  }
0x14: {  	s2 =	sld [smem:$0x3F9A];
	s0 =	simm.s32 @p1 $0x1  }
0x15: {  	[smem:$0x3FB7] =	sst s0;
	s0 =	simm.s32 @!p2 $0x0  }
0x16: {  	s3 =	sld [smem:$0x3FDB];
	s0 =	simm.s32 @p2 $0x1  }
0x17: {  	s4 =	simm.s32 $0x1BF5;
	[smem:$0x3FB9] =	sst s0  }
0x18: {  	s0 =	sld [smem:$0x3F9C];
	_ =	swait.ge [sflag:s4], $0x0  }
0x19: {  	s7 =	sld [smem:$0x3F9D]  }
0x1a: {  	s8 =	sadd.s32 $0xFFFFE003, lr  }
0x1b: {  	s9 =	sadd.s32 $0xFFFFFEF7, lr;
	s5 =	simm.s32 $0xFFFFFFFF;
	p2 =	slt.u32 s8, $0xFFFFF086  }
0x1c: {  	p1 =	slt.u32 s9, $0xF7A;
	s5 =	simm.s32 @!p2 $0x0  }
0x1d: {  	s5 =	simm.s32 @p1 $0x1;
	p0 =	seq.s32 s7, s2  }
0x1e: {  	s7 =	smul.u32 @!p0 $0xF7A, s2;
	p2 =	seq.s32 @!p0 s5, $0x0  }
0x1f: {  	s9 =	smul.u32 $0xF7A, s1;
	s8 =	simm.s32 @!p0 $0x1BF5;
	p2 =	por !p2, p0  }
0x20: {  	[sflag:s8] =	ssyncset.s32 @!p0 $0xFFFFF086;
	s6 =	sadd.s32 @!p0 s3, s7;
	s7 =	simm.s32 @!p0 $0x108  }
0x21: {  	s3 =	sadd.s32 s3, s9;
	s6 =	sadd.s32 @!p0 $0x88, s6;
	s7 =	simm.s32 @p2 $0x1082  }
0x22: {  	[simem:s7], [sflag:s8] =	dma.local @!p0 [hbm:s6], $0xF7A  }
0x23: {  	s9 =	sor.u32 $0xD0000000, s2;
	s6 =	simm.s32 $0x108;
	_ =	swait.ge @!p0 [sflag:s8], $0x0  }
0x24: {  	s3 =	sadd.s32 $0x88, s3;
	s6 =	simm.s32 @!p1 $0x1082;
	[sflag:s4] =	ssyncset.s32 $0xFFFFF086  }
0x25: {  	[simem:s6], [sflag:s4] =	dma.local [hbm:s3], $0xF7A  }
0x26: {  	[smem:$0x3F9D] =	sst s1;
	(tag) =	ssettag s2;
	_ =	strace s9  }
0x27: {  	s1 =	sld [smem:$0x3FAD]  }
0x28: {  	s2 =	sld [smem:$0x3FAE]  }
0x29: {  	s4 =	sld [smem:$0x3FB0]  }
0x2a: {  	p0 =	seq.s32 s5, $0x0;
	s5 =	sld [smem:$0x3FB1]  }
0x2b: {  	s6 =	sld [smem:$0x3FB2]  }
0x2c: {  	s7 =	sld [smem:$0x3FB3]  }
0x2d: {  	s3 =	simm.s32 $0x108;
	s8 =	sld [smem:$0x3FB4]  }
0x2e: {  	s3 =	simm.s32 @!p0 $0x1082;
	s9 =	sld [smem:$0x3FB5]  }
0x2f: {  	lr =	sadd.s32 s0, s3;
	s0 =	sld [smem:$0x3FAC]  }
0x30: {  	s3 =	sld [smem:$0x3FAF]  }
0x31: {  	[smem:$0x3FB8] =	sst s10  }
0x32: {  	s10 =	sld [smem:$0x3FB6];
	_ =	sdelay $0x3  }
0x33: {  	p0 =	seq.s32 s10, $0x1;
	s10 =	sld [smem:$0x3FB8];
	_ =	sdelay $0x3  }
0x34: {  	[smem:$0x3FB8] =	sst s10  }
0x35: {  	s10 =	sld [smem:$0x3FB7];
	_ =	sdelay $0x3  }
0x36: {  	p1 =	seq.s32 s10, $0x1;
	s10 =	sld [smem:$0x3FB8];
	_ =	sdelay $0x3  }
0x37: {  	[smem:$0x3FB8] =	sst s10  }
0x38: {  	s10 =	sld [smem:$0x3FB9]  }
0x39: {  	_ = 	snop;
	(pc) =	sbr.ind lr, $3  }
0x3a: {  	_ = 	snop  }
0x3b: {  	_ = 	snop  }
0x3c: {  	p2 =	seq.s32 s10, $0x1;
	s10 =	sld [smem:$0x3FB8]  }
0x3d: {  	_ =	shalt  }
0x3e: {  	_ =	shalt  }
0x3f: {  	_ =	shalt  }
0x40: {  	_ =	shalt  }
0x41: {  	_ =	shalt  }
0x42: {  	_ =	shalt  }
0x43: {  	_ =	shalt  }
0x44: {  	_ =	shalt  }
0x45: {  	_ =	shalt  }
0x46: {  	_ =	shalt  }
0x47: {  	_ =	shalt  }
0x48: {  	_ =	shalt  }
0x49: {  	_ =	shalt  }
0x4a: {  	_ =	shalt  }
0x4b: {  	_ =	shalt  }
0x4c: {  	_ =	shalt  }
0x4d: {  	_ =	shalt  }
0x4e: {  	_ =	shalt  }
0x4f: {  	_ =	shalt  }
0x50: {  	_ =	shalt  }
0x51: {  	_ =	shalt  }
0x52: {  	_ =	shalt  }
0x53: {  	_ =	shalt  }
0x54: {  	_ =	shalt  }
0x55: {  	_ =	shalt  }
0x56: {  	_ =	shalt  }
0x57: {  	_ =	shalt  }
0x58: {  	_ =	shalt  }
0x59: {  	_ =	shalt  }
0x5a: {  	_ =	shalt  }
0x5b: {  	_ =	shalt  }
0x5c: {  	_ =	shalt  }
0x5d: {  	_ =	shalt  }
0x5e: {  	_ =	shalt  }
0x5f: {  	_ =	shalt  }
0x60: {  	_ =	shalt  }
0x61: {  	_ =	shalt  }
0x62: {  	_ =	shalt  }
0x63: {  	_ =	shalt  }
0x64: {  	_ =	shalt  }
0x65: {  	_ =	shalt  }
0x66: {  	_ =	shalt  }
0x67: {  	_ =	shalt  }
0x68: {  	_ =	shalt  }
0x69: {  	_ =	shalt  }
0x6a: {  	_ =	shalt  }
0x6b: {  	_ =	shalt  }
0x6c: {  	_ =	shalt  }
0x6d: {  	_ =	shalt  }
0x6e: {  	_ =	shalt  }
0x6f: {  	_ =	shalt  }
0x70: {  	_ =	shalt  }
0x71: {  	_ =	shalt  }
0x72: {  	_ =	shalt  }
0x73: {  	_ =	shalt  }
0x74: {  	_ =	shalt  }
0x75: {  	_ =	shalt  }
0x76: {  	_ =	shalt  }
0x77: {  	_ =	shalt  }
0x78: {  	_ =	shalt  }
0x79: {  	_ =	shalt  }
0x7a: {  	_ =	shalt  }
0x7b: {  	_ =	shalt  }
0x7c: {  	_ =	shalt  }
0x7d: {  	_ =	shalt  }
0x7e: {  	_ =	shalt  }
0x7f: {  	_ =	shalt  }
0x80: {  	_ =	shalt  }
0x81: {  	_ =	shalt  }
0x82: {  	_ =	shalt  }
0x83: {  	_ =	shalt  }
0x84: {  	_ =	shalt  }
0x85: {  	_ =	shalt  }
0x86: {  	_ =	shalt  }
0x87: {  	_ =	shalt  }
.Lfunc_end0:
.L_simem_size_0:
called_computation_lowered:
.L_overlay_start_0:
0x88: {  	s2 =	sld [smem:$0x3FD9]  }
0x89: {  	s3 =	sld [smem:$0x3FFE];
	_ =	sdelay $0x1  }
0x8a: {  	s1 =	srdreg.scid  }
0x8b: {  	s0 =	sand.u32 $0x1, s1  }
0x8c: {  	s17 =	sshll.u32 s0, $0xA;
	s2 =	sadd.s32 s3, s2  }
0x8d: {  	s2 =	sadd.s32 s2, s17  }
0x8e: {  	[smem:$0x3FC4] =	sst s2  }
0x8f: {  	_ = 	snop  }
0x90: {  	s18 =	sld [smem:$0x3FD0];
	(tm) =	ssettm $0x1  }
0x91: {  	s19 =	sld [smem:$0x3FFB];
	_ =	sdelay $0x3  }
0x92: {  	_ =	strace s19  }
0x93: {  	s2 =	sld [smem:$0x3FFC];
	_ =	sdelay $0x3  }
0x94: {  	_ =	strace s2  }
0x95: {  	s2 =	sld [smem:$0x3FFD];
	_ =	sdelay $0x3  }
0x96: {  	_ =	strace s2  }
0x97: {  	_ =	strace $0x8FFFFFFF  }
0x98: {  	s20 =	sld [smem:$0x3FDB];
	_ =	sdelay $0x1  }
0x99: {  	s4 =	simm.s32 $_scs_section_size  }
0x9a: {  	s5 =	simm.s32 $_size__tile_overlayer_lowered;
	s6 =	simm.s32 $_tile_overlayer_lowered  }
0x9b: {  	s7 =	simm.s32 $0x1BFF;
	s21 =	sshll.u32 s6, $0x1;
	s4 =	sadd.s32 s4, s20  }
0x9c: {  	s22 =	simm.s32 $0x0;
	s5 =	sshll.u32 s5, $0x1;
	s6 =	sadd.s32 s21, s4  }
0x9d: {  	[timem:s22], [sflag:s7] =	dma.local [hbm:s6], s5  }
0x9e: {  	_ =	swait.ge [sflag:s7], s5  }
0x9f: {  	s5 =	ssub.s32 $0x0, s5;
	[sflag:s7] =	ssyncset.done $0x0  }
0xa0: {  	[sflag:s7] =	ssyncadd.s32 s5;
	_ =	sdelay $0x1  }
0xa1: {  	s23 =	simm.s32 $0x1B8B  }
0xa2: {  	_ =	swait.ge [sflag:s23], $0x1  }
0xa3: {  	[sflag:s23] =	ssyncset.done $0x0  }
0xa4: {  	[sflag:s23] =	ssyncadd.s32 $0xFFFFFFFF  }
0xa5: {  	s5 =	sld [smem:$0x0]  }
0xa6: {  	s6 =	sand.u32 $0xFFFFFFFE, s1  }
0xa7: {  	p0 =	sne.s32 s1, s6  }
0xa8: {  	s6 =	sshll.u32 @p0 s6, $0xE  }
0xa9: {  	s6 =	sadd.s32 @p0 $0x11B8D, s6;
	s7 =	sshll.u32 @p0 s5, $0x11  }
0xaa: {  	s6 =	sor.u32 @p0 s7, s6  }
0xab: {  	[sflag:s6] =	ssyncadd.remote.s32 @p0 $0x1;
	_ =	sdelay $0x1  }
0xac: {  	s6 =	simm.s32 @p0 $0x1B8D  }
0xad: {  	_ =	swait.eq @p0 [sflag:s6], $0x1  }
0xae: {  	[sflag:s6] =	ssyncadd.s32 @p0 $0xFFFFFFFF  }
0xaf: {  	s7 =	sshll.u32 @!p0 s1, $0xE  }
0xb0: {  	s7 =	sor.u32 @!p0 $0x4000, s7;
	s6 =	simm.s32 @!p0 $0x1B8D  }
0xb1: {  	s5 =	sshll.u32 @!p0 s5, $0x11;
	s7 =	sadd.s32 @!p0 $0x11B8D, s7;
	_ =	swait.eq @!p0 [sflag:s6], $0x1  }
0xb2: {  	s5 =	sor.u32 @!p0 s5, s7;
	[sflag:s6] =	ssyncadd.s32 @!p0 $0xFFFFFFFF  }
0xb3: {  	s25 =	simm.s32 $0x1B8E;
	s24 =	sld [smem:$0x3FFE];
	[sflag:s5] =	ssyncadd.remote.s32 @!p0 $0x1  }
0xb4: {  	s26 =	simm.s32 $execute0_lowered;
	[smem:$0x3FD2] =	sst s25  }
0xb5: {  	s6 =	sshll.u32 s26, $0x1;
	_ =	strace $0x8000004F;
	[dreg:$0x1] =	wrdreg $0xFFFFFFFF  }
0xb6: {  	s28 =	simm.s32 $_size_execute0_lowered;
	s4 =	sadd.s32 s4, s6;
	[dreg:$0x0] =	wrdreg $0x0  }
0xb7: {  	s6 =	sshll.u32 s28, $0x1;
	[dreg:$0x2] =	wrdreg s4  }
0xb8: {  	[dreg:$0x3] =	wrdreg s6  }
0xb9: {  	[dreg:$0x4] =	wrdreg $0xC0  }
0xba: {  	_ =	task [dreg:s22], $0x5FFFF  }
0xbb: {  	[dreg:$0x1] =	wrdreg $0xFFFFFFFF  }
0xbc: {  	[dreg:$0x0] =	wrdreg $0x60  }
0xbd: {  	[dreg:$0x2] =	wrdreg s18  }
0xbe: {  	[dreg:$0x3] =	wrdreg s24  }
0xbf: {  	[dreg:$0x4] =	wrdreg $0x0  }
0xc0: {  	[dreg:$0x5] =	wrdreg $0x9  }
0xc1: {  	_ =	task.clear_ibuf [dreg:s22], $0x6FFFF;
	_ =	strace $0x9000004F  }
0xc2: {  	s29 =	simm.s32 $0x9;
	_ =	strace $0x80000051  }
0xc3: {  	_ =	swait.ge [sflag:s29], $0x1  }
0xc4: {  	[sflag:s29] =	ssyncadd.s32 $0xFFFFFFFF  }
0xc5: {  	_ =	strace $0x90000051  }
0xc6: {  	_ =	sfence  }
0xc7: {  	s30 =	sld [smem:$0x0];
	_ =	sdelay $0x2  }
0xc8: {  	s31 =	sshll.u32 s1, $0xD;
	s1 =	sshrl.u32 s1, $0x2  }
0xc9: {  	s4 =	sand.u32 $0x4000, s31;
	s1 =	sadd.s32 s1, s30  }
0xca: {  	s0 =	sor.u32 s4, s0;
	s1 =	sshll.u32 s1, $0x11  }
0xcb: {  	s0 =	sor.u32 s1, s0  }
0xcc: {  	s0 =	sadd.s32 $0x8F2B, s0  }
0xcd: {  	[sflag:s0] =	ssyncadd.remote.s32 $0x1  }
0xce: {  	_ =	sfence.sel $0xFFFF  }
0xcf: {  	[dreg:$0x0] =	wrdreg $0xFFFFFFFF;
	(pc) =	sbr.abs _section_cstart, $3  }
0xd0: {  	[dreg:$0x1] =	wrdreg $0xFFFFFFFF  }
0xd1: {  	_ =	task.clear_ibuf [dreg:s22], $0x2FFFF;
	_ =	strace $0x9FFFFFFF  }
0xd2: {  	(tm) =	ssettm $0x7FFFFFFF  }
0xd3: {  	_ =	shalt  }
tec
execute0_lowered:
.L_overlay_start_1:
0x0: {  	(tag) =	ssettag $0x1  }
0x1: {  	s0 =	rddreg [dreg:$0x0];
	s1 =	srdreg.scid  }
0x2: {  	s10 =	stileid.u32;
	s4 =	rddreg [dreg:$0x1]  }
0x3: {  	s2 =	rddreg [dreg:$0x2];
	s3 =	simm.s32 $0x0;
	s14 =	simm.s32 $0x16080  }
0x4: {  	s15 =	simm.s32 $0x13900;
	s16 =	simm.s32 $0x1A080;
	s17 =	simm.s32 $0x1  }
0x5: {  	s18 =	simm.s32 $0x2;
	s19 =	simm.s32 $0x3;
	s20 =	simm.s32 $0x4  }
0x6: {  	s21 =	simm.s32 $0x0;
	s5 =	sand.u32 $0x1, s1;
	s1 =	rddreg [dreg:$0x3]  }
0x7: {  	s29 =	sshll.u32 s10, $0x1;
	[smem:$0x7FF] =	sst s3;
	s8 =	smul.u32 $0x12, s10  }
0x8: {  	s12 =	sadd.s32 $0xF56800, s4;
	p0 =	slt.u32 s10, $0xD;
	s6 =	sor.u32 s5, s29  }
0x9: {  	_ =	strace $0x80000050;
	s11 =	ssub.s32 $0x2, s5;
	s5 =	smul.u32 $0x9, s5  }
0xa: {  	s7 =	smul.u32 $0x9, s6;
	s6 =	smin.u32 s6, $0x1A;
	s13 =	sshrl.u32 s11, $0x1  }
0xb: {  	s5 =	sadd.s32 s5, s8;
	s30 =	ssub.s32 s11, s13;
	s11 =	simm.s32 $0x5  }
0xc: {  	s13 =	simm.s32 $0x80;
	s7 =	sadd.s32 s6, s7;
	s6 =	sadd.s32 s6, s5  }
0xd: {  	s9 =	sshll.u32 s7, $0x7;
	s7 =	sshll.u32 s7, $0xE;
	s31 =	sshll.u32 s6, $0xE  }
0xe: {  	s6 =	smax.u32 s30, $0x1;
	s9 =	sadd.s32 s9, s4;
	s4 =	simm.s32 $0x27  }
0xf: {  	s7 =	sadd.s32 s12, s7;
	s4 =	simm.s32 @!p0 $0x23;
	s5 =	sadd.s32 $0x94A00, s9  }
0x10: {  	s9 =	sadd.s32 s31, s12;
	s8 =	sadd.s32 $0x800, s7;
	p0 =	sne.s32 s10, $0x0  }
0x11: {  	s10 =	simm.s32 $0x13880;
	s9 =	sadd.s32 $0x1800, s9;
	s12 =	sshrl.u32 @!p0 s2, $0x3  }
.LBB2_1:
0x12: {  	[tilespmem:s10], [sflag:$0x5] =	stream.linear.gather [hbm4b:s5+s3], $0x2800, $0x38;
	[tilespmem:$0x1E080] =	vst v63  }
0x13: {  	_ =	swait.ge [sflag:s11], $0x2800  }
0x14: {  	[sflag:s11] =	ssyncset.done $0x0  }
0x15: {  	s22 =	simm.s32 @!p0 $0x1C05;
	[sflag:s11] =	ssyncadd.s32 $0xFFFFD800  }
0x16: {  	[spmem:s12], [sflag:s22] =	dma.local @!p0 [hbm:s0], $0x27100  }
0x17: {  	s22 =	simm.s32 @!p0 $0x5  }
0x18: {  	_ =	swait.ge @!p0 [sflag:s22], $0x27100  }
0x19: {  	[sflag:s22] =	ssyncset.done @!p0 $0x0  }
0x1a: {  	[sflag:s22] =	ssyncadd.s32 @!p0 $0xFFFD8F00  }
0x1b: {  	[bflag:$0x0] =	sbarrier.arrive $0xFFFF  }
0x1c: {  	[tilespmem:s14], [sflag:$0x1] =	stream.indirect.gather [spmem:s2], $0x80, s10, s13, $0xb8;
	[tilespmem:$0x1E080] =	vst v63  }
0x1d: {  	_ = 	snop  }
0x1e: {  	[tilespmem:s16], [sflag:$0x2] =	stream.indirect.gather [spmem:s2], $0x80, s15, s13, $0xb8;
	[tilespmem:$0x1E080] =	vst v63  }
0x1f: {  	_ =	swait.ge [sflag:s17], $0x4000  }
0x20: {  	[sflag:s17] =	ssyncset.done $0x0  }
0x21: {  	[sflag:s17] =	ssyncadd.s32 $0xFFFFC000  }
0x22: {  	[hbm4b:s7+s3] =	stream.linear.scatter [tilespmem:s14], [sflag:$0x3], $0x4000, $0x38;
	[tilespmem:$0x1E080] =	vst v63  }
0x23: {  	_ =	swait.ge [sflag:s18], $0x4000  }
0x24: {  	[sflag:s18] =	ssyncset.done $0x0  }
0x25: {  	[sflag:s18] =	ssyncadd.s32 $0xFFFFC000  }
0x26: {  	[hbm4b:s8+s3] =	stream.linear.scatter [tilespmem:s16], [sflag:$0x4], $0x4000, $0x38;
	[tilespmem:$0x1E080] =	vst v63  }
0x27: {  	_ =	swait.ge [sflag:s19], $0x4000  }
0x28: {  	[sflag:s19] =	ssyncset.done $0x0  }
0x29: {  	[sflag:s19] =	ssyncadd.s32 $0xFFFFC000  }
0x2a: {  	_ =	swait.ge [sflag:s20], $0x4000  }
0x2b: {  	[sflag:s20] =	ssyncset.done $0x0  }
0x2c: {  	s29 =	simm.s32 $0x13980;
	[sflag:s20] =	ssyncadd.s32 $0xFFFFC000  }
0x2d: {  	[tilespmem:s14], [sflag:$0x1] =	stream.indirect.gather [spmem:s2], $0x80, s29, s13, $0xb8;
	[tilespmem:$0x1E080] =	vst v63  }
0x2e: {  	s30 =	simm.s32 $0x13A00  }
0x2f: {  	[tilespmem:s16], [sflag:$0x2] =	stream.indirect.gather [spmem:s2], $0x80, s30, s13, $0xb8;
	[tilespmem:$0x1E080] =	vst v63  }
0x30: {  	_ =	swait.ge [sflag:s17], $0x4000  }
0x31: {  	p1 =	sne.s32 s4, $0x1;
	[sflag:s17] =	ssyncset.done $0x0  }
.Ltmp0:
0x32: {  	s31 =	sadd.s32 $0xFFFFF800, s9;
	[sflag:s17] =	ssyncadd.s32 $0xFFFFC000;
	(pc) =	sbr.rel @!p1 .LBB2_3-.Ltmp0, $4  }
0x33: {  	[hbm4b:s31+s3] =	stream.linear.scatter [tilespmem:s14], [sflag:$0x3], $0x4000, $0x38;
	[tilespmem:$0x1E080] =	vst v63  }
0x34: {  	_ =	swait.ge [sflag:s18], $0x4000  }
0x35: {  	s23 =	sadd.s32 $0x1000, s9;
	s24 =	simm.s32 $0x13B00;
	[sflag:s18] =	ssyncset.done $0x0  }
0x36: {  	s25 =	smov.u32 s9;
	s22 =	sadd.s32 $0xFFFFFFFF, s4;
	[sflag:s18] =	ssyncadd.s32 $0xFFFFC000  }
.LBB2_2:
0x37: {  	[hbm4b:s25+s3] =	stream.linear.scatter [tilespmem:s16], [sflag:$0x4], $0x4000, $0x38;
	[tilespmem:$0x1E080] =	vst v63  }
0x38: {  	p1 =	sne.s32 s22, $0x1;
	s22 =	sadd.s32 $0xFFFFFFFF, s22;
	_ =	swait.ge [sflag:s19], $0x4000  }
0x39: {  	s25 =	smov.u32 s23;
	[sflag:s19] =	ssyncset.done $0x0  }
0x3a: {  	[sflag:s19] =	ssyncadd.s32 $0xFFFFC000  }
0x3b: {  	_ =	swait.ge [sflag:s20], $0x4000  }
0x3c: {  	[sflag:s20] =	ssyncset.done $0x0  }
0x3d: {  	s26 =	sadd.s32 $0xFFFFFF80, s24;
	[sflag:s20] =	ssyncadd.s32 $0xFFFFC000  }
0x3e: {  	[tilespmem:s14], [sflag:$0x1] =	stream.indirect.gather [spmem:s2], $0x80, s26, s13, $0xb8;
	[tilespmem:$0x1E080] =	vst v63  }
0x3f: {  	_ = 	snop  }
0x40: {  	[tilespmem:s16], [sflag:$0x2] =	stream.indirect.gather [spmem:s2], $0x80, s24, s13, $0xb8;
	[tilespmem:$0x1E080] =	vst v63  }
0x41: {  	_ =	swait.ge [sflag:s17], $0x4000  }
0x42: {  	[sflag:s17] =	ssyncset.done $0x0  }
.Ltmp1:
0x43: {  	s26 =	sadd.s32 $0xFFFFF800, s23;
	[sflag:s17] =	ssyncadd.s32 $0xFFFFC000;
	(pc) =	sbr.rel @p1 .LBB2_2-.Ltmp1, $4  }
0x44: {  	[hbm4b:s26+s3] =	stream.linear.scatter [tilespmem:s14], [sflag:$0x3], $0x4000, $0x38;
	[tilespmem:$0x1E080] =	vst v63  }
0x45: {  	_ =	swait.ge [sflag:s18], $0x4000  }
0x46: {  	[sflag:s18] =	ssyncset.done $0x0  }
0x47: {  	s23 =	sadd.s32 $0x1000, s23;
	s24 =	sadd.s32 $0x100, s24;
	[sflag:s18] =	ssyncadd.s32 $0xFFFFC000  }
.LBB2_3:
0x48: {  	[hbm4b:s25+s3] =	stream.linear.scatter [tilespmem:s16], [sflag:$0x4], $0x4000, $0x38;
	[tilespmem:$0x1E080] =	vst v63  }
0x49: {  	s21 =	sadd.s32 $0x1, s21  }
0x4a: {  	_ =	swait.ge [sflag:s19], $0x4000;
	p1 =	sne.s32 s21, s6  }
.Ltmp2:
0x4b: {  	[sflag:s19] =	ssyncset.done $0x0;
	(pc) =	sbr.rel @p1 .LBB2_1-.Ltmp2, $4  }
0x4c: {  	[sflag:s19] =	ssyncadd.s32 $0xFFFFC000  }
0x4d: {  	_ =	swait.ge [sflag:s20], $0x4000  }
0x4e: {  	[sflag:s20] =	ssyncset.done $0x0  }
0x4f: {  	[sflag:s20] =	ssyncadd.s32 $0xFFFFC000  }
0x50: {  	_ =	sfence.sel $0x180000  }
0x51: {  	[bflag:$0x0] =	sbarrier.arrive $0xFFFF  }
0x52: {  	_ =	strace $0x90000050  }
0x53: {  	s0 =	sadd.s32 @!p0 $0x100000, s1;
	[bflag:$0x2] =	sbarrier.arrive $0xFFFF  }
0x54: {  	[sflag:s0] =	ssyncadd.tile.s32 @!p0 $0x1;
	_ =	shalt  }
.Lfunc_end2:
_tile_overlayer_lowered:
.L_overlay_start_2:
0x55: {  	(tag) =	ssettag $0x2  }
0x56: {  	s0 =	rddreg [dreg:$0x0];
	s2 =	stileid.u32  }
0x57: {  	s1 =	rddreg [dreg:$0x1];
	p0 =	sne.s32 s2, $0x0  }
0x58: {  	s3 =	rddreg [dreg:$0x2];
	[bflag:$0x3] =	sbarrier.arrive $0xFFFF;
	s2 =	simm.s32 @!p0 $0x1C05  }
0x59: {  	[timem:s3], [sflag:s2] =	dma.local @!p0 [hbm:s0], s1  }
0x5a: {  	s0 =	simm.s32 @!p0 $0x5  }
0x5b: {  	_ =	swait.ge @!p0 [sflag:s0], s1  }
0x5c: {  	s1 =	ssub.s32 @!p0 $0x0, s1;
	[sflag:s0] =	ssyncset.done @!p0 $0x0  }
0x5d: {  	[sflag:s0] =	ssyncadd.s32 @!p0 s1  }
0x5e: {  	[bflag:$0x3] =	sbarrier.arrive $0xFFFF  }
0x5f: {  	_ =	shalt  }

// kernel: kernel.13.cloned.1.call-start
scs
__scs_entry_jumppad:
0x0: {  	(pc) =	sbr.rel $0x88, $3  }
0x1: {  	(tag) =	ssettag $0x0;
	lr =	simm.s32 $0x1  }
0x2: {  	[smem:$0x3F9D] =	sst lr;
	_ =	strace $0xD0000000  }
0x3: {  	_ = 	snop  }
0x4: {  	_ = 	snop  }
0x5: {  	_ = 	snop  }
0x6: {  	_ = 	snop  }
0x7: {  	_ = 	snop  }
__scs_overlays_trampoline_lowered:
0x8: {  	[smem:$0x3FAC] =	sst s0  }
0x9: {  	[smem:$0x3FAD] =	sst s1  }
0xa: {  	[smem:$0x3FAE] =	sst s2  }
0xb: {  	[smem:$0x3FAF] =	sst s3  }
0xc: {  	[smem:$0x3FB0] =	sst s4  }
0xd: {  	[smem:$0x3FB1] =	sst s5  }
0xe: {  	[smem:$0x3FB2] =	sst s6  }
0xf: {  	[smem:$0x3FB3] =	sst s7  }
0x10: {  	[smem:$0x3FB4] =	sst s8  }
0x11: {  	[smem:$0x3FB5] =	sst s9;
	s0 =	simm.s32 @!p0 $0x0  }
0x12: {  	s1 =	sld [smem:$0x3F9B];
	s0 =	simm.s32 @p0 $0x1  }
0x13: {  	[smem:$0x3FB6] =	sst s0;
	s0 =	simm.s32 @!p1 $0x0  }
0x14: {  	s2 =	sld [smem:$0x3F9A];
	s0 =	simm.s32 @p1 $0x1  }
0x15: {  	[smem:$0x3FB7] =	sst s0;
	s0 =	simm.s32 @!p2 $0x0  }
0x16: {  	s3 =	sld [smem:$0x3FDB];
	s0 =	simm.s32 @p2 $0x1  }
0x17: {  	s4 =	simm.s32 $0x1BF5;
	[smem:$0x3FB9] =	sst s0  }
0x18: {  	s0 =	sld [smem:$0x3F9C];
	_ =	swait.ge [sflag:s4], $0x0  }
0x19: {  	s7 =	sld [smem:$0x3F9D]  }
0x1a: {  	s8 =	sadd.s32 $0xFFFFE003, lr  }
0x1b: {  	s9 =	sadd.s32 $0xFFFFFEF7, lr;
	s5 =	simm.s32 $0xFFFFFFFF;
	p2 =	slt.u32 s8, $0xFFFFF086  }
0x1c: {  	p1 =	slt.u32 s9, $0xF7A;
	s5 =	simm.s32 @!p2 $0x0  }
0x1d: {  	s5 =	simm.s32 @p1 $0x1;
	p0 =	seq.s32 s7, s2  }
0x1e: {  	s7 =	smul.u32 @!p0 $0xF7A, s2;
	p2 =	seq.s32 @!p0 s5, $0x0  }
0x1f: {  	s9 =	smul.u32 $0xF7A, s1;
	s8 =	simm.s32 @!p0 $0x1BF5;
	p2 =	por !p2, p0  }
0x20: {  	[sflag:s8] =	ssyncset.s32 @!p0 $0xFFFFF086;
	s6 =	sadd.s32 @!p0 s3, s7;
	s7 =	simm.s32 @!p0 $0x108  }
0x21: {  	s3 =	sadd.s32 s3, s9;
	s6 =	sadd.s32 @!p0 $0x88, s6;
	s7 =	simm.s32 @p2 $0x1082  }
0x22: {  	[simem:s7], [sflag:s8] =	dma.local @!p0 [hbm:s6], $0xF7A  }
0x23: {  	s9 =	sor.u32 $0xD0000000, s2;
	s6 =	simm.s32 $0x108;
	_ =	swait.ge @!p0 [sflag:s8], $0x0  }
0x24: {  	s3 =	sadd.s32 $0x88, s3;
	s6 =	simm.s32 @!p1 $0x1082;
	[sflag:s4] =	ssyncset.s32 $0xFFFFF086  }
0x25: {  	[simem:s6], [sflag:s4] =	dma.local [hbm:s3], $0xF7A  }
0x26: {  	[smem:$0x3F9D] =	sst s1;
	(tag) =	ssettag s2;
	_ =	strace s9  }
0x27: {  	s1 =	sld [smem:$0x3FAD]  }
0x28: {  	s2 =	sld [smem:$0x3FAE]  }
0x29: {  	s4 =	sld [smem:$0x3FB0]  }
0x2a: {  	p0 =	seq.s32 s5, $0x0;
	s5 =	sld [smem:$0x3FB1]  }
0x2b: {  	s6 =	sld [smem:$0x3FB2]  }
0x2c: {  	s7 =	sld [smem:$0x3FB3]  }
0x2d: {  	s3 =	simm.s32 $0x108;
	s8 =	sld [smem:$0x3FB4]  }
0x2e: {  	s3 =	simm.s32 @!p0 $0x1082;
	s9 =	sld [smem:$0x3FB5]  }
0x2f: {  	lr =	sadd.s32 s0, s3;
	s0 =	sld [smem:$0x3FAC]  }
0x30: {  	s3 =	sld [smem:$0x3FAF]  }
0x31: {  	[smem:$0x3FB8] =	sst s10  }
0x32: {  	s10 =	sld [smem:$0x3FB6];
	_ =	sdelay $0x3  }
0x33: {  	p0 =	seq.s32 s10, $0x1;
	s10 =	sld [smem:$0x3FB8];
	_ =	sdelay $0x3  }
0x34: {  	[smem:$0x3FB8] =	sst s10  }
0x35: {  	s10 =	sld [smem:$0x3FB7];
	_ =	sdelay $0x3  }
0x36: {  	p1 =	seq.s32 s10, $0x1;
	s10 =	sld [smem:$0x3FB8];
	_ =	sdelay $0x3  }
0x37: {  	[smem:$0x3FB8] =	sst s10  }
0x38: {  	s10 =	sld [smem:$0x3FB9]  }
0x39: {  	_ = 	snop;
	(pc) =	sbr.ind lr, $3  }
0x3a: {  	_ = 	snop  }
0x3b: {  	_ = 	snop  }
0x3c: {  	p2 =	seq.s32 s10, $0x1;
	s10 =	sld [smem:$0x3FB8]  }
0x3d: {  	_ =	shalt  }
0x3e: {  	_ =	shalt  }
0x3f: {  	_ =	shalt  }
0x40: {  	_ =	shalt  }
0x41: {  	_ =	shalt  }
0x42: {  	_ =	shalt  }
0x43: {  	_ =	shalt  }
0x44: {  	_ =	shalt  }
0x45: {  	_ =	shalt  }
0x46: {  	_ =	shalt  }
0x47: {  	_ =	shalt  }
0x48: {  	_ =	shalt  }
0x49: {  	_ =	shalt  }
0x4a: {  	_ =	shalt  }
0x4b: {  	_ =	shalt  }
0x4c: {  	_ =	shalt  }
0x4d: {  	_ =	shalt  }
0x4e: {  	_ =	shalt  }
0x4f: {  	_ =	shalt  }
0x50: {  	_ =	shalt  }
0x51: {  	_ =	shalt  }
0x52: {  	_ =	shalt  }
0x53: {  	_ =	shalt  }
0x54: {  	_ =	shalt  }
0x55: {  	_ =	shalt  }
0x56: {  	_ =	shalt  }
0x57: {  	_ =	shalt  }
0x58: {  	_ =	shalt  }
0x59: {  	_ =	shalt  }
0x5a: {  	_ =	shalt  }
0x5b: {  	_ =	shalt  }
0x5c: {  	_ =	shalt  }
0x5d: {  	_ =	shalt  }
0x5e: {  	_ =	shalt  }
0x5f: {  	_ =	shalt  }
0x60: {  	_ =	shalt  }
0x61: {  	_ =	shalt  }
0x62: {  	_ =	shalt  }
0x63: {  	_ =	shalt  }
0x64: {  	_ =	shalt  }
0x65: {  	_ =	shalt  }
0x66: {  	_ =	shalt  }
0x67: {  	_ =	shalt  }
0x68: {  	_ =	shalt  }
0x69: {  	_ =	shalt  }
0x6a: {  	_ =	shalt  }
0x6b: {  	_ =	shalt  }
0x6c: {  	_ =	shalt  }
0x6d: {  	_ =	shalt  }
0x6e: {  	_ =	shalt  }
0x6f: {  	_ =	shalt  }
0x70: {  	_ =	shalt  }
0x71: {  	_ =	shalt  }
0x72: {  	_ =	shalt  }
0x73: {  	_ =	shalt  }
0x74: {  	_ =	shalt  }
0x75: {  	_ =	shalt  }
0x76: {  	_ =	shalt  }
0x77: {  	_ =	shalt  }
0x78: {  	_ =	shalt  }
0x79: {  	_ =	shalt  }
0x7a: {  	_ =	shalt  }
0x7b: {  	_ =	shalt  }
0x7c: {  	_ =	shalt  }
0x7d: {  	_ =	shalt  }
0x7e: {  	_ =	shalt  }
0x7f: {  	_ =	shalt  }
0x80: {  	_ =	shalt  }
0x81: {  	_ =	shalt  }
0x82: {  	_ =	shalt  }
0x83: {  	_ =	shalt  }
0x84: {  	_ =	shalt  }
0x85: {  	_ =	shalt  }
0x86: {  	_ =	shalt  }
0x87: {  	_ =	shalt  }
.Lfunc_end0:
.L_simem_size_0:
called_computation.1_lowered:
.L_overlay_start_0:
0x88: {  	s2 =	sld [smem:$0x3FD9]  }
0x89: {  	s3 =	sld [smem:$0x3FFE];
	_ =	sdelay $0x1  }
0x8a: {  	s1 =	srdreg.scid  }
0x8b: {  	s0 =	sand.u32 $0x1, s1  }
0x8c: {  	s16 =	sshll.u32 s0, $0xA;
	s2 =	sadd.s32 s3, s2  }
0x8d: {  	s2 =	sadd.s32 s2, s16  }
0x8e: {  	[smem:$0x3FC4] =	sst s2  }
0x8f: {  	_ = 	snop  }
0x90: {  	(tm) =	ssettm $0x1  }
0x91: {  	s17 =	sld [smem:$0x3FFB];
	_ =	sdelay $0x3  }
0x92: {  	_ =	strace s17  }
0x93: {  	s2 =	sld [smem:$0x3FFC];
	_ =	sdelay $0x3  }
0x94: {  	_ =	strace s2  }
0x95: {  	s2 =	sld [smem:$0x3FFD];
	_ =	sdelay $0x3  }
0x96: {  	_ =	strace s2  }
0x97: {  	_ =	strace $0x8FFFFFFF  }
0x98: {  	s18 =	sld [smem:$0x3FDB];
	_ =	sdelay $0x1  }
0x99: {  	s19 =	simm.s32 $_scs_section_size  }
0x9a: {  	s4 =	simm.s32 $_size__tile_overlayer_lowered;
	s5 =	simm.s32 $_tile_overlayer_lowered  }
0x9b: {  	s22 =	simm.s32 $0x1BFF;
	s21 =	sshll.u32 s5, $0x1;
	s2 =	sadd.s32 s19, s18  }
0x9c: {  	s6 =	simm.s32 $0x0;
	s20 =	sshll.u32 s4, $0x1;
	s4 =	sadd.s32 s21, s2  }
0x9d: {  	[timem:s6], [sflag:s22] =	dma.local [hbm:s4], s20  }
0x9e: {  	_ =	swait.ge [sflag:s22], s20  }
0x9f: {  	s3 =	ssub.s32 $0x0, s20;
	[sflag:s22] =	ssyncset.done $0x0  }
0xa0: {  	[sflag:s22] =	ssyncadd.s32 s3;
	_ =	sdelay $0x1  }
0xa1: {  	s23 =	simm.s32 $0x1B8B  }
0xa2: {  	_ =	swait.ge [sflag:s23], $0x1  }
0xa3: {  	[sflag:s23] =	ssyncset.done $0x0  }
0xa4: {  	s25 =	simm.s32 $0x1B8E;
	s24 =	sld [smem:$0x3FFE];
	[sflag:s23] =	ssyncadd.s32 $0xFFFFFFFF  }
0xa5: {  	s26 =	simm.s32 $execute0_lowered;
	[smem:$0x3FD2] =	sst s25  }
0xa6: {  	s4 =	sshll.u32 s26, $0x1;
	_ =	strace $0x80000046;
	[dreg:$0x1] =	wrdreg $0xFFFFFFFF  }
0xa7: {  	s28 =	simm.s32 $_size_execute0_lowered;
	s2 =	sadd.s32 s2, s4;
	[dreg:$0x0] =	wrdreg $0x0  }
0xa8: {  	s4 =	sshll.u32 s28, $0x1;
	[dreg:$0x2] =	wrdreg s2  }
0xa9: {  	[dreg:$0x3] =	wrdreg s4  }
0xaa: {  	[dreg:$0x4] =	wrdreg $0xC0  }
0xab: {  	_ =	task [dreg:s6], $0x5FFFF  }
0xac: {  	[dreg:$0x1] =	wrdreg $0xFFFFFFFF  }
0xad: {  	[dreg:$0x0] =	wrdreg $0x60  }
0xae: {  	[dreg:$0x2] =	wrdreg s24  }
0xaf: {  	[dreg:$0x3] =	wrdreg $0x0  }
0xb0: {  	[dreg:$0x4] =	wrdreg $0xA  }
0xb1: {  	_ =	task.clear_ibuf [dreg:s6], $0x5FFFF;
	_ =	strace $0x90000046  }
0xb2: {  	s29 =	simm.s32 $0xA;
	_ =	strace $0x80000048  }
0xb3: {  	_ =	swait.ge [sflag:s29], $0x1  }
0xb4: {  	[sflag:s29] =	ssyncadd.s32 $0xFFFFFFFF  }
0xb5: {  	_ =	strace $0x90000048  }
0xb6: {  	_ =	sfence  }
0xb7: {  	s30 =	sld [smem:$0x0];
	_ =	sdelay $0x2  }
0xb8: {  	s31 =	sshll.u32 s1, $0xD;
	s1 =	sshrl.u32 s1, $0x2  }
0xb9: {  	s3 =	sand.u32 $0x4000, s31;
	s1 =	sadd.s32 s1, s30  }
0xba: {  	s0 =	sor.u32 s3, s0;
	s1 =	sshll.u32 s1, $0x11  }
0xbb: {  	s0 =	sor.u32 s1, s0  }
0xbc: {  	s0 =	sadd.s32 $0x8F2B, s0  }
0xbd: {  	[sflag:s0] =	ssyncadd.remote.s32 $0x1  }
0xbe: {  	_ =	sfence.sel $0xFFFF  }
0xbf: {  	[dreg:$0x0] =	wrdreg $0xFFFFFFFF;
	(pc) =	sbr.abs _section_cstart, $3  }
0xc0: {  	[dreg:$0x1] =	wrdreg $0xFFFFFFFF  }
0xc1: {  	_ =	task.clear_ibuf [dreg:s6], $0x2FFFF;
	_ =	strace $0x9FFFFFFF  }
0xc2: {  	(tm) =	ssettm $0x7FFFFFFF  }
0xc3: {  	_ =	shalt  }
tec
execute0_lowered:
.L_overlay_start_1:
0x0: {  	(tag) =	ssettag $0x1  }
0x1: {  	s4 =	rddreg [dreg:$0x0];
	s0 =	srdreg.scid  }
0x2: {  	s10 =	stileid.u32;
	s1 =	rddreg [dreg:$0x1]  }
0x3: {  	s2 =	simm.s32 $0x0;
	s14 =	simm.s32 $0x16080;
	s15 =	simm.s32 $0x13900  }
0x4: {  	s16 =	simm.s32 $0x1A080;
	s17 =	simm.s32 $0x1;
	s18 =	simm.s32 $0x2  }
0x5: {  	s19 =	simm.s32 $0x3;
	s20 =	simm.s32 $0x4;
	s21 =	simm.s32 $0x0  }
0x6: {  	s5 =	sand.u32 $0x1, s0;
	s3 =	sshll.u32 s10, $0x1;
	s0 =	rddreg [dreg:$0x2]  }
0x7: {  	[smem:$0x7FF] =	sst s2;
	s8 =	smul.u32 $0x12, s10;
	s12 =	sadd.s32 $0x9E800, s4  }
0x8: {  	s3 =	sor.u32 s5, s3;
	s11 =	ssub.s32 $0x2, s5;
	s5 =	smul.u32 $0x9, s5  }
0x9: {  	p0 =	slt.u32 s10, $0xD;
	_ =	strace $0x80000047;
	s6 =	smul.u32 $0x9, s3  }
0xa: {  	s7 =	smin.u32 s3, $0x1A;
	s3 =	sadd.s32 $0x1A00, s4;
	s13 =	sshrl.u32 s11, $0x1  }
0xb: {  	s5 =	sadd.s32 s5, s8;
	s29 =	ssub.s32 s11, s13;
	s11 =	simm.s32 $0x5  }
0xc: {  	s13 =	simm.s32 $0x80;
	s6 =	sadd.s32 s7, s6;
	s7 =	sadd.s32 s7, s5  }
0xd: {  	s9 =	sshll.u32 s6, $0x7;
	s30 =	sshll.u32 s6, $0xE;
	s31 =	sshll.u32 s7, $0xE  }
0xe: {  	s6 =	smax.u32 s29, $0x1;
	s9 =	sadd.s32 s9, s4;
	s4 =	simm.s32 $0x27  }
0xf: {  	s7 =	sadd.s32 s12, s30;
	s4 =	simm.s32 @!p0 $0x23;
	s5 =	sadd.s32 $0x77000, s9  }
0x10: {  	s9 =	sadd.s32 s31, s12;
	s8 =	sadd.s32 $0x800, s7;
	p0 =	sne.s32 s10, $0x0  }
0x11: {  	s10 =	simm.s32 $0x13880;
	s9 =	sadd.s32 $0x1800, s9;
	s12 =	sshrl.u32 @!p0 s1, $0x3  }
.LBB2_1:
0x12: {  	[tilespmem:s10], [sflag:$0x5] =	stream.linear.gather [hbm4b:s5+s2], $0x2800, $0x38;
	[tilespmem:$0x1E080] =	vst v63  }
0x13: {  	_ =	swait.ge [sflag:s11], $0x2800  }
0x14: {  	[sflag:s11] =	ssyncset.done $0x0  }
0x15: {  	s22 =	simm.s32 @!p0 $0x1C05;
	[sflag:s11] =	ssyncadd.s32 $0xFFFFD800  }
0x16: {  	[spmem:s12], [sflag:s22] =	dma.local @!p0 [hbm:s3], $0x27100  }
0x17: {  	s22 =	simm.s32 @!p0 $0x5  }
0x18: {  	_ =	swait.ge @!p0 [sflag:s22], $0x27100  }
0x19: {  	[sflag:s22] =	ssyncset.done @!p0 $0x0  }
0x1a: {  	[sflag:s22] =	ssyncadd.s32 @!p0 $0xFFFD8F00  }
0x1b: {  	[bflag:$0x0] =	sbarrier.arrive $0xFFFF  }
0x1c: {  	[tilespmem:s14], [sflag:$0x1] =	stream.indirect.gather [spmem:s1], $0x80, s10, s13, $0xb8;
	[tilespmem:$0x1E080] =	vst v63  }
0x1d: {  	_ = 	snop  }
0x1e: {  	[tilespmem:s16], [sflag:$0x2] =	stream.indirect.gather [spmem:s1], $0x80, s15, s13, $0xb8;
	[tilespmem:$0x1E080] =	vst v63  }
0x1f: {  	_ =	swait.ge [sflag:s17], $0x4000  }
0x20: {  	[sflag:s17] =	ssyncset.done $0x0  }
0x21: {  	[sflag:s17] =	ssyncadd.s32 $0xFFFFC000  }
0x22: {  	[hbm4b:s7+s2] =	stream.linear.scatter [tilespmem:s14], [sflag:$0x3], $0x4000, $0x38;
	[tilespmem:$0x1E080] =	vst v63  }
0x23: {  	_ =	swait.ge [sflag:s18], $0x4000  }
0x24: {  	[sflag:s18] =	ssyncset.done $0x0  }
0x25: {  	[sflag:s18] =	ssyncadd.s32 $0xFFFFC000  }
0x26: {  	[hbm4b:s8+s2] =	stream.linear.scatter [tilespmem:s16], [sflag:$0x4], $0x4000, $0x38;
	[tilespmem:$0x1E080] =	vst v63  }
0x27: {  	_ =	swait.ge [sflag:s19], $0x4000  }
0x28: {  	[sflag:s19] =	ssyncset.done $0x0  }
0x29: {  	[sflag:s19] =	ssyncadd.s32 $0xFFFFC000  }
0x2a: {  	_ =	swait.ge [sflag:s20], $0x4000  }
0x2b: {  	[sflag:s20] =	ssyncset.done $0x0  }
0x2c: {  	s29 =	simm.s32 $0x13980;
	[sflag:s20] =	ssyncadd.s32 $0xFFFFC000  }
0x2d: {  	[tilespmem:s14], [sflag:$0x1] =	stream.indirect.gather [spmem:s1], $0x80, s29, s13, $0xb8;
	[tilespmem:$0x1E080] =	vst v63  }
0x2e: {  	s30 =	simm.s32 $0x13A00  }
0x2f: {  	[tilespmem:s16], [sflag:$0x2] =	stream.indirect.gather [spmem:s1], $0x80, s30, s13, $0xb8;
	[tilespmem:$0x1E080] =	vst v63  }
0x30: {  	_ =	swait.ge [sflag:s17], $0x4000  }
0x31: {  	p1 =	sne.s32 s4, $0x1;
	[sflag:s17] =	ssyncset.done $0x0  }
.Ltmp0:
0x32: {  	s31 =	sadd.s32 $0xFFFFF800, s9;
	[sflag:s17] =	ssyncadd.s32 $0xFFFFC000;
	(pc) =	sbr.rel @!p1 .LBB2_3-.Ltmp0, $4  }
0x33: {  	[hbm4b:s31+s2] =	stream.linear.scatter [tilespmem:s14], [sflag:$0x3], $0x4000, $0x38;
	[tilespmem:$0x1E080] =	vst v63  }
0x34: {  	_ =	swait.ge [sflag:s18], $0x4000  }
0x35: {  	s23 =	sadd.s32 $0x1000, s9;
	s24 =	simm.s32 $0x13B00;
	[sflag:s18] =	ssyncset.done $0x0  }
0x36: {  	s25 =	smov.u32 s9;
	s22 =	sadd.s32 $0xFFFFFFFF, s4;
	[sflag:s18] =	ssyncadd.s32 $0xFFFFC000  }
.LBB2_2:
0x37: {  	[hbm4b:s25+s2] =	stream.linear.scatter [tilespmem:s16], [sflag:$0x4], $0x4000, $0x38;
	[tilespmem:$0x1E080] =	vst v63  }
0x38: {  	p1 =	sne.s32 s22, $0x1;
	s22 =	sadd.s32 $0xFFFFFFFF, s22;
	_ =	swait.ge [sflag:s19], $0x4000  }
0x39: {  	s25 =	smov.u32 s23;
	[sflag:s19] =	ssyncset.done $0x0  }
0x3a: {  	[sflag:s19] =	ssyncadd.s32 $0xFFFFC000  }
0x3b: {  	_ =	swait.ge [sflag:s20], $0x4000  }
0x3c: {  	[sflag:s20] =	ssyncset.done $0x0  }
0x3d: {  	s26 =	sadd.s32 $0xFFFFFF80, s24;
	[sflag:s20] =	ssyncadd.s32 $0xFFFFC000  }
0x3e: {  	[tilespmem:s14], [sflag:$0x1] =	stream.indirect.gather [spmem:s1], $0x80, s26, s13, $0xb8;
	[tilespmem:$0x1E080] =	vst v63  }
0x3f: {  	_ = 	snop  }
0x40: {  	[tilespmem:s16], [sflag:$0x2] =	stream.indirect.gather [spmem:s1], $0x80, s24, s13, $0xb8;
	[tilespmem:$0x1E080] =	vst v63  }
0x41: {  	_ =	swait.ge [sflag:s17], $0x4000  }
0x42: {  	[sflag:s17] =	ssyncset.done $0x0  }
.Ltmp1:
0x43: {  	s26 =	sadd.s32 $0xFFFFF800, s23;
	[sflag:s17] =	ssyncadd.s32 $0xFFFFC000;
	(pc) =	sbr.rel @p1 .LBB2_2-.Ltmp1, $4  }
0x44: {  	[hbm4b:s26+s2] =	stream.linear.scatter [tilespmem:s14], [sflag:$0x3], $0x4000, $0x38;
	[tilespmem:$0x1E080] =	vst v63  }
0x45: {  	_ =	swait.ge [sflag:s18], $0x4000  }
0x46: {  	[sflag:s18] =	ssyncset.done $0x0  }
0x47: {  	s23 =	sadd.s32 $0x1000, s23;
	s24 =	sadd.s32 $0x100, s24;
	[sflag:s18] =	ssyncadd.s32 $0xFFFFC000  }
.LBB2_3:
0x48: {  	[hbm4b:s25+s2] =	stream.linear.scatter [tilespmem:s16], [sflag:$0x4], $0x4000, $0x38;
	[tilespmem:$0x1E080] =	vst v63  }
0x49: {  	s21 =	sadd.s32 $0x1, s21  }
0x4a: {  	_ =	swait.ge [sflag:s19], $0x4000;
	p1 =	sne.s32 s21, s6  }
.Ltmp2:
0x4b: {  	[sflag:s19] =	ssyncset.done $0x0;
	(pc) =	sbr.rel @p1 .LBB2_1-.Ltmp2, $4  }
0x4c: {  	[sflag:s19] =	ssyncadd.s32 $0xFFFFC000  }
0x4d: {  	_ =	swait.ge [sflag:s20], $0x4000  }
0x4e: {  	[sflag:s20] =	ssyncset.done $0x0  }
0x4f: {  	[sflag:s20] =	ssyncadd.s32 $0xFFFFC000  }
0x50: {  	_ =	sfence.sel $0x180000  }
0x51: {  	[bflag:$0x0] =	sbarrier.arrive $0xFFFF  }
0x52: {  	_ =	strace $0x90000047  }
0x53: {  	s0 =	sadd.s32 @!p0 $0x100000, s0;
	[bflag:$0x2] =	sbarrier.arrive $0xFFFF  }
0x54: {  	[sflag:s0] =	ssyncadd.tile.s32 @!p0 $0x1;
	_ =	shalt  }
.Lfunc_end2:
_tile_overlayer_lowered:
.L_overlay_start_2:
0x55: {  	(tag) =	ssettag $0x2  }
0x56: {  	s0 =	rddreg [dreg:$0x0];
	s2 =	stileid.u32  }
0x57: {  	s1 =	rddreg [dreg:$0x1];
	p0 =	sne.s32 s2, $0x0  }
0x58: {  	s3 =	rddreg [dreg:$0x2];
	[bflag:$0x3] =	sbarrier.arrive $0xFFFF;
	s2 =	simm.s32 @!p0 $0x1C05  }
0x59: {  	[timem:s3], [sflag:s2] =	dma.local @!p0 [hbm:s0], s1  }
0x5a: {  	s0 =	simm.s32 @!p0 $0x5  }
0x5b: {  	_ =	swait.ge @!p0 [sflag:s0], s1  }
0x5c: {  	s1 =	ssub.s32 @!p0 $0x0, s1;
	[sflag:s0] =	ssyncset.done @!p0 $0x0  }
0x5d: {  	[sflag:s0] =	ssyncadd.s32 @!p0 s1  }
0x5e: {  	[bflag:$0x3] =	sbarrier.arrive $0xFFFF  }
0x5f: {  	_ =	shalt  }

// kernel: kernel.16.cloned.1.call-start
scs
__scs_entry_jumppad:
0x0: {  	(pc) =	sbr.rel $0x88, $3  }
0x1: {  	(tag) =	ssettag $0x0;
	lr =	simm.s32 $0x1  }
0x2: {  	[smem:$0x3F9D] =	sst lr;
	_ =	strace $0xD0000000  }
0x3: {  	_ = 	snop  }
0x4: {  	_ = 	snop  }
0x5: {  	_ = 	snop  }
0x6: {  	_ = 	snop  }
0x7: {  	_ = 	snop  }
__scs_overlays_trampoline_lowered:
0x8: {  	[smem:$0x3FAC] =	sst s0  }
0x9: {  	[smem:$0x3FAD] =	sst s1  }
0xa: {  	[smem:$0x3FAE] =	sst s2  }
0xb: {  	[smem:$0x3FAF] =	sst s3  }
0xc: {  	[smem:$0x3FB0] =	sst s4  }
0xd: {  	[smem:$0x3FB1] =	sst s5  }
0xe: {  	[smem:$0x3FB2] =	sst s6  }
0xf: {  	[smem:$0x3FB3] =	sst s7  }
0x10: {  	[smem:$0x3FB4] =	sst s8  }
0x11: {  	[smem:$0x3FB5] =	sst s9;
	s0 =	simm.s32 @!p0 $0x0  }
0x12: {  	s1 =	sld [smem:$0x3F9B];
	s0 =	simm.s32 @p0 $0x1  }
0x13: {  	[smem:$0x3FB6] =	sst s0;
	s0 =	simm.s32 @!p1 $0x0  }
0x14: {  	s2 =	sld [smem:$0x3F9A];
	s0 =	simm.s32 @p1 $0x1  }
0x15: {  	[smem:$0x3FB7] =	sst s0;
	s0 =	simm.s32 @!p2 $0x0  }
0x16: {  	s3 =	sld [smem:$0x3FDB];
	s0 =	simm.s32 @p2 $0x1  }
0x17: {  	s4 =	simm.s32 $0x1BF5;
	[smem:$0x3FB9] =	sst s0  }
0x18: {  	s0 =	sld [smem:$0x3F9C];
	_ =	swait.ge [sflag:s4], $0x0  }
0x19: {  	s7 =	sld [smem:$0x3F9D]  }
0x1a: {  	s8 =	sadd.s32 $0xFFFFE003, lr  }
0x1b: {  	s9 =	sadd.s32 $0xFFFFFEF7, lr;
	s5 =	simm.s32 $0xFFFFFFFF;
	p2 =	slt.u32 s8, $0xFFFFF086  }
0x1c: {  	p1 =	slt.u32 s9, $0xF7A;
	s5 =	simm.s32 @!p2 $0x0  }
0x1d: {  	s5 =	simm.s32 @p1 $0x1;
	p0 =	seq.s32 s7, s2  }
0x1e: {  	s7 =	smul.u32 @!p0 $0xF7A, s2;
	p2 =	seq.s32 @!p0 s5, $0x0  }
0x1f: {  	s9 =	smul.u32 $0xF7A, s1;
	s8 =	simm.s32 @!p0 $0x1BF5;
	p2 =	por !p2, p0  }
0x20: {  	[sflag:s8] =	ssyncset.s32 @!p0 $0xFFFFF086;
	s6 =	sadd.s32 @!p0 s3, s7;
	s7 =	simm.s32 @!p0 $0x108  }
0x21: {  	s3 =	sadd.s32 s3, s9;
	s6 =	sadd.s32 @!p0 $0x88, s6;
	s7 =	simm.s32 @p2 $0x1082  }
0x22: {  	[simem:s7], [sflag:s8] =	dma.local @!p0 [hbm:s6], $0xF7A  }
0x23: {  	s9 =	sor.u32 $0xD0000000, s2;
	s6 =	simm.s32 $0x108;
	_ =	swait.ge @!p0 [sflag:s8], $0x0  }
0x24: {  	s3 =	sadd.s32 $0x88, s3;
	s6 =	simm.s32 @!p1 $0x1082;
	[sflag:s4] =	ssyncset.s32 $0xFFFFF086  }
0x25: {  	[simem:s6], [sflag:s4] =	dma.local [hbm:s3], $0xF7A  }
0x26: {  	[smem:$0x3F9D] =	sst s1;
	(tag) =	ssettag s2;
	_ =	strace s9  }
0x27: {  	s1 =	sld [smem:$0x3FAD]  }
0x28: {  	s2 =	sld [smem:$0x3FAE]  }
0x29: {  	s4 =	sld [smem:$0x3FB0]  }
0x2a: {  	p0 =	seq.s32 s5, $0x0;
	s5 =	sld [smem:$0x3FB1]  }
0x2b: {  	s6 =	sld [smem:$0x3FB2]  }
0x2c: {  	s7 =	sld [smem:$0x3FB3]  }
0x2d: {  	s3 =	simm.s32 $0x108;
	s8 =	sld [smem:$0x3FB4]  }
0x2e: {  	s3 =	simm.s32 @!p0 $0x1082;
	s9 =	sld [smem:$0x3FB5]  }
0x2f: {  	lr =	sadd.s32 s0, s3;
	s0 =	sld [smem:$0x3FAC]  }
0x30: {  	s3 =	sld [smem:$0x3FAF]  }
0x31: {  	[smem:$0x3FB8] =	sst s10  }
0x32: {  	s10 =	sld [smem:$0x3FB6];
	_ =	sdelay $0x3  }
0x33: {  	p0 =	seq.s32 s10, $0x1;
	s10 =	sld [smem:$0x3FB8];
	_ =	sdelay $0x3  }
0x34: {  	[smem:$0x3FB8] =	sst s10  }
0x35: {  	s10 =	sld [smem:$0x3FB7];
	_ =	sdelay $0x3  }
0x36: {  	p1 =	seq.s32 s10, $0x1;
	s10 =	sld [smem:$0x3FB8];
	_ =	sdelay $0x3  }
0x37: {  	[smem:$0x3FB8] =	sst s10  }
0x38: {  	s10 =	sld [smem:$0x3FB9]  }
0x39: {  	_ = 	snop;
	(pc) =	sbr.ind lr, $3  }
0x3a: {  	_ = 	snop  }
0x3b: {  	_ = 	snop  }
0x3c: {  	p2 =	seq.s32 s10, $0x1;
	s10 =	sld [smem:$0x3FB8]  }
0x3d: {  	_ =	shalt  }
0x3e: {  	_ =	shalt  }
0x3f: {  	_ =	shalt  }
0x40: {  	_ =	shalt  }
0x41: {  	_ =	shalt  }
0x42: {  	_ =	shalt  }
0x43: {  	_ =	shalt  }
0x44: {  	_ =	shalt  }
0x45: {  	_ =	shalt  }
0x46: {  	_ =	shalt  }
0x47: {  	_ =	shalt  }
0x48: {  	_ =	shalt  }
0x49: {  	_ =	shalt  }
0x4a: {  	_ =	shalt  }
0x4b: {  	_ =	shalt  }
0x4c: {  	_ =	shalt  }
0x4d: {  	_ =	shalt  }
0x4e: {  	_ =	shalt  }
0x4f: {  	_ =	shalt  }
0x50: {  	_ =	shalt  }
0x51: {  	_ =	shalt  }
0x52: {  	_ =	shalt  }
0x53: {  	_ =	shalt  }
0x54: {  	_ =	shalt  }
0x55: {  	_ =	shalt  }
0x56: {  	_ =	shalt  }
0x57: {  	_ =	shalt  }
0x58: {  	_ =	shalt  }
0x59: {  	_ =	shalt  }
0x5a: {  	_ =	shalt  }
0x5b: {  	_ =	shalt  }
0x5c: {  	_ =	shalt  }
0x5d: {  	_ =	shalt  }
0x5e: {  	_ =	shalt  }
0x5f: {  	_ =	shalt  }
0x60: {  	_ =	shalt  }
0x61: {  	_ =	shalt  }
0x62: {  	_ =	shalt  }
0x63: {  	_ =	shalt  }
0x64: {  	_ =	shalt  }
0x65: {  	_ =	shalt  }
0x66: {  	_ =	shalt  }
0x67: {  	_ =	shalt  }
0x68: {  	_ =	shalt  }
0x69: {  	_ =	shalt  }
0x6a: {  	_ =	shalt  }
0x6b: {  	_ =	shalt  }
0x6c: {  	_ =	shalt  }
0x6d: {  	_ =	shalt  }
0x6e: {  	_ =	shalt  }
0x6f: {  	_ =	shalt  }
0x70: {  	_ =	shalt  }
0x71: {  	_ =	shalt  }
0x72: {  	_ =	shalt  }
0x73: {  	_ =	shalt  }
0x74: {  	_ =	shalt  }
0x75: {  	_ =	shalt  }
0x76: {  	_ =	shalt  }
0x77: {  	_ =	shalt  }
0x78: {  	_ =	shalt  }
0x79: {  	_ =	shalt  }
0x7a: {  	_ =	shalt  }
0x7b: {  	_ =	shalt  }
0x7c: {  	_ =	shalt  }
0x7d: {  	_ =	shalt  }
0x7e: {  	_ =	shalt  }
0x7f: {  	_ =	shalt  }
0x80: {  	_ =	shalt  }
0x81: {  	_ =	shalt  }
0x82: {  	_ =	shalt  }
0x83: {  	_ =	shalt  }
0x84: {  	_ =	shalt  }
0x85: {  	_ =	shalt  }
0x86: {  	_ =	shalt  }
0x87: {  	_ =	shalt  }
.Lfunc_end0:
.L_simem_size_0:
called_computation.2_lowered:
.L_overlay_start_0:
0x88: {  	s2 =	sld [smem:$0x3FD9]  }
0x89: {  	s3 =	sld [smem:$0x3FFE];
	_ =	sdelay $0x1  }
0x8a: {  	s1 =	srdreg.scid  }
0x8b: {  	s0 =	sand.u32 $0x1, s1  }
0x8c: {  	s17 =	sshll.u32 s0, $0xA;
	s2 =	sadd.s32 s3, s2  }
0x8d: {  	s2 =	sadd.s32 s2, s17  }
0x8e: {  	[smem:$0x3FC4] =	sst s2  }
0x8f: {  	_ = 	snop  }
0x90: {  	(tm) =	ssettm $0x1  }
0x91: {  	s18 =	sld [smem:$0x3FFB];
	_ =	sdelay $0x3  }
0x92: {  	_ =	strace s18  }
0x93: {  	s2 =	sld [smem:$0x3FFC];
	_ =	sdelay $0x3  }
0x94: {  	_ =	strace s2  }
0x95: {  	s2 =	sld [smem:$0x3FFD];
	_ =	sdelay $0x3  }
0x96: {  	_ =	strace s2  }
0x97: {  	_ =	strace $0x8FFFFFFF  }
0x98: {  	s19 =	sld [smem:$0x3FDB];
	_ =	sdelay $0x1  }
0x99: {  	s20 =	simm.s32 $_scs_section_size  }
0x9a: {  	s4 =	simm.s32 $_size__tile_overlayer_lowered;
	s5 =	simm.s32 $_tile_overlayer_lowered  }
0x9b: {  	s6 =	simm.s32 $0x1BFF;
	s21 =	sshll.u32 s5, $0x1;
	s3 =	sadd.s32 s20, s19  }
0x9c: {  	s22 =	simm.s32 $0x0;
	s4 =	sshll.u32 s4, $0x1;
	s5 =	sadd.s32 s21, s3  }
0x9d: {  	[timem:s22], [sflag:s6] =	dma.local [hbm:s5], s4  }
0x9e: {  	_ =	swait.ge [sflag:s6], s4  }
0x9f: {  	s4 =	ssub.s32 $0x0, s4;
	[sflag:s6] =	ssyncset.done $0x0  }
0xa0: {  	[sflag:s6] =	ssyncadd.s32 s4;
	_ =	sdelay $0x1  }
0xa1: {  	s23 =	simm.s32 $0x1B8B  }
0xa2: {  	_ =	swait.ge [sflag:s23], $0x1  }
0xa3: {  	[sflag:s23] =	ssyncset.done $0x0  }
0xa4: {  	[sflag:s23] =	ssyncadd.s32 $0xFFFFFFFF  }
0xa5: {  	s4 =	sld [smem:$0x0]  }
0xa6: {  	s5 =	sand.u32 $0xFFFFFFFE, s1  }
0xa7: {  	p0 =	sne.s32 s1, s5  }
0xa8: {  	s5 =	sshll.u32 @p0 s5, $0xE  }
0xa9: {  	s5 =	sadd.s32 @p0 $0x11B8D, s5;
	s6 =	sshll.u32 @p0 s4, $0x11  }
0xaa: {  	s5 =	sor.u32 @p0 s6, s5  }
0xab: {  	[sflag:s5] =	ssyncadd.remote.s32 @p0 $0x1;
	_ =	sdelay $0x1  }
0xac: {  	s5 =	simm.s32 @p0 $0x1B8D  }
0xad: {  	_ =	swait.eq @p0 [sflag:s5], $0x1  }
0xae: {  	[sflag:s5] =	ssyncadd.s32 @p0 $0xFFFFFFFF  }
0xaf: {  	s6 =	sshll.u32 @!p0 s1, $0xE  }
0xb0: {  	s6 =	sor.u32 @!p0 $0x4000, s6;
	s5 =	simm.s32 @!p0 $0x1B8D  }
0xb1: {  	s4 =	sshll.u32 @!p0 s4, $0x11;
	s6 =	sadd.s32 @!p0 $0x11B8D, s6;
	_ =	swait.eq @!p0 [sflag:s5], $0x1  }
0xb2: {  	s4 =	sor.u32 @!p0 s4, s6;
	[sflag:s5] =	ssyncadd.s32 @!p0 $0xFFFFFFFF  }
0xb3: {  	s25 =	simm.s32 $0x1B8E;
	s24 =	sld [smem:$0x3FFE];
	[sflag:s4] =	ssyncadd.remote.s32 @!p0 $0x1  }
0xb4: {  	s26 =	simm.s32 $execute0_lowered;
	[smem:$0x3FD2] =	sst s25  }
0xb5: {  	s5 =	sshll.u32 s26, $0x1;
	_ =	strace $0x80000049;
	[dreg:$0x1] =	wrdreg $0xFFFFFFFF  }
0xb6: {  	s28 =	simm.s32 $_size_execute0_lowered;
	s3 =	sadd.s32 s3, s5;
	[dreg:$0x0] =	wrdreg $0x0  }
0xb7: {  	s5 =	sshll.u32 s28, $0x1;
	[dreg:$0x2] =	wrdreg s3  }
0xb8: {  	[dreg:$0x3] =	wrdreg s5  }
0xb9: {  	[dreg:$0x4] =	wrdreg $0xC0  }
0xba: {  	_ =	task [dreg:s22], $0x5FFFF  }
0xbb: {  	[dreg:$0x1] =	wrdreg $0xFFFFFFFF  }
0xbc: {  	[dreg:$0x0] =	wrdreg $0x60  }
0xbd: {  	[dreg:$0x2] =	wrdreg s24  }
0xbe: {  	[dreg:$0x3] =	wrdreg $0x0  }
0xbf: {  	[dreg:$0x4] =	wrdreg $0xB  }
0xc0: {  	_ =	task.clear_ibuf [dreg:s22], $0x5FFFF;
	_ =	strace $0x90000049  }
0xc1: {  	s29 =	simm.s32 $0xB;
	_ =	strace $0x8000004B  }
0xc2: {  	_ =	swait.ge [sflag:s29], $0x1  }
0xc3: {  	[sflag:s29] =	ssyncadd.s32 $0xFFFFFFFF  }
0xc4: {  	_ =	strace $0x9000004B  }
0xc5: {  	_ =	sfence  }
0xc6: {  	s30 =	sld [smem:$0x0];
	_ =	sdelay $0x2  }
0xc7: {  	s31 =	sshll.u32 s1, $0xD;
	s1 =	sshrl.u32 s1, $0x2  }
0xc8: {  	s4 =	sand.u32 $0x4000, s31;
	s1 =	sadd.s32 s1, s30  }
0xc9: {  	s0 =	sor.u32 s4, s0;
	s1 =	sshll.u32 s1, $0x11  }
0xca: {  	s0 =	sor.u32 s1, s0  }
0xcb: {  	s0 =	sadd.s32 $0x8F2B, s0  }
0xcc: {  	[sflag:s0] =	ssyncadd.remote.s32 $0x1  }
0xcd: {  	_ =	sfence.sel $0xFFFF  }
0xce: {  	[dreg:$0x0] =	wrdreg $0xFFFFFFFF;
	(pc) =	sbr.abs _section_cstart, $3  }
0xcf: {  	[dreg:$0x1] =	wrdreg $0xFFFFFFFF  }
0xd0: {  	_ =	task.clear_ibuf [dreg:s22], $0x2FFFF;
	_ =	strace $0x9FFFFFFF  }
0xd1: {  	(tm) =	ssettm $0x7FFFFFFF  }
tec
execute0_lowered:
.L_overlay_start_1:
0x0: {  	(tag) =	ssettag $0x1  }
0x1: {  	s4 =	rddreg [dreg:$0x0];
	s0 =	srdreg.scid  }
0x2: {  	s10 =	stileid.u32;
	s1 =	rddreg [dreg:$0x1]  }
0x3: {  	s2 =	simm.s32 $0x0;
	s14 =	simm.s32 $0x16080;
	s15 =	simm.s32 $0x13900  }
0x4: {  	s16 =	simm.s32 $0x1A080;
	s17 =	simm.s32 $0x1;
	s18 =	simm.s32 $0x2  }
0x5: {  	s19 =	simm.s32 $0x3;
	s20 =	simm.s32 $0x4;
	s21 =	simm.s32 $0x0  }
0x6: {  	s5 =	sand.u32 $0x1, s0;
	s3 =	sshll.u32 s10, $0x1;
	s0 =	rddreg [dreg:$0x2]  }
0x7: {  	[smem:$0x7FF] =	sst s2;
	s8 =	smul.u32 $0x12, s10;
	s12 =	sadd.s32 $0x586800, s4  }
0x8: {  	s3 =	sor.u32 s5, s3;
	s11 =	ssub.s32 $0x2, s5;
	s5 =	smul.u32 $0x9, s5  }
0x9: {  	p0 =	slt.u32 s10, $0xD;
	_ =	strace $0x8000004A;
	s6 =	smul.u32 $0x9, s3  }
0xa: {  	s7 =	smin.u32 s3, $0x1A;
	s3 =	sadd.s32 $0x28C00, s4;
	s13 =	sshrl.u32 s11, $0x1  }
0xb: {  	s5 =	sadd.s32 s5, s8;
	s29 =	ssub.s32 s11, s13;
	s11 =	simm.s32 $0x5  }
0xc: {  	s13 =	simm.s32 $0x80;
	s6 =	sadd.s32 s7, s6;
	s7 =	sadd.s32 s7, s5  }
0xd: {  	s9 =	sshll.u32 s6, $0x7;
	s30 =	sshll.u32 s6, $0xE;
	s31 =	sshll.u32 s7, $0xE  }
0xe: {  	s6 =	smax.u32 s29, $0x1;
	s9 =	sadd.s32 s9, s4;
	s4 =	simm.s32 $0x27  }
0xf: {  	s7 =	sadd.s32 s12, s30;
	s4 =	simm.s32 @!p0 $0x23;
	s5 =	sadd.s32 $0x80E00, s9  }
0x10: {  	s9 =	sadd.s32 s31, s12;
	s8 =	sadd.s32 $0x800, s7;
	p0 =	sne.s32 s10, $0x0  }
0x11: {  	s10 =	simm.s32 $0x13880;
	s9 =	sadd.s32 $0x1800, s9;
	s12 =	sshrl.u32 @!p0 s1, $0x3  }
.LBB2_1:
0x12: {  	[tilespmem:s10], [sflag:$0x5] =	stream.linear.gather [hbm4b:s5+s2], $0x2800, $0x38;
	[tilespmem:$0x1E080] =	vst v63  }
0x13: {  	_ =	swait.ge [sflag:s11], $0x2800  }
0x14: {  	[sflag:s11] =	ssyncset.done $0x0  }
0x15: {  	s22 =	simm.s32 @!p0 $0x1C05;
	[sflag:s11] =	ssyncadd.s32 $0xFFFFD800  }
0x16: {  	[spmem:s12], [sflag:s22] =	dma.local @!p0 [hbm:s3], $0x27100  }
0x17: {  	s22 =	simm.s32 @!p0 $0x5  }
0x18: {  	_ =	swait.ge @!p0 [sflag:s22], $0x27100  }
0x19: {  	[sflag:s22] =	ssyncset.done @!p0 $0x0  }
0x1a: {  	[sflag:s22] =	ssyncadd.s32 @!p0 $0xFFFD8F00  }
0x1b: {  	[bflag:$0x0] =	sbarrier.arrive $0xFFFF  }
0x1c: {  	[tilespmem:s14], [sflag:$0x1] =	stream.indirect.gather [spmem:s1], $0x80, s10, s13, $0xb8;
	[tilespmem:$0x1E080] =	vst v63  }
0x1d: {  	_ = 	snop  }
0x1e: {  	[tilespmem:s16], [sflag:$0x2] =	stream.indirect.gather [spmem:s1], $0x80, s15, s13, $0xb8;
	[tilespmem:$0x1E080] =	vst v63  }
0x1f: {  	_ =	swait.ge [sflag:s17], $0x4000  }
0x20: {  	[sflag:s17] =	ssyncset.done $0x0  }
0x21: {  	[sflag:s17] =	ssyncadd.s32 $0xFFFFC000  }
0x22: {  	[hbm4b:s7+s2] =	stream.linear.scatter [tilespmem:s14], [sflag:$0x3], $0x4000, $0x38;
	[tilespmem:$0x1E080] =	vst v63  }
0x23: {  	_ =	swait.ge [sflag:s18], $0x4000  }
0x24: {  	[sflag:s18] =	ssyncset.done $0x0  }
0x25: {  	[sflag:s18] =	ssyncadd.s32 $0xFFFFC000  }
0x26: {  	[hbm4b:s8+s2] =	stream.linear.scatter [tilespmem:s16], [sflag:$0x4], $0x4000, $0x38;
	[tilespmem:$0x1E080] =	vst v63  }
0x27: {  	_ =	swait.ge [sflag:s19], $0x4000  }
0x28: {  	[sflag:s19] =	ssyncset.done $0x0  }
0x29: {  	[sflag:s19] =	ssyncadd.s32 $0xFFFFC000  }
0x2a: {  	_ =	swait.ge [sflag:s20], $0x4000  }
0x2b: {  	[sflag:s20] =	ssyncset.done $0x0  }
0x2c: {  	s29 =	simm.s32 $0x13980;
	[sflag:s20] =	ssyncadd.s32 $0xFFFFC000  }
0x2d: {  	[tilespmem:s14], [sflag:$0x1] =	stream.indirect.gather [spmem:s1], $0x80, s29, s13, $0xb8;
	[tilespmem:$0x1E080] =	vst v63  }
0x2e: {  	s30 =	simm.s32 $0x13A00  }
0x2f: {  	[tilespmem:s16], [sflag:$0x2] =	stream.indirect.gather [spmem:s1], $0x80, s30, s13, $0xb8;
	[tilespmem:$0x1E080] =	vst v63  }
0x30: {  	_ =	swait.ge [sflag:s17], $0x4000  }
0x31: {  	p1 =	sne.s32 s4, $0x1;
	[sflag:s17] =	ssyncset.done $0x0  }
.Ltmp0:
0x32: {  	s31 =	sadd.s32 $0xFFFFF800, s9;
	[sflag:s17] =	ssyncadd.s32 $0xFFFFC000;
	(pc) =	sbr.rel @!p1 .LBB2_3-.Ltmp0, $4  }
0x33: {  	[hbm4b:s31+s2] =	stream.linear.scatter [tilespmem:s14], [sflag:$0x3], $0x4000, $0x38;
	[tilespmem:$0x1E080] =	vst v63  }
0x34: {  	_ =	swait.ge [sflag:s18], $0x4000  }
0x35: {  	s23 =	sadd.s32 $0x1000, s9;
	s24 =	simm.s32 $0x13B00;
	[sflag:s18] =	ssyncset.done $0x0  }
0x36: {  	s25 =	smov.u32 s9;
	s22 =	sadd.s32 $0xFFFFFFFF, s4;
	[sflag:s18] =	ssyncadd.s32 $0xFFFFC000  }
.LBB2_2:
0x37: {  	[hbm4b:s25+s2] =	stream.linear.scatter [tilespmem:s16], [sflag:$0x4], $0x4000, $0x38;
	[tilespmem:$0x1E080] =	vst v63  }
0x38: {  	p1 =	sne.s32 s22, $0x1;
	s22 =	sadd.s32 $0xFFFFFFFF, s22;
	_ =	swait.ge [sflag:s19], $0x4000  }
0x39: {  	s25 =	smov.u32 s23;
	[sflag:s19] =	ssyncset.done $0x0  }
0x3a: {  	[sflag:s19] =	ssyncadd.s32 $0xFFFFC000  }
0x3b: {  	_ =	swait.ge [sflag:s20], $0x4000  }
0x3c: {  	[sflag:s20] =	ssyncset.done $0x0  }
0x3d: {  	s26 =	sadd.s32 $0xFFFFFF80, s24;
	[sflag:s20] =	ssyncadd.s32 $0xFFFFC000  }
0x3e: {  	[tilespmem:s14], [sflag:$0x1] =	stream.indirect.gather [spmem:s1], $0x80, s26, s13, $0xb8;
	[tilespmem:$0x1E080] =	vst v63  }
0x3f: {  	_ = 	snop  }
0x40: {  	[tilespmem:s16], [sflag:$0x2] =	stream.indirect.gather [spmem:s1], $0x80, s24, s13, $0xb8;
	[tilespmem:$0x1E080] =	vst v63  }
0x41: {  	_ =	swait.ge [sflag:s17], $0x4000  }
0x42: {  	[sflag:s17] =	ssyncset.done $0x0  }
.Ltmp1:
0x43: {  	s26 =	sadd.s32 $0xFFFFF800, s23;
	[sflag:s17] =	ssyncadd.s32 $0xFFFFC000;
	(pc) =	sbr.rel @p1 .LBB2_2-.Ltmp1, $4  }
0x44: {  	[hbm4b:s26+s2] =	stream.linear.scatter [tilespmem:s14], [sflag:$0x3], $0x4000, $0x38;
	[tilespmem:$0x1E080] =	vst v63  }
0x45: {  	_ =	swait.ge [sflag:s18], $0x4000  }
0x46: {  	[sflag:s18] =	ssyncset.done $0x0  }
0x47: {  	s23 =	sadd.s32 $0x1000, s23;
	s24 =	sadd.s32 $0x100, s24;
	[sflag:s18] =	ssyncadd.s32 $0xFFFFC000  }
.LBB2_3:
0x48: {  	[hbm4b:s25+s2] =	stream.linear.scatter [tilespmem:s16], [sflag:$0x4], $0x4000, $0x38;
	[tilespmem:$0x1E080] =	vst v63  }
0x49: {  	s21 =	sadd.s32 $0x1, s21  }
0x4a: {  	_ =	swait.ge [sflag:s19], $0x4000;
	p1 =	sne.s32 s21, s6  }
.Ltmp2:
0x4b: {  	[sflag:s19] =	ssyncset.done $0x0;
	(pc) =	sbr.rel @p1 .LBB2_1-.Ltmp2, $4  }
0x4c: {  	[sflag:s19] =	ssyncadd.s32 $0xFFFFC000  }
0x4d: {  	_ =	swait.ge [sflag:s20], $0x4000  }
0x4e: {  	[sflag:s20] =	ssyncset.done $0x0  }
0x4f: {  	[sflag:s20] =	ssyncadd.s32 $0xFFFFC000  }
0x50: {  	_ =	sfence.sel $0x180000  }
0x51: {  	[bflag:$0x0] =	sbarrier.arrive $0xFFFF  }
0x52: {  	_ =	strace $0x9000004A  }
0x53: {  	s0 =	sadd.s32 @!p0 $0x100000, s0;
	[bflag:$0x2] =	sbarrier.arrive $0xFFFF  }
0x54: {  	[sflag:s0] =	ssyncadd.tile.s32 @!p0 $0x1;
	_ =	shalt  }
.Lfunc_end2:
_tile_overlayer_lowered:
.L_overlay_start_2:
0x55: {  	(tag) =	ssettag $0x2  }
0x56: {  	s0 =	rddreg [dreg:$0x0];
	s2 =	stileid.u32  }
0x57: {  	s1 =	rddreg [dreg:$0x1];
	p0 =	sne.s32 s2, $0x0  }
0x58: {  	s3 =	rddreg [dreg:$0x2];
	[bflag:$0x3] =	sbarrier.arrive $0xFFFF;
	s2 =	simm.s32 @!p0 $0x1C05  }
0x59: {  	[timem:s3], [sflag:s2] =	dma.local @!p0 [hbm:s0], s1  }
0x5a: {  	s0 =	simm.s32 @!p0 $0x5  }
0x5b: {  	_ =	swait.ge @!p0 [sflag:s0], s1  }
0x5c: {  	s1 =	ssub.s32 @!p0 $0x0, s1;
	[sflag:s0] =	ssyncset.done @!p0 $0x0  }
0x5d: {  	[sflag:s0] =	ssyncadd.s32 @!p0 s1  }
0x5e: {  	[bflag:$0x3] =	sbarrier.arrive $0xFFFF  }
0x5f: {  	_ =	shalt  }

// kernel: kernel.19.cloned.1.call-start
scs
__scs_entry_jumppad:
0x0: {  	(pc) =	sbr.rel $0x88, $3  }
0x1: {  	(tag) =	ssettag $0x0;
	lr =	simm.s32 $0x1  }
0x2: {  	[smem:$0x3F9D] =	sst lr;
	_ =	strace $0xD0000000  }
0x3: {  	_ = 	snop  }
0x4: {  	_ = 	snop  }
0x5: {  	_ = 	snop  }
0x6: {  	_ = 	snop  }
0x7: {  	_ = 	snop  }
__scs_overlays_trampoline_lowered:
0x8: {  	[smem:$0x3FAC] =	sst s0  }
0x9: {  	[smem:$0x3FAD] =	sst s1  }
0xa: {  	[smem:$0x3FAE] =	sst s2  }
0xb: {  	[smem:$0x3FAF] =	sst s3  }
0xc: {  	[smem:$0x3FB0] =	sst s4  }
0xd: {  	[smem:$0x3FB1] =	sst s5  }
0xe: {  	[smem:$0x3FB2] =	sst s6  }
0xf: {  	[smem:$0x3FB3] =	sst s7  }
0x10: {  	[smem:$0x3FB4] =	sst s8  }
0x11: {  	[smem:$0x3FB5] =	sst s9;
	s0 =	simm.s32 @!p0 $0x0  }
0x12: {  	s1 =	sld [smem:$0x3F9B];
	s0 =	simm.s32 @p0 $0x1  }
0x13: {  	[smem:$0x3FB6] =	sst s0;
	s0 =	simm.s32 @!p1 $0x0  }
0x14: {  	s2 =	sld [smem:$0x3F9A];
	s0 =	simm.s32 @p1 $0x1  }
0x15: {  	[smem:$0x3FB7] =	sst s0;
	s0 =	simm.s32 @!p2 $0x0  }
0x16: {  	s3 =	sld [smem:$0x3FDB];
	s0 =	simm.s32 @p2 $0x1  }
0x17: {  	s4 =	simm.s32 $0x1BF5;
	[smem:$0x3FB9] =	sst s0  }
0x18: {  	s0 =	sld [smem:$0x3F9C];
	_ =	swait.ge [sflag:s4], $0x0  }
0x19: {  	s7 =	sld [smem:$0x3F9D]  }
0x1a: {  	s8 =	sadd.s32 $0xFFFFE003, lr  }
0x1b: {  	s9 =	sadd.s32 $0xFFFFFEF7, lr;
	s5 =	simm.s32 $0xFFFFFFFF;
	p2 =	slt.u32 s8, $0xFFFFF086  }
0x1c: {  	p1 =	slt.u32 s9, $0xF7A;
	s5 =	simm.s32 @!p2 $0x0  }
0x1d: {  	s5 =	simm.s32 @p1 $0x1;
	p0 =	seq.s32 s7, s2  }
0x1e: {  	s7 =	smul.u32 @!p0 $0xF7A, s2;
	p2 =	seq.s32 @!p0 s5, $0x0  }
0x1f: {  	s9 =	smul.u32 $0xF7A, s1;
	s8 =	simm.s32 @!p0 $0x1BF5;
	p2 =	por !p2, p0  }
0x20: {  	[sflag:s8] =	ssyncset.s32 @!p0 $0xFFFFF086;
	s6 =	sadd.s32 @!p0 s3, s7;
	s7 =	simm.s32 @!p0 $0x108  }
0x21: {  	s3 =	sadd.s32 s3, s9;
	s6 =	sadd.s32 @!p0 $0x88, s6;
	s7 =	simm.s32 @p2 $0x1082  }
0x22: {  	[simem:s7], [sflag:s8] =	dma.local @!p0 [hbm:s6], $0xF7A  }
0x23: {  	s9 =	sor.u32 $0xD0000000, s2;
	s6 =	simm.s32 $0x108;
	_ =	swait.ge @!p0 [sflag:s8], $0x0  }
0x24: {  	s3 =	sadd.s32 $0x88, s3;
	s6 =	simm.s32 @!p1 $0x1082;
	[sflag:s4] =	ssyncset.s32 $0xFFFFF086  }
0x25: {  	[simem:s6], [sflag:s4] =	dma.local [hbm:s3], $0xF7A  }
0x26: {  	[smem:$0x3F9D] =	sst s1;
	(tag) =	ssettag s2;
	_ =	strace s9  }
0x27: {  	s1 =	sld [smem:$0x3FAD]  }
0x28: {  	s2 =	sld [smem:$0x3FAE]  }
0x29: {  	s4 =	sld [smem:$0x3FB0]  }
0x2a: {  	p0 =	seq.s32 s5, $0x0;
	s5 =	sld [smem:$0x3FB1]  }
0x2b: {  	s6 =	sld [smem:$0x3FB2]  }
0x2c: {  	s7 =	sld [smem:$0x3FB3]  }
0x2d: {  	s3 =	simm.s32 $0x108;
	s8 =	sld [smem:$0x3FB4]  }
0x2e: {  	s3 =	simm.s32 @!p0 $0x1082;
	s9 =	sld [smem:$0x3FB5]  }
0x2f: {  	lr =	sadd.s32 s0, s3;
	s0 =	sld [smem:$0x3FAC]  }
0x30: {  	s3 =	sld [smem:$0x3FAF]  }
0x31: {  	[smem:$0x3FB8] =	sst s10  }
0x32: {  	s10 =	sld [smem:$0x3FB6];
	_ =	sdelay $0x3  }
0x33: {  	p0 =	seq.s32 s10, $0x1;
	s10 =	sld [smem:$0x3FB8];
	_ =	sdelay $0x3  }
0x34: {  	[smem:$0x3FB8] =	sst s10  }
0x35: {  	s10 =	sld [smem:$0x3FB7];
	_ =	sdelay $0x3  }
0x36: {  	p1 =	seq.s32 s10, $0x1;
	s10 =	sld [smem:$0x3FB8];
	_ =	sdelay $0x3  }
0x37: {  	[smem:$0x3FB8] =	sst s10  }
0x38: {  	s10 =	sld [smem:$0x3FB9]  }
0x39: {  	_ = 	snop;
	(pc) =	sbr.ind lr, $3  }
0x3a: {  	_ = 	snop  }
0x3b: {  	_ = 	snop  }
0x3c: {  	p2 =	seq.s32 s10, $0x1;
	s10 =	sld [smem:$0x3FB8]  }
0x3d: {  	_ =	shalt  }
0x3e: {  	_ =	shalt  }
0x3f: {  	_ =	shalt  }
0x40: {  	_ =	shalt  }
0x41: {  	_ =	shalt  }
0x42: {  	_ =	shalt  }
0x43: {  	_ =	shalt  }
0x44: {  	_ =	shalt  }
0x45: {  	_ =	shalt  }
0x46: {  	_ =	shalt  }
0x47: {  	_ =	shalt  }
0x48: {  	_ =	shalt  }
0x49: {  	_ =	shalt  }
0x4a: {  	_ =	shalt  }
0x4b: {  	_ =	shalt  }
0x4c: {  	_ =	shalt  }
0x4d: {  	_ =	shalt  }
0x4e: {  	_ =	shalt  }
0x4f: {  	_ =	shalt  }
0x50: {  	_ =	shalt  }
0x51: {  	_ =	shalt  }
0x52: {  	_ =	shalt  }
0x53: {  	_ =	shalt  }
0x54: {  	_ =	shalt  }
0x55: {  	_ =	shalt  }
0x56: {  	_ =	shalt  }
0x57: {  	_ =	shalt  }
0x58: {  	_ =	shalt  }
0x59: {  	_ =	shalt  }
0x5a: {  	_ =	shalt  }
0x5b: {  	_ =	shalt  }
0x5c: {  	_ =	shalt  }
0x5d: {  	_ =	shalt  }
0x5e: {  	_ =	shalt  }
0x5f: {  	_ =	shalt  }
0x60: {  	_ =	shalt  }
0x61: {  	_ =	shalt  }
0x62: {  	_ =	shalt  }
0x63: {  	_ =	shalt  }
0x64: {  	_ =	shalt  }
0x65: {  	_ =	shalt  }
0x66: {  	_ =	shalt  }
0x67: {  	_ =	shalt  }
0x68: {  	_ =	shalt  }
0x69: {  	_ =	shalt  }
0x6a: {  	_ =	shalt  }
0x6b: {  	_ =	shalt  }
0x6c: {  	_ =	shalt  }
0x6d: {  	_ =	shalt  }
0x6e: {  	_ =	shalt  }
0x6f: {  	_ =	shalt  }
0x70: {  	_ =	shalt  }
0x71: {  	_ =	shalt  }
0x72: {  	_ =	shalt  }
0x73: {  	_ =	shalt  }
0x74: {  	_ =	shalt  }
0x75: {  	_ =	shalt  }
0x76: {  	_ =	shalt  }
0x77: {  	_ =	shalt  }
0x78: {  	_ =	shalt  }
0x79: {  	_ =	shalt  }
0x7a: {  	_ =	shalt  }
0x7b: {  	_ =	shalt  }
0x7c: {  	_ =	shalt  }
0x7d: {  	_ =	shalt  }
0x7e: {  	_ =	shalt  }
0x7f: {  	_ =	shalt  }
0x80: {  	_ =	shalt  }
0x81: {  	_ =	shalt  }
0x82: {  	_ =	shalt  }
0x83: {  	_ =	shalt  }
0x84: {  	_ =	shalt  }
0x85: {  	_ =	shalt  }
0x86: {  	_ =	shalt  }
0x87: {  	_ =	shalt  }
.Lfunc_end0:
.L_simem_size_0:
called_computation.3_lowered:
.L_overlay_start_0:
0x88: {  	s2 =	sld [smem:$0x3FD9]  }
0x89: {  	s3 =	sld [smem:$0x3FFE];
	_ =	sdelay $0x1  }
0x8a: {  	s1 =	srdreg.scid  }
0x8b: {  	s0 =	sand.u32 $0x1, s1  }
0x8c: {  	s17 =	sshll.u32 s0, $0xA;
	s2 =	sadd.s32 s3, s2  }
0x8d: {  	s2 =	sadd.s32 s2, s17  }
0x8e: {  	[smem:$0x3FC4] =	sst s2  }
0x8f: {  	_ = 	snop  }
0x90: {  	(tm) =	ssettm $0x1  }
0x91: {  	s18 =	sld [smem:$0x3FFB];
	_ =	sdelay $0x3  }
0x92: {  	_ =	strace s18  }
0x93: {  	s2 =	sld [smem:$0x3FFC];
	_ =	sdelay $0x3  }
0x94: {  	_ =	strace s2  }
0x95: {  	s2 =	sld [smem:$0x3FFD];
	_ =	sdelay $0x3  }
0x96: {  	_ =	strace s2  }
0x97: {  	_ =	strace $0x8FFFFFFF  }
0x98: {  	s19 =	sld [smem:$0x3FDB];
	_ =	sdelay $0x1  }
0x99: {  	s20 =	simm.s32 $_scs_section_size  }
0x9a: {  	s4 =	simm.s32 $_size__tile_overlayer_lowered;
	s5 =	simm.s32 $_tile_overlayer_lowered  }
0x9b: {  	s6 =	simm.s32 $0x1BFF;
	s21 =	sshll.u32 s5, $0x1;
	s3 =	sadd.s32 s20, s19  }
0x9c: {  	s22 =	simm.s32 $0x0;
	s4 =	sshll.u32 s4, $0x1;
	s5 =	sadd.s32 s21, s3  }
0x9d: {  	[timem:s22], [sflag:s6] =	dma.local [hbm:s5], s4  }
0x9e: {  	_ =	swait.ge [sflag:s6], s4  }
0x9f: {  	s4 =	ssub.s32 $0x0, s4;
	[sflag:s6] =	ssyncset.done $0x0  }
0xa0: {  	[sflag:s6] =	ssyncadd.s32 s4;
	_ =	sdelay $0x1  }
0xa1: {  	s23 =	simm.s32 $0x1B8B  }
0xa2: {  	_ =	swait.ge [sflag:s23], $0x1  }
0xa3: {  	[sflag:s23] =	ssyncset.done $0x0  }
0xa4: {  	[sflag:s23] =	ssyncadd.s32 $0xFFFFFFFF  }
0xa5: {  	s4 =	sld [smem:$0x0]  }
0xa6: {  	s5 =	sand.u32 $0xFFFFFFFE, s1  }
0xa7: {  	p0 =	sne.s32 s1, s5  }
0xa8: {  	s5 =	sshll.u32 @p0 s5, $0xE  }
0xa9: {  	s5 =	sadd.s32 @p0 $0x11B8D, s5;
	s6 =	sshll.u32 @p0 s4, $0x11  }
0xaa: {  	s5 =	sor.u32 @p0 s6, s5  }
0xab: {  	[sflag:s5] =	ssyncadd.remote.s32 @p0 $0x1;
	_ =	sdelay $0x1  }
0xac: {  	s5 =	simm.s32 @p0 $0x1B8D  }
0xad: {  	_ =	swait.eq @p0 [sflag:s5], $0x1  }
0xae: {  	[sflag:s5] =	ssyncadd.s32 @p0 $0xFFFFFFFF  }
0xaf: {  	s6 =	sshll.u32 @!p0 s1, $0xE  }
0xb0: {  	s6 =	sor.u32 @!p0 $0x4000, s6;
	s5 =	simm.s32 @!p0 $0x1B8D  }
0xb1: {  	s4 =	sshll.u32 @!p0 s4, $0x11;
	s6 =	sadd.s32 @!p0 $0x11B8D, s6;
	_ =	swait.eq @!p0 [sflag:s5], $0x1  }
0xb2: {  	s4 =	sor.u32 @!p0 s4, s6;
	[sflag:s5] =	ssyncadd.s32 @!p0 $0xFFFFFFFF  }
0xb3: {  	s25 =	simm.s32 $0x1B8E;
	s24 =	sld [smem:$0x3FFE];
	[sflag:s4] =	ssyncadd.remote.s32 @!p0 $0x1  }
0xb4: {  	s26 =	simm.s32 $execute0_lowered;
	[smem:$0x3FD2] =	sst s25  }
0xb5: {  	s5 =	sshll.u32 s26, $0x1;
	_ =	strace $0x8000004C;
	[dreg:$0x1] =	wrdreg $0xFFFFFFFF  }
0xb6: {  	s28 =	simm.s32 $_size_execute0_lowered;
	s3 =	sadd.s32 s3, s5;
	[dreg:$0x0] =	wrdreg $0x0  }
0xb7: {  	s5 =	sshll.u32 s28, $0x1;
	[dreg:$0x2] =	wrdreg s3  }
0xb8: {  	[dreg:$0x3] =	wrdreg s5  }
0xb9: {  	[dreg:$0x4] =	wrdreg $0xC0  }
0xba: {  	_ =	task [dreg:s22], $0x5FFFF  }
0xbb: {  	[dreg:$0x1] =	wrdreg $0xFFFFFFFF  }
0xbc: {  	[dreg:$0x0] =	wrdreg $0x60  }
0xbd: {  	[dreg:$0x2] =	wrdreg s24  }
0xbe: {  	[dreg:$0x3] =	wrdreg $0x0  }
0xbf: {  	[dreg:$0x4] =	wrdreg $0xC  }
0xc0: {  	_ =	task.clear_ibuf [dreg:s22], $0x5FFFF;
	_ =	strace $0x9000004C  }
0xc1: {  	s29 =	simm.s32 $0xC;
	_ =	strace $0x8000004E  }
0xc2: {  	_ =	swait.ge [sflag:s29], $0x1  }
0xc3: {  	[sflag:s29] =	ssyncadd.s32 $0xFFFFFFFF  }
0xc4: {  	_ =	strace $0x9000004E  }
0xc5: {  	_ =	sfence  }
0xc6: {  	s30 =	sld [smem:$0x0];
	_ =	sdelay $0x2  }
0xc7: {  	s31 =	sshll.u32 s1, $0xD;
	s1 =	sshrl.u32 s1, $0x2  }
0xc8: {  	s4 =	sand.u32 $0x4000, s31;
	s1 =	sadd.s32 s1, s30  }
0xc9: {  	s0 =	sor.u32 s4, s0;
	s1 =	sshll.u32 s1, $0x11  }
0xca: {  	s0 =	sor.u32 s1, s0  }
0xcb: {  	s0 =	sadd.s32 $0x8F2B, s0  }
0xcc: {  	[sflag:s0] =	ssyncadd.remote.s32 $0x1  }
0xcd: {  	_ =	sfence.sel $0xFFFF  }
0xce: {  	[dreg:$0x0] =	wrdreg $0xFFFFFFFF;
	(pc) =	sbr.abs _section_cstart, $3  }
0xcf: {  	[dreg:$0x1] =	wrdreg $0xFFFFFFFF  }
0xd0: {  	_ =	task.clear_ibuf [dreg:s22], $0x2FFFF;
	_ =	strace $0x9FFFFFFF  }
0xd1: {  	(tm) =	ssettm $0x7FFFFFFF  }
tec
execute0_lowered:
.L_overlay_start_1:
0x0: {  	(tag) =	ssettag $0x1  }
0x1: {  	s4 =	rddreg [dreg:$0x0];
	s0 =	srdreg.scid  }
0x2: {  	s10 =	stileid.u32;
	s1 =	rddreg [dreg:$0x1]  }
0x3: {  	s2 =	simm.s32 $0x0;
	s14 =	simm.s32 $0x16080;
	s15 =	simm.s32 $0x13900  }
0x4: {  	s16 =	simm.s32 $0x1A080;
	s17 =	simm.s32 $0x1;
	s18 =	simm.s32 $0x2  }
0x5: {  	s19 =	simm.s32 $0x3;
	s20 =	simm.s32 $0x4;
	s21 =	simm.s32 $0x0  }
0x6: {  	s5 =	sand.u32 $0x1, s0;
	s3 =	sshll.u32 s10, $0x1;
	s0 =	rddreg [dreg:$0x2]  }
0x7: {  	[smem:$0x7FF] =	sst s2;
	s8 =	smul.u32 $0x12, s10;
	s12 =	sadd.s32 $0xA6E800, s4  }
0x8: {  	s3 =	sor.u32 s5, s3;
	s11 =	ssub.s32 $0x2, s5;
	s5 =	smul.u32 $0x9, s5  }
0x9: {  	p0 =	slt.u32 s10, $0xD;
	_ =	strace $0x8000004D;
	s6 =	smul.u32 $0x9, s3  }
0xa: {  	s7 =	smin.u32 s3, $0x1A;
	s3 =	sadd.s32 $0x4FE00, s4;
	s13 =	sshrl.u32 s11, $0x1  }
0xb: {  	s5 =	sadd.s32 s5, s8;
	s29 =	ssub.s32 s11, s13;
	s11 =	simm.s32 $0x5  }
0xc: {  	s13 =	simm.s32 $0x80;
	s6 =	sadd.s32 s7, s6;
	s7 =	sadd.s32 s7, s5  }
0xd: {  	s9 =	sshll.u32 s6, $0x7;
	s30 =	sshll.u32 s6, $0xE;
	s31 =	sshll.u32 s7, $0xE  }
0xe: {  	s6 =	smax.u32 s29, $0x1;
	s9 =	sadd.s32 s9, s4;
	s4 =	simm.s32 $0x27  }
0xf: {  	s7 =	sadd.s32 s12, s30;
	s4 =	simm.s32 @!p0 $0x23;
	s5 =	sadd.s32 $0x8AC00, s9  }
0x10: {  	s9 =	sadd.s32 s31, s12;
	s8 =	sadd.s32 $0x800, s7;
	p0 =	sne.s32 s10, $0x0  }
0x11: {  	s10 =	simm.s32 $0x13880;
	s9 =	sadd.s32 $0x1800, s9;
	s12 =	sshrl.u32 @!p0 s1, $0x3  }
.LBB2_1:
0x12: {  	[tilespmem:s10], [sflag:$0x5] =	stream.linear.gather [hbm4b:s5+s2], $0x2800, $0x38;
	[tilespmem:$0x1E080] =	vst v63  }
0x13: {  	_ =	swait.ge [sflag:s11], $0x2800  }
0x14: {  	[sflag:s11] =	ssyncset.done $0x0  }
0x15: {  	s22 =	simm.s32 @!p0 $0x1C05;
	[sflag:s11] =	ssyncadd.s32 $0xFFFFD800  }
0x16: {  	[spmem:s12], [sflag:s22] =	dma.local @!p0 [hbm:s3], $0x27100  }
0x17: {  	s22 =	simm.s32 @!p0 $0x5  }
0x18: {  	_ =	swait.ge @!p0 [sflag:s22], $0x27100  }
0x19: {  	[sflag:s22] =	ssyncset.done @!p0 $0x0  }
0x1a: {  	[sflag:s22] =	ssyncadd.s32 @!p0 $0xFFFD8F00  }
0x1b: {  	[bflag:$0x0] =	sbarrier.arrive $0xFFFF  }
0x1c: {  	[tilespmem:s14], [sflag:$0x1] =	stream.indirect.gather [spmem:s1], $0x80, s10, s13, $0xb8;
	[tilespmem:$0x1E080] =	vst v63  }
0x1d: {  	_ = 	snop  }
0x1e: {  	[tilespmem:s16], [sflag:$0x2] =	stream.indirect.gather [spmem:s1], $0x80, s15, s13, $0xb8;
	[tilespmem:$0x1E080] =	vst v63  }
0x1f: {  	_ =	swait.ge [sflag:s17], $0x4000  }
0x20: {  	[sflag:s17] =	ssyncset.done $0x0  }
0x21: {  	[sflag:s17] =	ssyncadd.s32 $0xFFFFC000  }
0x22: {  	[hbm4b:s7+s2] =	stream.linear.scatter [tilespmem:s14], [sflag:$0x3], $0x4000, $0x38;
	[tilespmem:$0x1E080] =	vst v63  }
0x23: {  	_ =	swait.ge [sflag:s18], $0x4000  }
0x24: {  	[sflag:s18] =	ssyncset.done $0x0  }
0x25: {  	[sflag:s18] =	ssyncadd.s32 $0xFFFFC000  }
0x26: {  	[hbm4b:s8+s2] =	stream.linear.scatter [tilespmem:s16], [sflag:$0x4], $0x4000, $0x38;
	[tilespmem:$0x1E080] =	vst v63  }
0x27: {  	_ =	swait.ge [sflag:s19], $0x4000  }
0x28: {  	[sflag:s19] =	ssyncset.done $0x0  }
0x29: {  	[sflag:s19] =	ssyncadd.s32 $0xFFFFC000  }
0x2a: {  	_ =	swait.ge [sflag:s20], $0x4000  }
0x2b: {  	[sflag:s20] =	ssyncset.done $0x0  }
0x2c: {  	s29 =	simm.s32 $0x13980;
	[sflag:s20] =	ssyncadd.s32 $0xFFFFC000  }
0x2d: {  	[tilespmem:s14], [sflag:$0x1] =	stream.indirect.gather [spmem:s1], $0x80, s29, s13, $0xb8;
	[tilespmem:$0x1E080] =	vst v63  }
0x2e: {  	s30 =	simm.s32 $0x13A00  }
0x2f: {  	[tilespmem:s16], [sflag:$0x2] =	stream.indirect.gather [spmem:s1], $0x80, s30, s13, $0xb8;
	[tilespmem:$0x1E080] =	vst v63  }
0x30: {  	_ =	swait.ge [sflag:s17], $0x4000  }
0x31: {  	p1 =	sne.s32 s4, $0x1;
	[sflag:s17] =	ssyncset.done $0x0  }
.Ltmp0:
0x32: {  	s31 =	sadd.s32 $0xFFFFF800, s9;
	[sflag:s17] =	ssyncadd.s32 $0xFFFFC000;
	(pc) =	sbr.rel @!p1 .LBB2_3-.Ltmp0, $4  }
0x33: {  	[hbm4b:s31+s2] =	stream.linear.scatter [tilespmem:s14], [sflag:$0x3], $0x4000, $0x38;
	[tilespmem:$0x1E080] =	vst v63  }
0x34: {  	_ =	swait.ge [sflag:s18], $0x4000  }
0x35: {  	s23 =	sadd.s32 $0x1000, s9;
	s24 =	simm.s32 $0x13B00;
	[sflag:s18] =	ssyncset.done $0x0  }
0x36: {  	s25 =	smov.u32 s9;
	s22 =	sadd.s32 $0xFFFFFFFF, s4;
	[sflag:s18] =	ssyncadd.s32 $0xFFFFC000  }
.LBB2_2:
0x37: {  	[hbm4b:s25+s2] =	stream.linear.scatter [tilespmem:s16], [sflag:$0x4], $0x4000, $0x38;
	[tilespmem:$0x1E080] =	vst v63  }
0x38: {  	p1 =	sne.s32 s22, $0x1;
	s22 =	sadd.s32 $0xFFFFFFFF, s22;
	_ =	swait.ge [sflag:s19], $0x4000  }
0x39: {  	s25 =	smov.u32 s23;
	[sflag:s19] =	ssyncset.done $0x0  }
0x3a: {  	[sflag:s19] =	ssyncadd.s32 $0xFFFFC000  }
0x3b: {  	_ =	swait.ge [sflag:s20], $0x4000  }
0x3c: {  	[sflag:s20] =	ssyncset.done $0x0  }
0x3d: {  	s26 =	sadd.s32 $0xFFFFFF80, s24;
	[sflag:s20] =	ssyncadd.s32 $0xFFFFC000  }
0x3e: {  	[tilespmem:s14], [sflag:$0x1] =	stream.indirect.gather [spmem:s1], $0x80, s26, s13, $0xb8;
	[tilespmem:$0x1E080] =	vst v63  }
0x3f: {  	_ = 	snop  }
0x40: {  	[tilespmem:s16], [sflag:$0x2] =	stream.indirect.gather [spmem:s1], $0x80, s24, s13, $0xb8;
	[tilespmem:$0x1E080] =	vst v63  }
0x41: {  	_ =	swait.ge [sflag:s17], $0x4000  }
0x42: {  	[sflag:s17] =	ssyncset.done $0x0  }
.Ltmp1:
0x43: {  	s26 =	sadd.s32 $0xFFFFF800, s23;
	[sflag:s17] =	ssyncadd.s32 $0xFFFFC000;
	(pc) =	sbr.rel @p1 .LBB2_2-.Ltmp1, $4  }
0x44: {  	[hbm4b:s26+s2] =	stream.linear.scatter [tilespmem:s14], [sflag:$0x3], $0x4000, $0x38;
	[tilespmem:$0x1E080] =	vst v63  }
0x45: {  	_ =	swait.ge [sflag:s18], $0x4000  }
0x46: {  	[sflag:s18] =	ssyncset.done $0x0  }
0x47: {  	s23 =	sadd.s32 $0x1000, s23;
	s24 =	sadd.s32 $0x100, s24;
	[sflag:s18] =	ssyncadd.s32 $0xFFFFC000  }
.LBB2_3:
0x48: {  	[hbm4b:s25+s2] =	stream.linear.scatter [tilespmem:s16], [sflag:$0x4], $0x4000, $0x38;
	[tilespmem:$0x1E080] =	vst v63  }
0x49: {  	s21 =	sadd.s32 $0x1, s21  }
0x4a: {  	_ =	swait.ge [sflag:s19], $0x4000;
	p1 =	sne.s32 s21, s6  }
.Ltmp2:
0x4b: {  	[sflag:s19] =	ssyncset.done $0x0;
	(pc) =	sbr.rel @p1 .LBB2_1-.Ltmp2, $4  }
0x4c: {  	[sflag:s19] =	ssyncadd.s32 $0xFFFFC000  }
0x4d: {  	_ =	swait.ge [sflag:s20], $0x4000  }
0x4e: {  	[sflag:s20] =	ssyncset.done $0x0  }
0x4f: {  	[sflag:s20] =	ssyncadd.s32 $0xFFFFC000  }
0x50: {  	_ =	sfence.sel $0x180000  }
0x51: {  	[bflag:$0x0] =	sbarrier.arrive $0xFFFF  }
0x52: {  	_ =	strace $0x9000004D  }
0x53: {  	s0 =	sadd.s32 @!p0 $0x100000, s0;
	[bflag:$0x2] =	sbarrier.arrive $0xFFFF  }
0x54: {  	[sflag:s0] =	ssyncadd.tile.s32 @!p0 $0x1;
	_ =	shalt  }
.Lfunc_end2:
_tile_overlayer_lowered:
.L_overlay_start_2:
0x55: {  	(tag) =	ssettag $0x2  }
0x56: {  	s0 =	rddreg [dreg:$0x0];
	s2 =	stileid.u32  }
0x57: {  	s1 =	rddreg [dreg:$0x1];
	p0 =	sne.s32 s2, $0x0  }
0x58: {  	s3 =	rddreg [dreg:$0x2];
	[bflag:$0x3] =	sbarrier.arrive $0xFFFF;
	s2 =	simm.s32 @!p0 $0x1C05  }
0x59: {  	[timem:s3], [sflag:s2] =	dma.local @!p0 [hbm:s0], s1  }
0x5a: {  	s0 =	simm.s32 @!p0 $0x5  }
0x5b: {  	_ =	swait.ge @!p0 [sflag:s0], s1  }
0x5c: {  	s1 =	ssub.s32 @!p0 $0x0, s1;
	[sflag:s0] =	ssyncset.done @!p0 $0x0  }
0x5d: {  	[sflag:s0] =	ssyncadd.s32 @!p0 s1  }
0x5e: {  	[bflag:$0x3] =	sbarrier.arrive $0xFFFF  }
0x5f: {  	_ =	shalt  }

</sc_bundles>
